<compile_context>
chip_gen: v7x
topology: tpu7x:2x2x1
jax: 0.10.2.dev20260603
libtpu: 0.0.44.dev20260713+nightly
codegen_flags: <defaults>
</compile_context>

<pallas_src>
import jax
import jax.numpy as jnp
from jax import lax
from jax.experimental import pallas as pl
from jax.experimental.pallas import tpu as pltpu
from jax.experimental.pallas import tpu_sc as plsc

N = 10000
D = 128
DH = D // 2
E = 320000
NP = 10240
NC = 2
NS = 16
NW = NC * NS
CH = 125
CPW = E // NS // CH
RT = NP // NS
SB = 80

_mesh = plsc.VectorSubcoreMesh(core_axis_name="c", subcore_axis_name="s")

_f32 = jnp.float32


def _pipeline_phase(src_ref, gidx_hbm, sidx_hbm, gbase, sbase, acc, cnt,
                    gab, eab, rows, onesv, semi, semg, semo, sems,
                    cnt_parity=None):

    def idx_load(j):
        slot = lax.rem(j, 6)
        sslot = lax.rem(j, 3)
        pltpu.async_copy(gidx_hbm.at[gbase + j], gab.at[slot],
                         semi.at[sslot])
        pltpu.async_copy(sidx_hbm.at[sbase + j], eab.at[slot],
                         semi.at[sslot])

    def idx_wait(j):
        sslot = lax.rem(j, 3)
        pltpu.make_async_copy(gidx_hbm.at[0], gab.at[0],
                              semi.at[sslot]).wait()
        pltpu.make_async_copy(sidx_hbm.at[0], eab.at[0],
                              semi.at[sslot]).wait()

    def gather(j):
        pltpu.async_copy(src_ref.at[gab.at[lax.rem(j, 6)]],
                         rows.at[lax.rem(j, 4)], semg.at[lax.rem(j, 3)])

    def gather_wait(j):
        pltpu.make_async_copy(src_ref.at[pl.ds(0, CH)], rows.at[0],
                              semg.at[lax.rem(j, 3)]).wait()

    def scat_drain(j):
        pltpu.make_async_copy(rows.at[0], acc.at[eab.at[0]],
                              sems.at[lax.rem(j, 2)]).wait()

    def ones_drain(j):
        pltpu.make_async_copy(onesv, cnt.at[eab.at[0]],
                              semo.at[lax.rem(j, 2)]).wait()

    idx_load(0)
    idx_load(1)
    idx_load(2)
    idx_wait(0)
    gather(0)
    idx_wait(1)
    gather(1)

    def body(j, carry):
        @pl.when(j >= 2)
        def _():
            scat_drain(j)

        if cnt_parity is None:
            @pl.when(j >= 2)
            def _():
                ones_drain(j)
        else:
            @pl.when((j >= 2) & (lax.rem(j, 2) == cnt_parity))
            def _():
                ones_drain(j)

        @pl.when(j + 3 < CPW)
        def _():
            idx_load(j + 3)

        @pl.when(j + 2 < CPW)
        def _():
            idx_wait(j + 2)
            gather(j + 2)

        gather_wait(j)
        slot = lax.rem(j, 6)
        pltpu.async_copy(rows.at[lax.rem(j, 4)], acc.at[eab.at[slot]],
                         sems.at[lax.rem(j, 2)], add=True)
        if cnt_parity is None:
            pltpu.async_copy(onesv, cnt.at[eab.at[slot]],
                             semo.at[lax.rem(j, 2)], add=True)
        else:
            @pl.when(lax.rem(j, 2) == cnt_parity)
            def _():
                pltpu.async_copy(onesv, cnt.at[eab.at[slot]],
                                 semo.at[lax.rem(j, 2)], add=True)
        return carry

    lax.fori_loop(0, CPW, body, 0)
    scat_drain(CPW - 2)
    scat_drain(CPW - 1)
    if cnt_parity is None:
        ones_drain(CPW - 2)
        ones_drain(CPW - 1)
    else:
        @pl.when(cnt_parity == 0)
        def _():
            ones_drain(0)

        @pl.when(cnt_parity == 1)
        def _():
            ones_drain(1)


def _sc_body(xs_hbm, ga_hbm, e3_hbm, eb_hbm, n3_hbm, zrow_hbm, zcnt_hbm,
             ones_hbm,
             o_out, dn_out, e_out,
             gab, eab, rows, onesv, cv, accA, accB, cnt,
             semi, semg, semo, sems):
    cidx = lax.axis_index("c")
    sidx = lax.axis_index("s")
    w = cidx * NS + sidx
    pltpu.sync_copy(zrow_hbm, accA.at[pl.ds(sidx * RT, RT)])
    pltpu.sync_copy(zrow_hbm, accB.at[pl.ds(sidx * RT, RT)])
    pltpu.sync_copy(zcnt_hbm, cnt.at[pl.ds(sidx * RT, RT)])
    pltpu.sync_copy(ones_hbm, onesv)
    plsc.subcore_barrier()

    _pipeline_phase(xs_hbm, ga_hbm, e3_hbm, w * CPW, sidx * CPW, accA, cnt,
                    gab, eab, rows, onesv, semi, semg, semo, sems)
    plsc.subcore_barrier()

    NBLK = RT // SB

    def s_load(p):
        base_r = sidx * RT + p * SB
        sslot = lax.rem(p, 3)
        pltpu.async_copy(accA.at[pl.ds(base_r, SB)],
                         rows.at[lax.rem(p, 2), pl.ds(0, SB)],
                         semg.at[sslot])
        pltpu.async_copy(cnt.at[pl.ds(base_r, SB)],
                         cv.at[lax.rem(p, 2)], semi.at[sslot])

    def s_wait(p):
        sslot = lax.rem(p, 3)
        pltpu.make_async_copy(accA.at[pl.ds(0, SB)],
                              rows.at[0, pl.ds(0, SB)],
                              semg.at[sslot]).wait()
        pltpu.make_async_copy(cnt.at[pl.ds(0, SB)], cv.at[0],
                              semi.at[sslot]).wait()

    def s_drain_store(p):
        pltpu.make_async_copy(rows.at[0, pl.ds(0, SB)],
                              e_out.at[pl.ds(0, SB)],
                              sems.at[lax.rem(p, 2)]).wait()

    s_load(0)

    def blk_s(p, carry):
        @pl.when(p >= 1)
        def _():
            s_drain_store(p - 1)

        @pl.when(p + 1 < NBLK)
        def _():
            s_load(p + 1)

        s_wait(p)
        slot = lax.rem(p, 2)

        def body_s(r, c2):
            c16 = cv[slot, r]
            c16 = jnp.where(c16 == 0.0, 1.0, c16)
            for k in range(DH // 16):
                rows[slot, r, pl.ds(k * 16, 16)] = (
                    rows[slot, r, pl.ds(k * 16, 16)] / c16)
            return c2

        lax.fori_loop(0, SB, body_s, 0)
        base_r = sidx * RT + p * SB
        pltpu.async_copy(rows.at[slot, pl.ds(0, SB)],
                         e_out.at[pl.ds(cidx * NP + base_r, SB)],
                         sems.at[lax.rem(p, 2)])
        return carry

    lax.fori_loop(0, NBLK, blk_s, 0)
    s_drain_store(NBLK - 1)
    pltpu.sync_copy(zcnt_hbm, cnt.at[pl.ds(sidx * RT, RT)])
    plsc.subcore_barrier()

    _pipeline_phase(e_out, eb_hbm, n3_hbm, w * CPW, sidx * CPW, accB, cnt,
                    gab, eab, rows, onesv, semi, semg, semo, sems,
                    cnt_parity=cidx)
    plsc.subcore_barrier()

    base = cidx * NP + sidx * RT
    pltpu.sync_copy(accB.at[pl.ds(sidx * RT, RT)], o_out.at[pl.ds(base, RT)])
    pltpu.sync_copy(cnt.at[pl.ds(sidx * RT, RT)], dn_out.at[pl.ds(base, RT)])


_sc_seg = pl.kernel(
    _sc_body,
    out_type=[
        jax.ShapeDtypeStruct((NC * NP, DH), _f32),
        jax.ShapeDtypeStruct((NC * NP, 16), _f32),
        jax.ShapeDtypeStruct((NC * NP, DH), _f32),
    ],
    mesh=_mesh,
    scratch_types=[
        pltpu.VMEM((6, CH), jnp.int32),
        pltpu.VMEM((6, CH), jnp.int32),
        pltpu.VMEM((4, CH, DH), _f32),
        pltpu.VMEM((CH, 16), _f32),
        pltpu.VMEM((2, SB, 16), _f32),
        pltpu.VMEM_SHARED((NP, DH), _f32),
        pltpu.VMEM_SHARED((NP, DH), _f32),
        pltpu.VMEM_SHARED((NP, 16), _f32),
        pltpu.SemaphoreType.DMA((3,)),
        pltpu.SemaphoreType.DMA((3,)),
        pltpu.SemaphoreType.DMA((2,)),
        pltpu.SemaphoreType.DMA((2,)),
    ],
    compiler_params=pltpu.CompilerParams(use_tc_tiling_on_sc=False),
)


_RB = 2000


def _tc_body(o_ref, dn_ref, th_ref, b_ref, out_ref):
    s2 = jnp.concatenate([o_ref[0], o_ref[1]], axis=1)
    dn = dn_ref[0][:, 0:1] + dn_ref[1][:, 0:1]
    dn = jnp.where(dn == 0.0, 1.0, dn)
    out_ref[...] = jnp.dot(s2, th_ref[...],
                           preferred_element_type=_f32) / dn + b_ref[...]


def _tc_fin(o_part, dn_part, theta, bias2d):
    return pl.pallas_call(
        _tc_body,
        grid=(N // _RB,),
        in_specs=[
            pl.BlockSpec((NC, _RB, DH), lambda i: (0, i, 0)),
            pl.BlockSpec((NC, _RB, 16), lambda i: (0, i, 0)),
            pl.BlockSpec((D, D), lambda i: (0, 0)),
            pl.BlockSpec((1, D), lambda i: (0, 0)),
        ],
        out_specs=pl.BlockSpec((_RB, D), lambda i: (i, 0)),
        out_shape=jax.ShapeDtypeStruct((N, D), _f32),
    )(o_part, dn_part, theta, bias2d)


def kernel(x, hyper_edge_index, theta, bias):
    idx = hyper_edge_index.astype(jnp.int32)
    n3 = idx[0].reshape(NS * CPW, CH)
    e3 = idx[1].reshape(NS * CPW, CH)
    ga = jnp.concatenate([n3, n3 + N], 0)
    eb = jnp.concatenate([e3, e3 + NP], 0)
    xs = jnp.concatenate([x[:, :DH], x[:, DH:]], 0)
    zrow = jnp.zeros((RT, DH), _f32)
    zcnt = jnp.zeros((RT, 16), _f32)
    ones = jnp.ones((CH, 16), _f32)
    o_part, dn_part, _ = _sc_seg(xs, ga, e3, eb, n3, zrow, zcnt, ones)
    return _tc_fin(o_part.reshape(NC, NP, DH), dn_part.reshape(NC, NP, 16),
                   theta, bias.reshape(1, D))

# --- scband reference (transcript-rebuilt; emitter-appended) ---
"""Pipeline reference for scband-hy-co-rec-10093173145840 (READ-ONLY COPY).

The authoritative reference and input builder live on the scoring server;
editing this copy changes nothing except your own understanding.
"""

import jax, jax.numpy as jnp
import numpy as np

N = 10000          # n_item / n_entity / n_word scale (nodes in sub-hypergraph)
D = 128            # kg_emb_dim
E = 320000         # incidence entries (node, hyperedge) pairs
NUM_HYPEREDGES = 10000


def setup_inputs(seed: int = 0):
    key = jax.random.key(seed)
    k1, k2, k3, k4 = jax.random.split(key, 4)
    x = jax.random.normal(k1, (N, D), dtype=jnp.float32)
    node_idx = jax.random.randint(k2, (E,), 0, N)
    edge_idx = jax.random.randint(k3, (E,), 0, NUM_HYPEREDGES)
    hyper_edge_index = jnp.stack([node_idx, edge_idx]).astype(jnp.int64)
    theta = jax.random.normal(k4, (D, D), dtype=jnp.float32) * (1.0 / np.sqrt(D))
    bias = jnp.zeros((D,), dtype=jnp.float32)
    return {"x": x, "hyper_edge_index": hyper_edge_index, "theta": theta, "bias": bias}


def reference(x, hyper_edge_index, theta, bias):
    # HypergraphConv (PyG-style, as used by hyper_conv_item/entity/word in HyCoRec):
    #   X' = D^{-1} H W B^{-1} H^T X Theta + bias, with W = I
    node = hyper_edge_index[0]
    edge = hyper_edge_index[1]
    num_nodes = x.shape[0]
    xt = x @ theta
    # node degree D_i and hyperedge degree B_j
    ones = jnp.ones(node.shape[0], dtype=x.dtype)
    Dn = jax.ops.segment_sum(ones, node, num_segments=num_nodes)
    Dn = jnp.where(Dn == 0, 1.0, Dn)
    Be = jax.ops.segment_sum(ones, edge, num_segments=NUM_HYPEREDGES)
    Be = jnp.where(Be == 0, 1.0, Be)
    # node -> hyperedge aggregation: e = B^{-1} H^T (X Theta)
    e_feat = jax.ops.segment_sum(xt[node], edge, num_segments=NUM_HYPEREDGES)
    e_feat = e_feat / Be[:, None]
    # hyperedge -> node aggregation: out = D^{-1} H e
    out = jax.ops.segment_sum(e_feat[edge], node, num_segments=num_nodes)
    out = out / Dn[:, None]
    return out + bias[None, :]

if __name__ == "__main__":
    import jax
    _d = setup_inputs()
    print(jax.jit(kernel)(*tuple(_d.values())))

</pallas_src>

<mosaic_0001>
#map = affine_map<(d0, d1) -> (0, 0)>
module attributes {stable_mosaic.version = 14 : i64} {
  func.func @_sc_body(%arg0: i32, %arg1: i32, %arg2: memref<20000x64xf32, #tpu.memory_space<hbm>>, %arg3: memref<5120x125xi32, #tpu.memory_space<hbm>>, %arg4: memref<2560x125xi32, #tpu.memory_space<hbm>>, %arg5: memref<5120x125xi32, #tpu.memory_space<hbm>>, %arg6: memref<2560x125xi32, #tpu.memory_space<hbm>>, %arg7: memref<640x64xf32, #tpu.memory_space<hbm>>, %arg8: memref<640x16xf32, #tpu.memory_space<hbm>>, %arg9: memref<125x16xf32, #tpu.memory_space<hbm>>, %arg10: memref<20480x64xf32, #tpu.memory_space<hbm>>, %arg11: memref<20480x16xf32, #tpu.memory_space<hbm>>, %arg12: memref<20480x64xf32, #tpu.memory_space<hbm>>, %arg13: memref<6x125xi32, #tpu.memory_space<vmem>>, %arg14: memref<6x125xi32, #tpu.memory_space<vmem>>, %arg15: memref<4x125x64xf32, #tpu.memory_space<vmem>>, %arg16: memref<125x16xf32, #tpu.memory_space<vmem>>, %arg17: memref<2x80x16xf32, #tpu.memory_space<vmem>>, %arg18: memref<10240x64xf32, #tpu.memory_space<vmem_shared>>, %arg19: memref<10240x64xf32, #tpu.memory_space<vmem_shared>>, %arg20: memref<10240x16xf32, #tpu.memory_space<vmem_shared>>, %arg21: memref<3x!tpu.dma_semaphore, #tpu.memory_space<semaphore_mem>>, %arg22: memref<3x!tpu.dma_semaphore, #tpu.memory_space<semaphore_mem>>, %arg23: memref<2x!tpu.dma_semaphore, #tpu.memory_space<semaphore_mem>>, %arg24: memref<2x!tpu.dma_semaphore, #tpu.memory_space<semaphore_mem>>) attributes {dimension_semantics = [#tpu.dimension_semantics<core_parallel>, #tpu.dimension_semantics<subcore_parallel>], iteration_bounds = array<i64: 2, 16>, scalar_prefetch = 0 : i64, scratch_operands = 12 : i64, tpu.core_type = #tpu.core_type<sc_vector_subcore>, window_params = [{transform_indices = #map}, {transform_indices = #map}, {transform_indices = #map}, {transform_indices = #map}, {transform_indices = #map}, {transform_indices = #map}, {transform_indices = #map}, {transform_indices = #map}, {transform_indices = #map}, {transform_indices = #map}, {transform_indices = #map}]} {
    %mul3A = arith.constant 16 : i32
    %mul3A_0 = arith.muli %arg0, %mul3A : i32
    %add3A = arith.addi %mul3A_0, %arg1 : i32
    %mul3A_1 = arith.constant 640 : i32
    %mul3A_2 = arith.muli %arg1, %mul3A_1 : i32
    "tpu.region"() ({
      %run_scoped3A = tpu.sem_alloc : memref<!tpu.dma_semaphore, #tpu.memory_space<semaphore_mem>>
      %dma_start3A_655 = arith.constant 0 : i32
      %dma_start3A_656 = tpu.memref_slice %arg18[%mul3A_2, %dma_start3A_655] : memref<10240x64xf32, #tpu.memory_space<vmem_shared>> -> memref<640x64xf32, #tpu.memory_space<vmem_shared>>
      tpu.enqueue_dma source(%arg7 : memref<640x64xf32, #tpu.memory_space<hbm>>) target(%dma_start3A_656 : memref<640x64xf32, #tpu.memory_space<vmem_shared>>) target_semaphore(%run_scoped3A : memref<!tpu.dma_semaphore, #tpu.memory_space<semaphore_mem>>)
      %dma_wait3A_657 = arith.constant 0 : i32
      %dma_wait3A_658 = tpu.memref_slice %arg18[%mul3A_2, %dma_wait3A_657] : memref<10240x64xf32, #tpu.memory_space<vmem_shared>> -> memref<640x64xf32, #tpu.memory_space<vmem_shared>>
      tpu.wait_dma2 semaphore(%run_scoped3A : memref<!tpu.dma_semaphore, #tpu.memory_space<semaphore_mem>>) src(%arg7 : memref<640x64xf32, #tpu.memory_space<hbm>>) dst(%dma_wait3A_658 : memref<640x64xf32, #tpu.memory_space<vmem_shared>>)
      tpu.yield
    }) : () -> ()
    %mul3A_3 = arith.constant 640 : i32
    %mul3A_4 = arith.muli %arg1, %mul3A_3 : i32
    "tpu.region"() ({
      %run_scoped3A = tpu.sem_alloc : memref<!tpu.dma_semaphore, #tpu.memory_space<semaphore_mem>>
      %dma_start3A_655 = arith.constant 0 : i32
      %dma_start3A_656 = tpu.memref_slice %arg19[%mul3A_4, %dma_start3A_655] : memref<10240x64xf32, #tpu.memory_space<vmem_shared>> -> memref<640x64xf32, #tpu.memory_space<vmem_shared>>
      tpu.enqueue_dma source(%arg7 : memref<640x64xf32, #tpu.memory_space<hbm>>) target(%dma_start3A_656 : memref<640x64xf32, #tpu.memory_space<vmem_shared>>) target_semaphore(%run_scoped3A : memref<!tpu.dma_semaphore, #tpu.memory_space<semaphore_mem>>)
      %dma_wait3A_657 = arith.constant 0 : i32
      %dma_wait3A_658 = tpu.memref_slice %arg19[%mul3A_4, %dma_wait3A_657] : memref<10240x64xf32, #tpu.memory_space<vmem_shared>> -> memref<640x64xf32, #tpu.memory_space<vmem_shared>>
      tpu.wait_dma2 semaphore(%run_scoped3A : memref<!tpu.dma_semaphore, #tpu.memory_space<semaphore_mem>>) src(%arg7 : memref<640x64xf32, #tpu.memory_space<hbm>>) dst(%dma_wait3A_658 : memref<640x64xf32, #tpu.memory_space<vmem_shared>>)
      tpu.yield
    }) : () -> ()
    %mul3A_5 = arith.constant 640 : i32
    %mul3A_6 = arith.muli %arg1, %mul3A_5 : i32
    "tpu.region"() ({
      %run_scoped3A = tpu.sem_alloc : memref<!tpu.dma_semaphore, #tpu.memory_space<semaphore_mem>>
      %dma_start3A_655 = arith.constant 0 : i32
      %dma_start3A_656 = tpu.memref_slice %arg20[%mul3A_6, %dma_start3A_655] : memref<10240x16xf32, #tpu.memory_space<vmem_shared>> -> memref<640x16xf32, #tpu.memory_space<vmem_shared>>
      tpu.enqueue_dma source(%arg8 : memref<640x16xf32, #tpu.memory_space<hbm>>) target(%dma_start3A_656 : memref<640x16xf32, #tpu.memory_space<vmem_shared>>) target_semaphore(%run_scoped3A : memref<!tpu.dma_semaphore, #tpu.memory_space<semaphore_mem>>)
      %dma_wait3A_657 = arith.constant 0 : i32
      %dma_wait3A_658 = tpu.memref_slice %arg20[%mul3A_6, %dma_wait3A_657] : memref<10240x16xf32, #tpu.memory_space<vmem_shared>> -> memref<640x16xf32, #tpu.memory_space<vmem_shared>>
      tpu.wait_dma2 semaphore(%run_scoped3A : memref<!tpu.dma_semaphore, #tpu.memory_space<semaphore_mem>>) src(%arg8 : memref<640x16xf32, #tpu.memory_space<hbm>>) dst(%dma_wait3A_658 : memref<640x16xf32, #tpu.memory_space<vmem_shared>>)
      tpu.yield
    }) : () -> ()
    "tpu.region"() ({
      %run_scoped3A = tpu.sem_alloc : memref<!tpu.dma_semaphore, #tpu.memory_space<semaphore_mem>>
      tpu.enqueue_dma source(%arg9 : memref<125x16xf32, #tpu.memory_space<hbm>>) target(%arg16 : memref<125x16xf32, #tpu.memory_space<vmem>>) target_semaphore(%run_scoped3A : memref<!tpu.dma_semaphore, #tpu.memory_space<semaphore_mem>>)
      tpu.wait_dma2 semaphore(%run_scoped3A : memref<!tpu.dma_semaphore, #tpu.memory_space<semaphore_mem>>) src(%arg9 : memref<125x16xf32, #tpu.memory_space<hbm>>) dst(%arg16 : memref<125x16xf32, #tpu.memory_space<vmem>>)
      tpu.yield
    }) : () -> ()
    %barrier3A = arith.constant 0 : index
    tpu.barrier barrier_id(%barrier3A)
    %mul3A_7 = arith.constant 160 : i32
    %mul3A_8 = arith.muli %add3A, %mul3A_7 : i32
    %mul3A_9 = arith.constant 160 : i32
    %mul3A_10 = arith.muli %arg1, %mul3A_9 : i32
    %rem3A = arith.constant 0 : i32
    %rem3A_11 = arith.constant 6 : i32
    %rem3A_12 = arith.remsi %rem3A, %rem3A_11 : i32
    %rem3A_13 = arith.constant 0 : i32
    %rem3A_14 = arith.constant 3 : i32
    %rem3A_15 = arith.remsi %rem3A_13, %rem3A_14 : i32
    %add3A_16 = arith.constant 0 : i32
    %add3A_17 = arith.addi %mul3A_8, %add3A_16 : i32
    %dma_start3A = arith.constant 0 : i32
    %dma_start3A_18 = tpu.memref_slice %arg13[%rem3A_12, %dma_start3A] : memref<6x125xi32, #tpu.memory_space<vmem>> -> memref<1x125xi32, #tpu.memory_space<vmem>>
    %dma_start3A_19 = tpu.memref_squeeze %dma_start3A_18 : memref<1x125xi32, #tpu.memory_space<vmem>> -> memref<125xi32, #tpu.memory_space<vmem>>
    %dma_start3A_20 = arith.constant 0 : i32
    %dma_start3A_21 = tpu.memref_slice %arg3[%add3A_17, %dma_start3A_20] : memref<5120x125xi32, #tpu.memory_space<hbm>> -> memref<1x125xi32, #tpu.memory_space<hbm>>
    %dma_start3A_22 = tpu.memref_squeeze %dma_start3A_21 : memref<1x125xi32, #tpu.memory_space<hbm>> -> memref<125xi32, #tpu.memory_space<hbm>>
    %dma_start3A_23 = tpu.memref_slice %arg21[%rem3A_15] : memref<3x!tpu.dma_semaphore, #tpu.memory_space<semaphore_mem>> -> memref<1x!tpu.dma_semaphore, #tpu.memory_space<semaphore_mem>>
    %dma_start3A_24 = tpu.memref_squeeze %dma_start3A_23 : memref<1x!tpu.dma_semaphore, #tpu.memory_space<semaphore_mem>> -> memref<!tpu.dma_semaphore, #tpu.memory_space<semaphore_mem>>
    %dma_start3A_25 = arith.constant 0 : i32
    %dma_start3A_26 = tpu.memref_slice %arg13[%rem3A_12, %dma_start3A_25] : memref<6x125xi32, #tpu.memory_space<vmem>> -> memref<1x125xi32, #tpu.memory_space<vmem>>
    %dma_start3A_27 = tpu.memref_squeeze %dma_start3A_26 : memref<1x125xi32, #tpu.memory_space<vmem>> -> memref<125xi32, #tpu.memory_space<vmem>>
    %dma_start3A_28 = arith.constant 0 : i32
    %dma_start3A_29 = tpu.memref_slice %arg3[%add3A_17, %dma_start3A_28] : memref<5120x125xi32, #tpu.memory_space<hbm>> -> memref<1x125xi32, #tpu.memory_space<hbm>>
    %dma_start3A_30 = tpu.memref_squeeze %dma_start3A_29 : memref<1x125xi32, #tpu.memory_space<hbm>> -> memref<125xi32, #tpu.memory_space<hbm>>
    tpu.enqueue_dma source(%dma_start3A_30 : memref<125xi32, #tpu.memory_space<hbm>>) target(%dma_start3A_27 : memref<125xi32, #tpu.memory_space<vmem>>) target_semaphore(%dma_start3A_24 : memref<!tpu.dma_semaphore, #tpu.memory_space<semaphore_mem>>)
    %add3A_31 = arith.constant 0 : i32
    %add3A_32 = arith.addi %mul3A_10, %add3A_31 : i32
    %dma_start3A_33 = arith.constant 0 : i32
    %dma_start3A_34 = tpu.memref_slice %arg14[%rem3A_12, %dma_start3A_33] : memref<6x125xi32, #tpu.memory_space<vmem>> -> memref<1x125xi32, #tpu.memory_space<vmem>>
    %dma_start3A_35 = tpu.memref_squeeze %dma_start3A_34 : memref<1x125xi32, #tpu.memory_space<vmem>> -> memref<125xi32, #tpu.memory_space<vmem>>
    %dma_start3A_36 = arith.constant 0 : i32
    %dma_start3A_37 = tpu.memref_slice %arg4[%add3A_32, %dma_start3A_36] : memref<2560x125xi32, #tpu.memory_space<hbm>> -> memref<1x125xi32, #tpu.memory_space<hbm>>
    %dma_start3A_38 = tpu.memref_squeeze %dma_start3A_37 : memref<1x125xi32, #tpu.memory_space<hbm>> -> memref<125xi32, #tpu.memory_space<hbm>>
    %dma_start3A_39 = tpu.memref_slice %arg21[%rem3A_15] : memref<3x!tpu.dma_semaphore, #tpu.memory_space<semaphore_mem>> -> memref<1x!tpu.dma_semaphore, #tpu.memory_space<semaphore_mem>>
    %dma_start3A_40 = tpu.memref_squeeze %dma_start3A_39 : memref<1x!tpu.dma_semaphore, #tpu.memory_space<semaphore_mem>> -> memref<!tpu.dma_semaphore, #tpu.memory_space<semaphore_mem>>
    %dma_start3A_41 = arith.constant 0 : i32
    %dma_start3A_42 = tpu.memref_slice %arg14[%rem3A_12, %dma_start3A_41] : memref<6x125xi32, #tpu.memory_space<vmem>> -> memref<1x125xi32, #tpu.memory_space<vmem>>
    %dma_start3A_43 = tpu.memref_squeeze %dma_start3A_42 : memref<1x125xi32, #tpu.memory_space<vmem>> -> memref<125xi32, #tpu.memory_space<vmem>>
    %dma_start3A_44 = arith.constant 0 : i32
    %dma_start3A_45 = tpu.memref_slice %arg4[%add3A_32, %dma_start3A_44] : memref<2560x125xi32, #tpu.memory_space<hbm>> -> memref<1x125xi32, #tpu.memory_space<hbm>>
    %dma_start3A_46 = tpu.memref_squeeze %dma_start3A_45 : memref<1x125xi32, #tpu.memory_space<hbm>> -> memref<125xi32, #tpu.memory_space<hbm>>
    tpu.enqueue_dma source(%dma_start3A_46 : memref<125xi32, #tpu.memory_space<hbm>>) target(%dma_start3A_43 : memref<125xi32, #tpu.memory_space<vmem>>) target_semaphore(%dma_start3A_40 : memref<!tpu.dma_semaphore, #tpu.memory_space<semaphore_mem>>)
    %rem3A_47 = arith.constant 1 : i32
    %rem3A_48 = arith.constant 6 : i32
    %rem3A_49 = arith.remsi %rem3A_47, %rem3A_48 : i32
    %rem3A_50 = arith.constant 1 : i32
    %rem3A_51 = arith.constant 3 : i32
    %rem3A_52 = arith.remsi %rem3A_50, %rem3A_51 : i32
    %add3A_53 = arith.constant 1 : i32
    %add3A_54 = arith.addi %mul3A_8, %add3A_53 : i32
    %dma_start3A_55 = arith.constant 0 : i32
    %dma_start3A_56 = tpu.memref_slice %arg13[%rem3A_49, %dma_start3A_55] : memref<6x125xi32, #tpu.memory_space<vmem>> -> memref<1x125xi32, #tpu.memory_space<vmem>>
    %dma_start3A_57 = tpu.memref_squeeze %dma_start3A_56 : memref<1x125xi32, #tpu.memory_space<vmem>> -> memref<125xi32, #tpu.memory_space<vmem>>
    %dma_start3A_58 = arith.constant 0 : i32
    %dma_start3A_59 = tpu.memref_slice %arg3[%add3A_54, %dma_start3A_58] : memref<5120x125xi32, #tpu.memory_space<hbm>> -> memref<1x125xi32, #tpu.memory_space<hbm>>
    %dma_start3A_60 = tpu.memref_squeeze %dma_start3A_59 : memref<1x125xi32, #tpu.memory_space<hbm>> -> memref<125xi32, #tpu.memory_space<hbm>>
    %dma_start3A_61 = tpu.memref_slice %arg21[%rem3A_52] : memref<3x!tpu.dma_semaphore, #tpu.memory_space<semaphore_mem>> -> memref<1x!tpu.dma_semaphore, #tpu.memory_space<semaphore_mem>>
    %dma_start3A_62 = tpu.memref_squeeze %dma_start3A_61 : memref<1x!tpu.dma_semaphore, #tpu.memory_space<semaphore_mem>> -> memref<!tpu.dma_semaphore, #tpu.memory_space<semaphore_mem>>
    %dma_start3A_63 = arith.constant 0 : i32
    %dma_start3A_64 = tpu.memref_slice %arg13[%rem3A_49, %dma_start3A_63] : memref<6x125xi32, #tpu.memory_space<vmem>> -> memref<1x125xi32, #tpu.memory_space<vmem>>
    %dma_start3A_65 = tpu.memref_squeeze %dma_start3A_64 : memref<1x125xi32, #tpu.memory_space<vmem>> -> memref<125xi32, #tpu.memory_space<vmem>>
    %dma_start3A_66 = arith.constant 0 : i32
    %dma_start3A_67 = tpu.memref_slice %arg3[%add3A_54, %dma_start3A_66] : memref<5120x125xi32, #tpu.memory_space<hbm>> -> memref<1x125xi32, #tpu.memory_space<hbm>>
    %dma_start3A_68 = tpu.memref_squeeze %dma_start3A_67 : memref<1x125xi32, #tpu.memory_space<hbm>> -> memref<125xi32, #tpu.memory_space<hbm>>
    tpu.enqueue_dma source(%dma_start3A_68 : memref<125xi32, #tpu.memory_space<hbm>>) target(%dma_start3A_65 : memref<125xi32, #tpu.memory_space<vmem>>) target_semaphore(%dma_start3A_62 : memref<!tpu.dma_semaphore, #tpu.memory_space<semaphore_mem>>)
    %add3A_69 = arith.constant 1 : i32
    %add3A_70 = arith.addi %mul3A_10, %add3A_69 : i32
    %dma_start3A_71 = arith.constant 0 : i32
    %dma_start3A_72 = tpu.memref_slice %arg14[%rem3A_49, %dma_start3A_71] : memref<6x125xi32, #tpu.memory_space<vmem>> -> memref<1x125xi32, #tpu.memory_space<vmem>>
    %dma_start3A_73 = tpu.memref_squeeze %dma_start3A_72 : memref<1x125xi32, #tpu.memory_space<vmem>> -> memref<125xi32, #tpu.memory_space<vmem>>
    %dma_start3A_74 = arith.constant 0 : i32
    %dma_start3A_75 = tpu.memref_slice %arg4[%add3A_70, %dma_start3A_74] : memref<2560x125xi32, #tpu.memory_space<hbm>> -> memref<1x125xi32, #tpu.memory_space<hbm>>
    %dma_start3A_76 = tpu.memref_squeeze %dma_start3A_75 : memref<1x125xi32, #tpu.memory_space<hbm>> -> memref<125xi32, #tpu.memory_space<hbm>>
    %dma_start3A_77 = tpu.memref_slice %arg21[%rem3A_52] : memref<3x!tpu.dma_semaphore, #tpu.memory_space<semaphore_mem>> -> memref<1x!tpu.dma_semaphore, #tpu.memory_space<semaphore_mem>>
    %dma_start3A_78 = tpu.memref_squeeze %dma_start3A_77 : memref<1x!tpu.dma_semaphore, #tpu.memory_space<semaphore_mem>> -> memref<!tpu.dma_semaphore, #tpu.memory_space<semaphore_mem>>
    %dma_start3A_79 = arith.constant 0 : i32
    %dma_start3A_80 = tpu.memref_slice %arg14[%rem3A_49, %dma_start3A_79] : memref<6x125xi32, #tpu.memory_space<vmem>> -> memref<1x125xi32, #tpu.memory_space<vmem>>
    %dma_start3A_81 = tpu.memref_squeeze %dma_start3A_80 : memref<1x125xi32, #tpu.memory_space<vmem>> -> memref<125xi32, #tpu.memory_space<vmem>>
    %dma_start3A_82 = arith.constant 0 : i32
    %dma_start3A_83 = tpu.memref_slice %arg4[%add3A_70, %dma_start3A_82] : memref<2560x125xi32, #tpu.memory_space<hbm>> -> memref<1x125xi32, #tpu.memory_space<hbm>>
    %dma_start3A_84 = tpu.memref_squeeze %dma_start3A_83 : memref<1x125xi32, #tpu.memory_space<hbm>> -> memref<125xi32, #tpu.memory_space<hbm>>
    tpu.enqueue_dma source(%dma_start3A_84 : memref<125xi32, #tpu.memory_space<hbm>>) target(%dma_start3A_81 : memref<125xi32, #tpu.memory_space<vmem>>) target_semaphore(%dma_start3A_78 : memref<!tpu.dma_semaphore, #tpu.memory_space<semaphore_mem>>)
    %rem3A_85 = arith.constant 2 : i32
    %rem3A_86 = arith.constant 6 : i32
    %rem3A_87 = arith.remsi %rem3A_85, %rem3A_86 : i32
    %rem3A_88 = arith.constant 2 : i32
    %rem3A_89 = arith.constant 3 : i32
    %rem3A_90 = arith.remsi %rem3A_88, %rem3A_89 : i32
    %add3A_91 = arith.constant 2 : i32
    %add3A_92 = arith.addi %mul3A_8, %add3A_91 : i32
    %dma_start3A_93 = arith.constant 0 : i32
    %dma_start3A_94 = tpu.memref_slice %arg13[%rem3A_87, %dma_start3A_93] : memref<6x125xi32, #tpu.memory_space<vmem>> -> memref<1x125xi32, #tpu.memory_space<vmem>>
    %dma_start3A_95 = tpu.memref_squeeze %dma_start3A_94 : memref<1x125xi32, #tpu.memory_space<vmem>> -> memref<125xi32, #tpu.memory_space<vmem>>
    %dma_start3A_96 = arith.constant 0 : i32
    %dma_start3A_97 = tpu.memref_slice %arg3[%add3A_92, %dma_start3A_96] : memref<5120x125xi32, #tpu.memory_space<hbm>> -> memref<1x125xi32, #tpu.memory_space<hbm>>
    %dma_start3A_98 = tpu.memref_squeeze %dma_start3A_97 : memref<1x125xi32, #tpu.memory_space<hbm>> -> memref<125xi32, #tpu.memory_space<hbm>>
    %dma_start3A_99 = tpu.memref_slice %arg21[%rem3A_90] : memref<3x!tpu.dma_semaphore, #tpu.memory_space<semaphore_mem>> -> memref<1x!tpu.dma_semaphore, #tpu.memory_space<semaphore_mem>>
    %dma_start3A_100 = tpu.memref_squeeze %dma_start3A_99 : memref<1x!tpu.dma_semaphore, #tpu.memory_space<semaphore_mem>> -> memref<!tpu.dma_semaphore, #tpu.memory_space<semaphore_mem>>
    %dma_start3A_101 = arith.constant 0 : i32
    %dma_start3A_102 = tpu.memref_slice %arg13[%rem3A_87, %dma_start3A_101] : memref<6x125xi32, #tpu.memory_space<vmem>> -> memref<1x125xi32, #tpu.memory_space<vmem>>
    %dma_start3A_103 = tpu.memref_squeeze %dma_start3A_102 : memref<1x125xi32, #tpu.memory_space<vmem>> -> memref<125xi32, #tpu.memory_space<vmem>>
    %dma_start3A_104 = arith.constant 0 : i32
    %dma_start3A_105 = tpu.memref_slice %arg3[%add3A_92, %dma_start3A_104] : memref<5120x125xi32, #tpu.memory_space<hbm>> -> memref<1x125xi32, #tpu.memory_space<hbm>>
    %dma_start3A_106 = tpu.memref_squeeze %dma_start3A_105 : memref<1x125xi32, #tpu.memory_space<hbm>> -> memref<125xi32, #tpu.memory_space<hbm>>
    tpu.enqueue_dma source(%dma_start3A_106 : memref<125xi32, #tpu.memory_space<hbm>>) target(%dma_start3A_103 : memref<125xi32, #tpu.memory_space<vmem>>) target_semaphore(%dma_start3A_100 : memref<!tpu.dma_semaphore, #tpu.memory_space<semaphore_mem>>)
    %add3A_107 = arith.constant 2 : i32
    %add3A_108 = arith.addi %mul3A_10, %add3A_107 : i32
    %dma_start3A_109 = arith.constant 0 : i32
    %dma_start3A_110 = tpu.memref_slice %arg14[%rem3A_87, %dma_start3A_109] : memref<6x125xi32, #tpu.memory_space<vmem>> -> memref<1x125xi32, #tpu.memory_space<vmem>>
    %dma_start3A_111 = tpu.memref_squeeze %dma_start3A_110 : memref<1x125xi32, #tpu.memory_space<vmem>> -> memref<125xi32, #tpu.memory_space<vmem>>
    %dma_start3A_112 = arith.constant 0 : i32
    %dma_start3A_113 = tpu.memref_slice %arg4[%add3A_108, %dma_start3A_112] : memref<2560x125xi32, #tpu.memory_space<hbm>> -> memref<1x125xi32, #tpu.memory_space<hbm>>
    %dma_start3A_114 = tpu.memref_squeeze %dma_start3A_113 : memref<1x125xi32, #tpu.memory_space<hbm>> -> memref<125xi32, #tpu.memory_space<hbm>>
    %dma_start3A_115 = tpu.memref_slice %arg21[%rem3A_90] : memref<3x!tpu.dma_semaphore, #tpu.memory_space<semaphore_mem>> -> memref<1x!tpu.dma_semaphore, #tpu.memory_space<semaphore_mem>>
    %dma_start3A_116 = tpu.memref_squeeze %dma_start3A_115 : memref<1x!tpu.dma_semaphore, #tpu.memory_space<semaphore_mem>> -> memref<!tpu.dma_semaphore, #tpu.memory_space<semaphore_mem>>
    %dma_start3A_117 = arith.constant 0 : i32
    %dma_start3A_118 = tpu.memref_slice %arg14[%rem3A_87, %dma_start3A_117] : memref<6x125xi32, #tpu.memory_space<vmem>> -> memref<1x125xi32, #tpu.memory_space<vmem>>
    %dma_start3A_119 = tpu.memref_squeeze %dma_start3A_118 : memref<1x125xi32, #tpu.memory_space<vmem>> -> memref<125xi32, #tpu.memory_space<vmem>>
    %dma_start3A_120 = arith.constant 0 : i32
    %dma_start3A_121 = tpu.memref_slice %arg4[%add3A_108, %dma_start3A_120] : memref<2560x125xi32, #tpu.memory_space<hbm>> -> memref<1x125xi32, #tpu.memory_space<hbm>>
    %dma_start3A_122 = tpu.memref_squeeze %dma_start3A_121 : memref<1x125xi32, #tpu.memory_space<hbm>> -> memref<125xi32, #tpu.memory_space<hbm>>
    tpu.enqueue_dma source(%dma_start3A_122 : memref<125xi32, #tpu.memory_space<hbm>>) target(%dma_start3A_119 : memref<125xi32, #tpu.memory_space<vmem>>) target_semaphore(%dma_start3A_116 : memref<!tpu.dma_semaphore, #tpu.memory_space<semaphore_mem>>)
    %rem3A_123 = arith.constant 0 : i32
    %rem3A_124 = arith.constant 3 : i32
    %rem3A_125 = arith.remsi %rem3A_123, %rem3A_124 : i32
    %dma_wait3A = arith.constant 0 : i32
    %dma_wait3A_126 = arith.constant 0 : i32
    %dma_wait3A_127 = arith.constant 0 : i32
    %dma_wait3A_128 = tpu.memref_slice %arg13[%dma_wait3A_126, %dma_wait3A_127] : memref<6x125xi32, #tpu.memory_space<vmem>> -> memref<1x125xi32, #tpu.memory_space<vmem>>
    %dma_wait3A_129 = tpu.memref_squeeze %dma_wait3A_128 : memref<1x125xi32, #tpu.memory_space<vmem>> -> memref<125xi32, #tpu.memory_space<vmem>>
    %dma_wait3A_130 = arith.constant 0 : i32
    %dma_wait3A_131 = tpu.memref_slice %arg3[%dma_wait3A, %dma_wait3A_130] : memref<5120x125xi32, #tpu.memory_space<hbm>> -> memref<1x125xi32, #tpu.memory_space<hbm>>
    %dma_wait3A_132 = tpu.memref_squeeze %dma_wait3A_131 : memref<1x125xi32, #tpu.memory_space<hbm>> -> memref<125xi32, #tpu.memory_space<hbm>>
    %dma_wait3A_133 = tpu.memref_slice %arg21[%rem3A_125] : memref<3x!tpu.dma_semaphore, #tpu.memory_space<semaphore_mem>> -> memref<1x!tpu.dma_semaphore, #tpu.memory_space<semaphore_mem>>
    %dma_wait3A_134 = tpu.memref_squeeze %dma_wait3A_133 : memref<1x!tpu.dma_semaphore, #tpu.memory_space<semaphore_mem>> -> memref<!tpu.dma_semaphore, #tpu.memory_space<semaphore_mem>>
    %dma_wait3A_135 = arith.constant 0 : i32
    %dma_wait3A_136 = tpu.memref_slice %arg13[%dma_wait3A_126, %dma_wait3A_135] : memref<6x125xi32, #tpu.memory_space<vmem>> -> memref<1x125xi32, #tpu.memory_space<vmem>>
    %dma_wait3A_137 = tpu.memref_squeeze %dma_wait3A_136 : memref<1x125xi32, #tpu.memory_space<vmem>> -> memref<125xi32, #tpu.memory_space<vmem>>
    %dma_wait3A_138 = arith.constant 0 : i32
    %dma_wait3A_139 = tpu.memref_slice %arg3[%dma_wait3A, %dma_wait3A_138] : memref<5120x125xi32, #tpu.memory_space<hbm>> -> memref<1x125xi32, #tpu.memory_space<hbm>>
    %dma_wait3A_140 = tpu.memref_squeeze %dma_wait3A_139 : memref<1x125xi32, #tpu.memory_space<hbm>> -> memref<125xi32, #tpu.memory_space<hbm>>
    tpu.wait_dma2 semaphore(%dma_wait3A_134 : memref<!tpu.dma_semaphore, #tpu.memory_space<semaphore_mem>>) src(%dma_wait3A_140 : memref<125xi32, #tpu.memory_space<hbm>>) dst(%dma_wait3A_137 : memref<125xi32, #tpu.memory_space<vmem>>)
    %dma_wait3A_141 = arith.constant 0 : i32
    %dma_wait3A_142 = arith.constant 0 : i32
    %dma_wait3A_143 = arith.constant 0 : i32
    %dma_wait3A_144 = tpu.memref_slice %arg14[%dma_wait3A_142, %dma_wait3A_143] : memref<6x125xi32, #tpu.memory_space<vmem>> -> memref<1x125xi32, #tpu.memory_space<vmem>>
    %dma_wait3A_145 = tpu.memref_squeeze %dma_wait3A_144 : memref<1x125xi32, #tpu.memory_space<vmem>> -> memref<125xi32, #tpu.memory_space<vmem>>
    %dma_wait3A_146 = arith.constant 0 : i32
    %dma_wait3A_147 = tpu.memref_slice %arg4[%dma_wait3A_141, %dma_wait3A_146] : memref<2560x125xi32, #tpu.memory_space<hbm>> -> memref<1x125xi32, #tpu.memory_space<hbm>>
    %dma_wait3A_148 = tpu.memref_squeeze %dma_wait3A_147 : memref<1x125xi32, #tpu.memory_space<hbm>> -> memref<125xi32, #tpu.memory_space<hbm>>
    %dma_wait3A_149 = tpu.memref_slice %arg21[%rem3A_125] : memref<3x!tpu.dma_semaphore, #tpu.memory_space<semaphore_mem>> -> memref<1x!tpu.dma_semaphore, #tpu.memory_space<semaphore_mem>>
    %dma_wait3A_150 = tpu.memref_squeeze %dma_wait3A_149 : memref<1x!tpu.dma_semaphore, #tpu.memory_space<semaphore_mem>> -> memref<!tpu.dma_semaphore, #tpu.memory_space<semaphore_mem>>
    %dma_wait3A_151 = arith.constant 0 : i32
    %dma_wait3A_152 = tpu.memref_slice %arg14[%dma_wait3A_142, %dma_wait3A_151] : memref<6x125xi32, #tpu.memory_space<vmem>> -> memref<1x125xi32, #tpu.memory_space<vmem>>
    %dma_wait3A_153 = tpu.memref_squeeze %dma_wait3A_152 : memref<1x125xi32, #tpu.memory_space<vmem>> -> memref<125xi32, #tpu.memory_space<vmem>>
    %dma_wait3A_154 = arith.constant 0 : i32
    %dma_wait3A_155 = tpu.memref_slice %arg4[%dma_wait3A_141, %dma_wait3A_154] : memref<2560x125xi32, #tpu.memory_space<hbm>> -> memref<1x125xi32, #tpu.memory_space<hbm>>
    %dma_wait3A_156 = tpu.memref_squeeze %dma_wait3A_155 : memref<1x125xi32, #tpu.memory_space<hbm>> -> memref<125xi32, #tpu.memory_space<hbm>>
    tpu.wait_dma2 semaphore(%dma_wait3A_150 : memref<!tpu.dma_semaphore, #tpu.memory_space<semaphore_mem>>) src(%dma_wait3A_156 : memref<125xi32, #tpu.memory_space<hbm>>) dst(%dma_wait3A_153 : memref<125xi32, #tpu.memory_space<vmem>>)
    %rem3A_157 = arith.constant 0 : i32
    %rem3A_158 = arith.constant 6 : i32
    %rem3A_159 = arith.remsi %rem3A_157, %rem3A_158 : i32
    %rem3A_160 = arith.constant 0 : i32
    %rem3A_161 = arith.constant 4 : i32
    %rem3A_162 = arith.remsi %rem3A_160, %rem3A_161 : i32
    %rem3A_163 = arith.constant 0 : i32
    %rem3A_164 = arith.constant 3 : i32
    %rem3A_165 = arith.remsi %rem3A_163, %rem3A_164 : i32
    %dma_start3A_166 = arith.constant 0 : i32
    %dma_start3A_167 = arith.constant 0 : i32
    %dma_start3A_168 = tpu.memref_slice %arg15[%rem3A_162, %dma_start3A_166, %dma_start3A_167] : memref<4x125x64xf32, #tpu.memory_space<vmem>> -> memref<1x125x64xf32, #tpu.memory_space<vmem>>
    %dma_start3A_169 = tpu.memref_squeeze %dma_start3A_168 : memref<1x125x64xf32, #tpu.memory_space<vmem>> -> memref<125x64xf32, #tpu.memory_space<vmem>>
    %dma_start3A_170 = arith.constant 0 : i32
    %dma_start3A_171 = tpu.memref_slice %arg13[%rem3A_159, %dma_start3A_170] : memref<6x125xi32, #tpu.memory_space<vmem>> -> memref<1x125xi32, #tpu.memory_space<vmem>>
    %dma_start3A_172 = tpu.memref_squeeze %dma_start3A_171 : memref<1x125xi32, #tpu.memory_space<vmem>> -> memref<125xi32, #tpu.memory_space<vmem>>
    %dma_start3A_173 = arith.constant 0 : i32
    %dma_start3A_174 = arith.constant 0 : i32
    %dma_start3A_175 = tpu.memref_slice %arg2[%dma_start3A_173, %dma_start3A_174] : memref<20000x64xf32, #tpu.memory_space<hbm>> -> memref<20000x64xf32, #tpu.memory_space<hbm>>
    %dma_start3A_176 = tpu.memref_slice %arg22[%rem3A_165] : memref<3x!tpu.dma_semaphore, #tpu.memory_space<semaphore_mem>> -> memref<1x!tpu.dma_semaphore, #tpu.memory_space<semaphore_mem>>
    %dma_start3A_177 = tpu.memref_squeeze %dma_start3A_176 : memref<1x!tpu.dma_semaphore, #tpu.memory_space<semaphore_mem>> -> memref<!tpu.dma_semaphore, #tpu.memory_space<semaphore_mem>>
    tpu.enqueue_indirect_dma source(%dma_start3A_175 : memref<20000x64xf32, #tpu.memory_space<hbm>>) target(%dma_start3A_169 : memref<125x64xf32, #tpu.memory_space<vmem>>) offsets(%dma_start3A_172 : memref<125xi32, #tpu.memory_space<vmem>>) semaphore(%dma_start3A_177 : memref<!tpu.dma_semaphore, #tpu.memory_space<semaphore_mem>>)
    %rem3A_178 = arith.constant 1 : i32
    %rem3A_179 = arith.constant 3 : i32
    %rem3A_180 = arith.remsi %rem3A_178, %rem3A_179 : i32
    %dma_wait3A_181 = arith.constant 0 : i32
    %dma_wait3A_182 = arith.constant 0 : i32
    %dma_wait3A_183 = arith.constant 0 : i32
    %dma_wait3A_184 = tpu.memref_slice %arg13[%dma_wait3A_182, %dma_wait3A_183] : memref<6x125xi32, #tpu.memory_space<vmem>> -> memref<1x125xi32, #tpu.memory_space<vmem>>
    %dma_wait3A_185 = tpu.memref_squeeze %dma_wait3A_184 : memref<1x125xi32, #tpu.memory_space<vmem>> -> memref<125xi32, #tpu.memory_space<vmem>>
    %dma_wait3A_186 = arith.constant 0 : i32
    %dma_wait3A_187 = tpu.memref_slice %arg3[%dma_wait3A_181, %dma_wait3A_186] : memref<5120x125xi32, #tpu.memory_space<hbm>> -> memref<1x125xi32, #tpu.memory_space<hbm>>
    %dma_wait3A_188 = tpu.memref_squeeze %dma_wait3A_187 : memref<1x125xi32, #tpu.memory_space<hbm>> -> memref<125xi32, #tpu.memory_space<hbm>>
    %dma_wait3A_189 = tpu.memref_slice %arg21[%rem3A_180] : memref<3x!tpu.dma_semaphore, #tpu.memory_space<semaphore_mem>> -> memref<1x!tpu.dma_semaphore, #tpu.memory_space<semaphore_mem>>
    %dma_wait3A_190 = tpu.memref_squeeze %dma_wait3A_189 : memref<1x!tpu.dma_semaphore, #tpu.memory_space<semaphore_mem>> -> memref<!tpu.dma_semaphore, #tpu.memory_space<semaphore_mem>>
    %dma_wait3A_191 = arith.constant 0 : i32
    %dma_wait3A_192 = tpu.memref_slice %arg13[%dma_wait3A_182, %dma_wait3A_191] : memref<6x125xi32, #tpu.memory_space<vmem>> -> memref<1x125xi32, #tpu.memory_space<vmem>>
    %dma_wait3A_193 = tpu.memref_squeeze %dma_wait3A_192 : memref<1x125xi32, #tpu.memory_space<vmem>> -> memref<125xi32, #tpu.memory_space<vmem>>
    %dma_wait3A_194 = arith.constant 0 : i32
    %dma_wait3A_195 = tpu.memref_slice %arg3[%dma_wait3A_181, %dma_wait3A_194] : memref<5120x125xi32, #tpu.memory_space<hbm>> -> memref<1x125xi32, #tpu.memory_space<hbm>>
    %dma_wait3A_196 = tpu.memref_squeeze %dma_wait3A_195 : memref<1x125xi32, #tpu.memory_space<hbm>> -> memref<125xi32, #tpu.memory_space<hbm>>
    tpu.wait_dma2 semaphore(%dma_wait3A_190 : memref<!tpu.dma_semaphore, #tpu.memory_space<semaphore_mem>>) src(%dma_wait3A_196 : memref<125xi32, #tpu.memory_space<hbm>>) dst(%dma_wait3A_193 : memref<125xi32, #tpu.memory_space<vmem>>)
    %dma_wait3A_197 = arith.constant 0 : i32
    %dma_wait3A_198 = arith.constant 0 : i32
    %dma_wait3A_199 = arith.constant 0 : i32
    %dma_wait3A_200 = tpu.memref_slice %arg14[%dma_wait3A_198, %dma_wait3A_199] : memref<6x125xi32, #tpu.memory_space<vmem>> -> memref<1x125xi32, #tpu.memory_space<vmem>>
    %dma_wait3A_201 = tpu.memref_squeeze %dma_wait3A_200 : memref<1x125xi32, #tpu.memory_space<vmem>> -> memref<125xi32, #tpu.memory_space<vmem>>
    %dma_wait3A_202 = arith.constant 0 : i32
    %dma_wait3A_203 = tpu.memref_slice %arg4[%dma_wait3A_197, %dma_wait3A_202] : memref<2560x125xi32, #tpu.memory_space<hbm>> -> memref<1x125xi32, #tpu.memory_space<hbm>>
    %dma_wait3A_204 = tpu.memref_squeeze %dma_wait3A_203 : memref<1x125xi32, #tpu.memory_space<hbm>> -> memref<125xi32, #tpu.memory_space<hbm>>
    %dma_wait3A_205 = tpu.memref_slice %arg21[%rem3A_180] : memref<3x!tpu.dma_semaphore, #tpu.memory_space<semaphore_mem>> -> memref<1x!tpu.dma_semaphore, #tpu.memory_space<semaphore_mem>>
    %dma_wait3A_206 = tpu.memref_squeeze %dma_wait3A_205 : memref<1x!tpu.dma_semaphore, #tpu.memory_space<semaphore_mem>> -> memref<!tpu.dma_semaphore, #tpu.memory_space<semaphore_mem>>
    %dma_wait3A_207 = arith.constant 0 : i32
    %dma_wait3A_208 = tpu.memref_slice %arg14[%dma_wait3A_198, %dma_wait3A_207] : memref<6x125xi32, #tpu.memory_space<vmem>> -> memref<1x125xi32, #tpu.memory_space<vmem>>
    %dma_wait3A_209 = tpu.memref_squeeze %dma_wait3A_208 : memref<1x125xi32, #tpu.memory_space<vmem>> -> memref<125xi32, #tpu.memory_space<vmem>>
    %dma_wait3A_210 = arith.constant 0 : i32
    %dma_wait3A_211 = tpu.memref_slice %arg4[%dma_wait3A_197, %dma_wait3A_210] : memref<2560x125xi32, #tpu.memory_space<hbm>> -> memref<1x125xi32, #tpu.memory_space<hbm>>
    %dma_wait3A_212 = tpu.memref_squeeze %dma_wait3A_211 : memref<1x125xi32, #tpu.memory_space<hbm>> -> memref<125xi32, #tpu.memory_space<hbm>>
    tpu.wait_dma2 semaphore(%dma_wait3A_206 : memref<!tpu.dma_semaphore, #tpu.memory_space<semaphore_mem>>) src(%dma_wait3A_212 : memref<125xi32, #tpu.memory_space<hbm>>) dst(%dma_wait3A_209 : memref<125xi32, #tpu.memory_space<vmem>>)
    %rem3A_213 = arith.constant 1 : i32
    %rem3A_214 = arith.constant 6 : i32
    %rem3A_215 = arith.remsi %rem3A_213, %rem3A_214 : i32
    %rem3A_216 = arith.constant 1 : i32
    %rem3A_217 = arith.constant 4 : i32
    %rem3A_218 = arith.remsi %rem3A_216, %rem3A_217 : i32
    %rem3A_219 = arith.constant 1 : i32
    %rem3A_220 = arith.constant 3 : i32
    %rem3A_221 = arith.remsi %rem3A_219, %rem3A_220 : i32
    %dma_start3A_222 = arith.constant 0 : i32
    %dma_start3A_223 = arith.constant 0 : i32
    %dma_start3A_224 = tpu.memref_slice %arg15[%rem3A_218, %dma_start3A_222, %dma_start3A_223] : memref<4x125x64xf32, #tpu.memory_space<vmem>> -> memref<1x125x64xf32, #tpu.memory_space<vmem>>
    %dma_start3A_225 = tpu.memref_squeeze %dma_start3A_224 : memref<1x125x64xf32, #tpu.memory_space<vmem>> -> memref<125x64xf32, #tpu.memory_space<vmem>>
    %dma_start3A_226 = arith.constant 0 : i32
    %dma_start3A_227 = tpu.memref_slice %arg13[%rem3A_215, %dma_start3A_226] : memref<6x125xi32, #tpu.memory_space<vmem>> -> memref<1x125xi32, #tpu.memory_space<vmem>>
    %dma_start3A_228 = tpu.memref_squeeze %dma_start3A_227 : memref<1x125xi32, #tpu.memory_space<vmem>> -> memref<125xi32, #tpu.memory_space<vmem>>
    %dma_start3A_229 = arith.constant 0 : i32
    %dma_start3A_230 = arith.constant 0 : i32
    %dma_start3A_231 = tpu.memref_slice %arg2[%dma_start3A_229, %dma_start3A_230] : memref<20000x64xf32, #tpu.memory_space<hbm>> -> memref<20000x64xf32, #tpu.memory_space<hbm>>
    %dma_start3A_232 = tpu.memref_slice %arg22[%rem3A_221] : memref<3x!tpu.dma_semaphore, #tpu.memory_space<semaphore_mem>> -> memref<1x!tpu.dma_semaphore, #tpu.memory_space<semaphore_mem>>
    %dma_start3A_233 = tpu.memref_squeeze %dma_start3A_232 : memref<1x!tpu.dma_semaphore, #tpu.memory_space<semaphore_mem>> -> memref<!tpu.dma_semaphore, #tpu.memory_space<semaphore_mem>>
    tpu.enqueue_indirect_dma source(%dma_start3A_231 : memref<20000x64xf32, #tpu.memory_space<hbm>>) target(%dma_start3A_225 : memref<125x64xf32, #tpu.memory_space<vmem>>) offsets(%dma_start3A_228 : memref<125xi32, #tpu.memory_space<vmem>>) semaphore(%dma_start3A_233 : memref<!tpu.dma_semaphore, #tpu.memory_space<semaphore_mem>>)
    %scan3A = arith.constant 0 : i32
    %scan3A_234 = arith.constant 0 : i32
    %scan3A_235 = arith.constant 160 : i32
    %scan3A_236 = arith.addi %scan3A_234, %scan3A_235 : i32
    %scan3A_237 = arith.constant 1 : i32
    scf.for %scan3A_655 = %scan3A_234 to %scan3A_236 step %scan3A_237  : i32 {
      %ge3A = arith.constant 2 : i32
      %ge3A_656 = arith.cmpi sge, %scan3A_655, %ge3A : i32
      %convert_element_type3A_657 = arith.extui %ge3A_656 : i1 to i32
      %cond3A_658 = arith.constant 0 : i32
      %cond3A_659 = arith.cmpi ne, %convert_element_type3A_657, %cond3A_658 : i32
      scf.if %cond3A_659 {
        %rem3A_725 = arith.constant 2 : i32
        %rem3A_726 = arith.remsi %scan3A_655, %rem3A_725 : i32
        %dma_wait3A_727 = arith.constant 0 : i32
        %dma_wait3A_728 = arith.constant 0 : i32
        %dma_wait3A_729 = arith.constant 0 : i32
        %dma_wait3A_730 = arith.constant 0 : i32
        %dma_wait3A_731 = tpu.memref_slice %arg15[%dma_wait3A_727, %dma_wait3A_729, %dma_wait3A_730] : memref<4x125x64xf32, #tpu.memory_space<vmem>> -> memref<1x125x64xf32, #tpu.memory_space<vmem>>
        %dma_wait3A_732 = tpu.memref_squeeze %dma_wait3A_731 : memref<1x125x64xf32, #tpu.memory_space<vmem>> -> memref<125x64xf32, #tpu.memory_space<vmem>>
        %dma_wait3A_733 = arith.constant 0 : i32
        %dma_wait3A_734 = tpu.memref_slice %arg14[%dma_wait3A_728, %dma_wait3A_733] : memref<6x125xi32, #tpu.memory_space<vmem>> -> memref<1x125xi32, #tpu.memory_space<vmem>>
        %dma_wait3A_735 = tpu.memref_squeeze %dma_wait3A_734 : memref<1x125xi32, #tpu.memory_space<vmem>> -> memref<125xi32, #tpu.memory_space<vmem>>
        %dma_wait3A_736 = arith.constant 0 : i32
        %dma_wait3A_737 = arith.constant 0 : i32
        %dma_wait3A_738 = tpu.memref_slice %arg18[%dma_wait3A_736, %dma_wait3A_737] : memref<10240x64xf32, #tpu.memory_space<vmem_shared>> -> memref<10240x64xf32, #tpu.memory_space<vmem_shared>>
        %dma_wait3A_739 = tpu.memref_slice %arg24[%rem3A_726] : memref<2x!tpu.dma_semaphore, #tpu.memory_space<semaphore_mem>> -> memref<1x!tpu.dma_semaphore, #tpu.memory_space<semaphore_mem>>
        %dma_wait3A_740 = tpu.memref_squeeze %dma_wait3A_739 : memref<1x!tpu.dma_semaphore, #tpu.memory_space<semaphore_mem>> -> memref<!tpu.dma_semaphore, #tpu.memory_space<semaphore_mem>>
        tpu.wait_indirect_dma semaphore(%dma_wait3A_740 : memref<!tpu.dma_semaphore, #tpu.memory_space<semaphore_mem>>) src(%dma_wait3A_732 : memref<125x64xf32, #tpu.memory_space<vmem>>) dst(%dma_wait3A_738 : memref<10240x64xf32, #tpu.memory_space<vmem_shared>>)
      } else {
      }
      %ge3A_660 = arith.constant 2 : i32
      %ge3A_661 = arith.cmpi sge, %scan3A_655, %ge3A_660 : i32
      %convert_element_type3A_662 = arith.extui %ge3A_661 : i1 to i32
      %cond3A_663 = arith.constant 0 : i32
      %cond3A_664 = arith.cmpi ne, %convert_element_type3A_662, %cond3A_663 : i32
      scf.if %cond3A_664 {
        %rem3A_725 = arith.constant 2 : i32
        %rem3A_726 = arith.remsi %scan3A_655, %rem3A_725 : i32
        %dma_wait3A_727 = arith.constant 0 : i32
        %dma_wait3A_728 = arith.constant 0 : i32
        %dma_wait3A_729 = tpu.memref_slice %arg14[%dma_wait3A_727, %dma_wait3A_728] : memref<6x125xi32, #tpu.memory_space<vmem>> -> memref<1x125xi32, #tpu.memory_space<vmem>>
        %dma_wait3A_730 = tpu.memref_squeeze %dma_wait3A_729 : memref<1x125xi32, #tpu.memory_space<vmem>> -> memref<125xi32, #tpu.memory_space<vmem>>
        %dma_wait3A_731 = arith.constant 0 : i32
        %dma_wait3A_732 = arith.constant 0 : i32
        %dma_wait3A_733 = tpu.memref_slice %arg20[%dma_wait3A_731, %dma_wait3A_732] : memref<10240x16xf32, #tpu.memory_space<vmem_shared>> -> memref<10240x16xf32, #tpu.memory_space<vmem_shared>>
        %dma_wait3A_734 = tpu.memref_slice %arg23[%rem3A_726] : memref<2x!tpu.dma_semaphore, #tpu.memory_space<semaphore_mem>> -> memref<1x!tpu.dma_semaphore, #tpu.memory_space<semaphore_mem>>
        %dma_wait3A_735 = tpu.memref_squeeze %dma_wait3A_734 : memref<1x!tpu.dma_semaphore, #tpu.memory_space<semaphore_mem>> -> memref<!tpu.dma_semaphore, #tpu.memory_space<semaphore_mem>>
        tpu.wait_indirect_dma semaphore(%dma_wait3A_735 : memref<!tpu.dma_semaphore, #tpu.memory_space<semaphore_mem>>) src(%arg16 : memref<125x16xf32, #tpu.memory_space<vmem>>) dst(%dma_wait3A_733 : memref<10240x16xf32, #tpu.memory_space<vmem_shared>>)
      } else {
      }
      %add3A_665 = arith.constant 3 : i32
      %add3A_666 = arith.addi %scan3A_655, %add3A_665 : i32
      %lt3A = arith.constant 160 : i32
      %lt3A_667 = arith.cmpi slt, %add3A_666, %lt3A : i32
      %convert_element_type3A_668 = arith.extui %lt3A_667 : i1 to i32
      %cond3A_669 = arith.constant 0 : i32
      %cond3A_670 = arith.cmpi ne, %convert_element_type3A_668, %cond3A_669 : i32
      scf.if %cond3A_670 {
        %add3A_725 = arith.constant 3 : i32
        %add3A_726 = arith.addi %scan3A_655, %add3A_725 : i32
        %rem3A_727 = arith.constant 6 : i32
        %rem3A_728 = arith.remsi %add3A_726, %rem3A_727 : i32
        %rem3A_729 = arith.constant 3 : i32
        %rem3A_730 = arith.remsi %add3A_726, %rem3A_729 : i32
        %add3A_731 = arith.addi %mul3A_8, %add3A_726 : i32
        %dma_start3A_732 = arith.constant 0 : i32
        %dma_start3A_733 = tpu.memref_slice %arg13[%rem3A_728, %dma_start3A_732] : memref<6x125xi32, #tpu.memory_space<vmem>> -> memref<1x125xi32, #tpu.memory_space<vmem>>
        %dma_start3A_734 = tpu.memref_squeeze %dma_start3A_733 : memref<1x125xi32, #tpu.memory_space<vmem>> -> memref<125xi32, #tpu.memory_space<vmem>>
        %dma_start3A_735 = arith.constant 0 : i32
        %dma_start3A_736 = tpu.memref_slice %arg3[%add3A_731, %dma_start3A_735] : memref<5120x125xi32, #tpu.memory_space<hbm>> -> memref<1x125xi32, #tpu.memory_space<hbm>>
        %dma_start3A_737 = tpu.memref_squeeze %dma_start3A_736 : memref<1x125xi32, #tpu.memory_space<hbm>> -> memref<125xi32, #tpu.memory_space<hbm>>
        %dma_start3A_738 = tpu.memref_slice %arg21[%rem3A_730] : memref<3x!tpu.dma_semaphore, #tpu.memory_space<semaphore_mem>> -> memref<1x!tpu.dma_semaphore, #tpu.memory_space<semaphore_mem>>
        %dma_start3A_739 = tpu.memref_squeeze %dma_start3A_738 : memref<1x!tpu.dma_semaphore, #tpu.memory_space<semaphore_mem>> -> memref<!tpu.dma_semaphore, #tpu.memory_space<semaphore_mem>>
        %dma_start3A_740 = arith.constant 0 : i32
        %dma_start3A_741 = tpu.memref_slice %arg13[%rem3A_728, %dma_start3A_740] : memref<6x125xi32, #tpu.memory_space<vmem>> -> memref<1x125xi32, #tpu.memory_space<vmem>>
        %dma_start3A_742 = tpu.memref_squeeze %dma_start3A_741 : memref<1x125xi32, #tpu.memory_space<vmem>> -> memref<125xi32, #tpu.memory_space<vmem>>
        %dma_start3A_743 = arith.constant 0 : i32
        %dma_start3A_744 = tpu.memref_slice %arg3[%add3A_731, %dma_start3A_743] : memref<5120x125xi32, #tpu.memory_space<hbm>> -> memref<1x125xi32, #tpu.memory_space<hbm>>
        %dma_start3A_745 = tpu.memref_squeeze %dma_start3A_744 : memref<1x125xi32, #tpu.memory_space<hbm>> -> memref<125xi32, #tpu.memory_space<hbm>>
        tpu.enqueue_dma source(%dma_start3A_745 : memref<125xi32, #tpu.memory_space<hbm>>) target(%dma_start3A_742 : memref<125xi32, #tpu.memory_space<vmem>>) target_semaphore(%dma_start3A_739 : memref<!tpu.dma_semaphore, #tpu.memory_space<semaphore_mem>>)
        %add3A_746 = arith.addi %mul3A_10, %add3A_726 : i32
        %dma_start3A_747 = arith.constant 0 : i32
        %dma_start3A_748 = tpu.memref_slice %arg14[%rem3A_728, %dma_start3A_747] : memref<6x125xi32, #tpu.memory_space<vmem>> -> memref<1x125xi32, #tpu.memory_space<vmem>>
        %dma_start3A_749 = tpu.memref_squeeze %dma_start3A_748 : memref<1x125xi32, #tpu.memory_space<vmem>> -> memref<125xi32, #tpu.memory_space<vmem>>
        %dma_start3A_750 = arith.constant 0 : i32
        %dma_start3A_751 = tpu.memref_slice %arg4[%add3A_746, %dma_start3A_750] : memref<2560x125xi32, #tpu.memory_space<hbm>> -> memref<1x125xi32, #tpu.memory_space<hbm>>
        %dma_start3A_752 = tpu.memref_squeeze %dma_start3A_751 : memref<1x125xi32, #tpu.memory_space<hbm>> -> memref<125xi32, #tpu.memory_space<hbm>>
        %dma_start3A_753 = tpu.memref_slice %arg21[%rem3A_730] : memref<3x!tpu.dma_semaphore, #tpu.memory_space<semaphore_mem>> -> memref<1x!tpu.dma_semaphore, #tpu.memory_space<semaphore_mem>>
        %dma_start3A_754 = tpu.memref_squeeze %dma_start3A_753 : memref<1x!tpu.dma_semaphore, #tpu.memory_space<semaphore_mem>> -> memref<!tpu.dma_semaphore, #tpu.memory_space<semaphore_mem>>
        %dma_start3A_755 = arith.constant 0 : i32
        %dma_start3A_756 = tpu.memref_slice %arg14[%rem3A_728, %dma_start3A_755] : memref<6x125xi32, #tpu.memory_space<vmem>> -> memref<1x125xi32, #tpu.memory_space<vmem>>
        %dma_start3A_757 = tpu.memref_squeeze %dma_start3A_756 : memref<1x125xi32, #tpu.memory_space<vmem>> -> memref<125xi32, #tpu.memory_space<vmem>>
        %dma_start3A_758 = arith.constant 0 : i32
        %dma_start3A_759 = tpu.memref_slice %arg4[%add3A_746, %dma_start3A_758] : memref<2560x125xi32, #tpu.memory_space<hbm>> -> memref<1x125xi32, #tpu.memory_space<hbm>>
        %dma_start3A_760 = tpu.memref_squeeze %dma_start3A_759 : memref<1x125xi32, #tpu.memory_space<hbm>> -> memref<125xi32, #tpu.memory_space<hbm>>
        tpu.enqueue_dma source(%dma_start3A_760 : memref<125xi32, #tpu.memory_space<hbm>>) target(%dma_start3A_757 : memref<125xi32, #tpu.memory_space<vmem>>) target_semaphore(%dma_start3A_754 : memref<!tpu.dma_semaphore, #tpu.memory_space<semaphore_mem>>)
      } else {
      }
      %add3A_671 = arith.constant 2 : i32
      %add3A_672 = arith.addi %scan3A_655, %add3A_671 : i32
      %lt3A_673 = arith.constant 160 : i32
      %lt3A_674 = arith.cmpi slt, %add3A_672, %lt3A_673 : i32
      %convert_element_type3A_675 = arith.extui %lt3A_674 : i1 to i32
      %cond3A_676 = arith.constant 0 : i32
      %cond3A_677 = arith.cmpi ne, %convert_element_type3A_675, %cond3A_676 : i32
      scf.if %cond3A_677 {
        %add3A_725 = arith.constant 2 : i32
        %add3A_726 = arith.addi %scan3A_655, %add3A_725 : i32
        %rem3A_727 = arith.constant 3 : i32
        %rem3A_728 = arith.remsi %add3A_726, %rem3A_727 : i32
        %dma_wait3A_729 = arith.constant 0 : i32
        %dma_wait3A_730 = arith.constant 0 : i32
        %dma_wait3A_731 = arith.constant 0 : i32
        %dma_wait3A_732 = tpu.memref_slice %arg13[%dma_wait3A_730, %dma_wait3A_731] : memref<6x125xi32, #tpu.memory_space<vmem>> -> memref<1x125xi32, #tpu.memory_space<vmem>>
        %dma_wait3A_733 = tpu.memref_squeeze %dma_wait3A_732 : memref<1x125xi32, #tpu.memory_space<vmem>> -> memref<125xi32, #tpu.memory_space<vmem>>
        %dma_wait3A_734 = arith.constant 0 : i32
        %dma_wait3A_735 = tpu.memref_slice %arg3[%dma_wait3A_729, %dma_wait3A_734] : memref<5120x125xi32, #tpu.memory_space<hbm>> -> memref<1x125xi32, #tpu.memory_space<hbm>>
        %dma_wait3A_736 = tpu.memref_squeeze %dma_wait3A_735 : memref<1x125xi32, #tpu.memory_space<hbm>> -> memref<125xi32, #tpu.memory_space<hbm>>
        %dma_wait3A_737 = tpu.memref_slice %arg21[%rem3A_728] : memref<3x!tpu.dma_semaphore, #tpu.memory_space<semaphore_mem>> -> memref<1x!tpu.dma_semaphore, #tpu.memory_space<semaphore_mem>>
        %dma_wait3A_738 = tpu.memref_squeeze %dma_wait3A_737 : memref<1x!tpu.dma_semaphore, #tpu.memory_space<semaphore_mem>> -> memref<!tpu.dma_semaphore, #tpu.memory_space<semaphore_mem>>
        %dma_wait3A_739 = arith.constant 0 : i32
        %dma_wait3A_740 = tpu.memref_slice %arg13[%dma_wait3A_730, %dma_wait3A_739] : memref<6x125xi32, #tpu.memory_space<vmem>> -> memref<1x125xi32, #tpu.memory_space<vmem>>
        %dma_wait3A_741 = tpu.memref_squeeze %dma_wait3A_740 : memref<1x125xi32, #tpu.memory_space<vmem>> -> memref<125xi32, #tpu.memory_space<vmem>>
        %dma_wait3A_742 = arith.constant 0 : i32
        %dma_wait3A_743 = tpu.memref_slice %arg3[%dma_wait3A_729, %dma_wait3A_742] : memref<5120x125xi32, #tpu.memory_space<hbm>> -> memref<1x125xi32, #tpu.memory_space<hbm>>
        %dma_wait3A_744 = tpu.memref_squeeze %dma_wait3A_743 : memref<1x125xi32, #tpu.memory_space<hbm>> -> memref<125xi32, #tpu.memory_space<hbm>>
        tpu.wait_dma2 semaphore(%dma_wait3A_738 : memref<!tpu.dma_semaphore, #tpu.memory_space<semaphore_mem>>) src(%dma_wait3A_744 : memref<125xi32, #tpu.memory_space<hbm>>) dst(%dma_wait3A_741 : memref<125xi32, #tpu.memory_space<vmem>>)
        %dma_wait3A_745 = arith.constant 0 : i32
        %dma_wait3A_746 = arith.constant 0 : i32
        %dma_wait3A_747 = arith.constant 0 : i32
        %dma_wait3A_748 = tpu.memref_slice %arg14[%dma_wait3A_746, %dma_wait3A_747] : memref<6x125xi32, #tpu.memory_space<vmem>> -> memref<1x125xi32, #tpu.memory_space<vmem>>
        %dma_wait3A_749 = tpu.memref_squeeze %dma_wait3A_748 : memref<1x125xi32, #tpu.memory_space<vmem>> -> memref<125xi32, #tpu.memory_space<vmem>>
        %dma_wait3A_750 = arith.constant 0 : i32
        %dma_wait3A_751 = tpu.memref_slice %arg4[%dma_wait3A_745, %dma_wait3A_750] : memref<2560x125xi32, #tpu.memory_space<hbm>> -> memref<1x125xi32, #tpu.memory_space<hbm>>
        %dma_wait3A_752 = tpu.memref_squeeze %dma_wait3A_751 : memref<1x125xi32, #tpu.memory_space<hbm>> -> memref<125xi32, #tpu.memory_space<hbm>>
        %dma_wait3A_753 = tpu.memref_slice %arg21[%rem3A_728] : memref<3x!tpu.dma_semaphore, #tpu.memory_space<semaphore_mem>> -> memref<1x!tpu.dma_semaphore, #tpu.memory_space<semaphore_mem>>
        %dma_wait3A_754 = tpu.memref_squeeze %dma_wait3A_753 : memref<1x!tpu.dma_semaphore, #tpu.memory_space<semaphore_mem>> -> memref<!tpu.dma_semaphore, #tpu.memory_space<semaphore_mem>>
        %dma_wait3A_755 = arith.constant 0 : i32
        %dma_wait3A_756 = tpu.memref_slice %arg14[%dma_wait3A_746, %dma_wait3A_755] : memref<6x125xi32, #tpu.memory_space<vmem>> -> memref<1x125xi32, #tpu.memory_space<vmem>>
        %dma_wait3A_757 = tpu.memref_squeeze %dma_wait3A_756 : memref<1x125xi32, #tpu.memory_space<vmem>> -> memref<125xi32, #tpu.memory_space<vmem>>
        %dma_wait3A_758 = arith.constant 0 : i32
        %dma_wait3A_759 = tpu.memref_slice %arg4[%dma_wait3A_745, %dma_wait3A_758] : memref<2560x125xi32, #tpu.memory_space<hbm>> -> memref<1x125xi32, #tpu.memory_space<hbm>>
        %dma_wait3A_760 = tpu.memref_squeeze %dma_wait3A_759 : memref<1x125xi32, #tpu.memory_space<hbm>> -> memref<125xi32, #tpu.memory_space<hbm>>
        tpu.wait_dma2 semaphore(%dma_wait3A_754 : memref<!tpu.dma_semaphore, #tpu.memory_space<semaphore_mem>>) src(%dma_wait3A_760 : memref<125xi32, #tpu.memory_space<hbm>>) dst(%dma_wait3A_757 : memref<125xi32, #tpu.memory_space<vmem>>)
        %add3A_761 = arith.constant 2 : i32
        %add3A_762 = arith.addi %scan3A_655, %add3A_761 : i32
        %rem3A_763 = arith.constant 6 : i32
        %rem3A_764 = arith.remsi %add3A_762, %rem3A_763 : i32
        %rem3A_765 = arith.constant 4 : i32
        %rem3A_766 = arith.remsi %add3A_762, %rem3A_765 : i32
        %rem3A_767 = arith.constant 3 : i32
        %rem3A_768 = arith.remsi %add3A_762, %rem3A_767 : i32
        %dma_start3A_769 = arith.constant 0 : i32
        %dma_start3A_770 = arith.constant 0 : i32
        %dma_start3A_771 = tpu.memref_slice %arg15[%rem3A_766, %dma_start3A_769, %dma_start3A_770] : memref<4x125x64xf32, #tpu.memory_space<vmem>> -> memref<1x125x64xf32, #tpu.memory_space<vmem>>
        %dma_start3A_772 = tpu.memref_squeeze %dma_start3A_771 : memref<1x125x64xf32, #tpu.memory_space<vmem>> -> memref<125x64xf32, #tpu.memory_space<vmem>>
        %dma_start3A_773 = arith.constant 0 : i32
        %dma_start3A_774 = tpu.memref_slice %arg13[%rem3A_764, %dma_start3A_773] : memref<6x125xi32, #tpu.memory_space<vmem>> -> memref<1x125xi32, #tpu.memory_space<vmem>>
        %dma_start3A_775 = tpu.memref_squeeze %dma_start3A_774 : memref<1x125xi32, #tpu.memory_space<vmem>> -> memref<125xi32, #tpu.memory_space<vmem>>
        %dma_start3A_776 = arith.constant 0 : i32
        %dma_start3A_777 = arith.constant 0 : i32
        %dma_start3A_778 = tpu.memref_slice %arg2[%dma_start3A_776, %dma_start3A_777] : memref<20000x64xf32, #tpu.memory_space<hbm>> -> memref<20000x64xf32, #tpu.memory_space<hbm>>
        %dma_start3A_779 = tpu.memref_slice %arg22[%rem3A_768] : memref<3x!tpu.dma_semaphore, #tpu.memory_space<semaphore_mem>> -> memref<1x!tpu.dma_semaphore, #tpu.memory_space<semaphore_mem>>
        %dma_start3A_780 = tpu.memref_squeeze %dma_start3A_779 : memref<1x!tpu.dma_semaphore, #tpu.memory_space<semaphore_mem>> -> memref<!tpu.dma_semaphore, #tpu.memory_space<semaphore_mem>>
        tpu.enqueue_indirect_dma source(%dma_start3A_778 : memref<20000x64xf32, #tpu.memory_space<hbm>>) target(%dma_start3A_772 : memref<125x64xf32, #tpu.memory_space<vmem>>) offsets(%dma_start3A_775 : memref<125xi32, #tpu.memory_space<vmem>>) semaphore(%dma_start3A_780 : memref<!tpu.dma_semaphore, #tpu.memory_space<semaphore_mem>>)
      } else {
      }
      %rem3A_678 = arith.constant 3 : i32
      %rem3A_679 = arith.remsi %scan3A_655, %rem3A_678 : i32
      %dma_wait3A_680 = arith.constant 0 : i32
      %dma_wait3A_681 = arith.constant 0 : i32
      %dma_wait3A_682 = arith.constant 0 : i32
      %dma_wait3A_683 = tpu.memref_slice %arg15[%dma_wait3A_680, %dma_wait3A_681, %dma_wait3A_682] : memref<4x125x64xf32, #tpu.memory_space<vmem>> -> memref<1x125x64xf32, #tpu.memory_space<vmem>>
      %dma_wait3A_684 = tpu.memref_squeeze %dma_wait3A_683 : memref<1x125x64xf32, #tpu.memory_space<vmem>> -> memref<125x64xf32, #tpu.memory_space<vmem>>
      %dma_wait3A_685 = arith.constant 0 : i32
      %dma_wait3A_686 = arith.constant 0 : i32
      %dma_wait3A_687 = tpu.memref_slice %arg2[%dma_wait3A_685, %dma_wait3A_686] : memref<20000x64xf32, #tpu.memory_space<hbm>> -> memref<125x64xf32, #tpu.memory_space<hbm>>
      %dma_wait3A_688 = tpu.memref_slice %arg22[%rem3A_679] : memref<3x!tpu.dma_semaphore, #tpu.memory_space<semaphore_mem>> -> memref<1x!tpu.dma_semaphore, #tpu.memory_space<semaphore_mem>>
      %dma_wait3A_689 = tpu.memref_squeeze %dma_wait3A_688 : memref<1x!tpu.dma_semaphore, #tpu.memory_space<semaphore_mem>> -> memref<!tpu.dma_semaphore, #tpu.memory_space<semaphore_mem>>
      %dma_wait3A_690 = arith.constant 0 : i32
      %dma_wait3A_691 = arith.constant 0 : i32
      %dma_wait3A_692 = tpu.memref_slice %arg15[%dma_wait3A_680, %dma_wait3A_690, %dma_wait3A_691] : memref<4x125x64xf32, #tpu.memory_space<vmem>> -> memref<1x125x64xf32, #tpu.memory_space<vmem>>
      %dma_wait3A_693 = tpu.memref_squeeze %dma_wait3A_692 : memref<1x125x64xf32, #tpu.memory_space<vmem>> -> memref<125x64xf32, #tpu.memory_space<vmem>>
      %dma_wait3A_694 = arith.constant 0 : i32
      %dma_wait3A_695 = arith.constant 0 : i32
      %dma_wait3A_696 = tpu.memref_slice %arg2[%dma_wait3A_694, %dma_wait3A_695] : memref<20000x64xf32, #tpu.memory_space<hbm>> -> memref<125x64xf32, #tpu.memory_space<hbm>>
      tpu.wait_dma2 semaphore(%dma_wait3A_689 : memref<!tpu.dma_semaphore, #tpu.memory_space<semaphore_mem>>) src(%dma_wait3A_696 : memref<125x64xf32, #tpu.memory_space<hbm>>) dst(%dma_wait3A_693 : memref<125x64xf32, #tpu.memory_space<vmem>>)
      %rem3A_697 = arith.constant 6 : i32
      %rem3A_698 = arith.remsi %scan3A_655, %rem3A_697 : i32
      %rem3A_699 = arith.constant 4 : i32
      %rem3A_700 = arith.remsi %scan3A_655, %rem3A_699 : i32
      %rem3A_701 = arith.constant 2 : i32
      %rem3A_702 = arith.remsi %scan3A_655, %rem3A_701 : i32
      %dma_start3A_703 = arith.constant 0 : i32
      %dma_start3A_704 = arith.constant 0 : i32
      %dma_start3A_705 = tpu.memref_slice %arg15[%rem3A_700, %dma_start3A_703, %dma_start3A_704] : memref<4x125x64xf32, #tpu.memory_space<vmem>> -> memref<1x125x64xf32, #tpu.memory_space<vmem>>
      %dma_start3A_706 = tpu.memref_squeeze %dma_start3A_705 : memref<1x125x64xf32, #tpu.memory_space<vmem>> -> memref<125x64xf32, #tpu.memory_space<vmem>>
      %dma_start3A_707 = arith.constant 0 : i32
      %dma_start3A_708 = tpu.memref_slice %arg14[%rem3A_698, %dma_start3A_707] : memref<6x125xi32, #tpu.memory_space<vmem>> -> memref<1x125xi32, #tpu.memory_space<vmem>>
      %dma_start3A_709 = tpu.memref_squeeze %dma_start3A_708 : memref<1x125xi32, #tpu.memory_space<vmem>> -> memref<125xi32, #tpu.memory_space<vmem>>
      %dma_start3A_710 = arith.constant 0 : i32
      %dma_start3A_711 = arith.constant 0 : i32
      %dma_start3A_712 = tpu.memref_slice %arg18[%dma_start3A_710, %dma_start3A_711] : memref<10240x64xf32, #tpu.memory_space<vmem_shared>> -> memref<10240x64xf32, #tpu.memory_space<vmem_shared>>
      %dma_start3A_713 = tpu.memref_slice %arg24[%rem3A_702] : memref<2x!tpu.dma_semaphore, #tpu.memory_space<semaphore_mem>> -> memref<1x!tpu.dma_semaphore, #tpu.memory_space<semaphore_mem>>
      %dma_start3A_714 = tpu.memref_squeeze %dma_start3A_713 : memref<1x!tpu.dma_semaphore, #tpu.memory_space<semaphore_mem>> -> memref<!tpu.dma_semaphore, #tpu.memory_space<semaphore_mem>>
      tpu.enqueue_indirect_dma source(%dma_start3A_706 : memref<125x64xf32, #tpu.memory_space<vmem>>) target(%dma_start3A_712 : memref<10240x64xf32, #tpu.memory_space<vmem_shared>>) offsets(%dma_start3A_709 : memref<125xi32, #tpu.memory_space<vmem>>) semaphore(%dma_start3A_714 : memref<!tpu.dma_semaphore, #tpu.memory_space<semaphore_mem>>) {add = true}
      %rem3A_715 = arith.constant 2 : i32
      %rem3A_716 = arith.remsi %scan3A_655, %rem3A_715 : i32
      %dma_start3A_717 = arith.constant 0 : i32
      %dma_start3A_718 = tpu.memref_slice %arg14[%rem3A_698, %dma_start3A_717] : memref<6x125xi32, #tpu.memory_space<vmem>> -> memref<1x125xi32, #tpu.memory_space<vmem>>
      %dma_start3A_719 = tpu.memref_squeeze %dma_start3A_718 : memref<1x125xi32, #tpu.memory_space<vmem>> -> memref<125xi32, #tpu.memory_space<vmem>>
      %dma_start3A_720 = arith.constant 0 : i32
      %dma_start3A_721 = arith.constant 0 : i32
      %dma_start3A_722 = tpu.memref_slice %arg20[%dma_start3A_720, %dma_start3A_721] : memref<10240x16xf32, #tpu.memory_space<vmem_shared>> -> memref<10240x16xf32, #tpu.memory_space<vmem_shared>>
      %dma_start3A_723 = tpu.memref_slice %arg23[%rem3A_716] : memref<2x!tpu.dma_semaphore, #tpu.memory_space<semaphore_mem>> -> memref<1x!tpu.dma_semaphore, #tpu.memory_space<semaphore_mem>>
      %dma_start3A_724 = tpu.memref_squeeze %dma_start3A_723 : memref<1x!tpu.dma_semaphore, #tpu.memory_space<semaphore_mem>> -> memref<!tpu.dma_semaphore, #tpu.memory_space<semaphore_mem>>
      tpu.enqueue_indirect_dma source(%arg16 : memref<125x16xf32, #tpu.memory_space<vmem>>) target(%dma_start3A_722 : memref<10240x16xf32, #tpu.memory_space<vmem_shared>>) offsets(%dma_start3A_719 : memref<125xi32, #tpu.memory_space<vmem>>) semaphore(%dma_start3A_724 : memref<!tpu.dma_semaphore, #tpu.memory_space<semaphore_mem>>) {add = true}
    }
    %scan3A_238 = arith.constant 160 : i32
    %rem3A_239 = arith.constant 158 : i32
    %rem3A_240 = arith.constant 2 : i32
    %rem3A_241 = arith.remsi %rem3A_239, %rem3A_240 : i32
    %dma_wait3A_242 = arith.constant 0 : i32
    %dma_wait3A_243 = arith.constant 0 : i32
    %dma_wait3A_244 = arith.constant 0 : i32
    %dma_wait3A_245 = arith.constant 0 : i32
    %dma_wait3A_246 = tpu.memref_slice %arg15[%dma_wait3A_242, %dma_wait3A_244, %dma_wait3A_245] : memref<4x125x64xf32, #tpu.memory_space<vmem>> -> memref<1x125x64xf32, #tpu.memory_space<vmem>>
    %dma_wait3A_247 = tpu.memref_squeeze %dma_wait3A_246 : memref<1x125x64xf32, #tpu.memory_space<vmem>> -> memref<125x64xf32, #tpu.memory_space<vmem>>
    %dma_wait3A_248 = arith.constant 0 : i32
    %dma_wait3A_249 = tpu.memref_slice %arg14[%dma_wait3A_243, %dma_wait3A_248] : memref<6x125xi32, #tpu.memory_space<vmem>> -> memref<1x125xi32, #tpu.memory_space<vmem>>
    %dma_wait3A_250 = tpu.memref_squeeze %dma_wait3A_249 : memref<1x125xi32, #tpu.memory_space<vmem>> -> memref<125xi32, #tpu.memory_space<vmem>>
    %dma_wait3A_251 = arith.constant 0 : i32
    %dma_wait3A_252 = arith.constant 0 : i32
    %dma_wait3A_253 = tpu.memref_slice %arg18[%dma_wait3A_251, %dma_wait3A_252] : memref<10240x64xf32, #tpu.memory_space<vmem_shared>> -> memref<10240x64xf32, #tpu.memory_space<vmem_shared>>
    %dma_wait3A_254 = tpu.memref_slice %arg24[%rem3A_241] : memref<2x!tpu.dma_semaphore, #tpu.memory_space<semaphore_mem>> -> memref<1x!tpu.dma_semaphore, #tpu.memory_space<semaphore_mem>>
    %dma_wait3A_255 = tpu.memref_squeeze %dma_wait3A_254 : memref<1x!tpu.dma_semaphore, #tpu.memory_space<semaphore_mem>> -> memref<!tpu.dma_semaphore, #tpu.memory_space<semaphore_mem>>
    tpu.wait_indirect_dma semaphore(%dma_wait3A_255 : memref<!tpu.dma_semaphore, #tpu.memory_space<semaphore_mem>>) src(%dma_wait3A_247 : memref<125x64xf32, #tpu.memory_space<vmem>>) dst(%dma_wait3A_253 : memref<10240x64xf32, #tpu.memory_space<vmem_shared>>)
    %rem3A_256 = arith.constant 159 : i32
    %rem3A_257 = arith.constant 2 : i32
    %rem3A_258 = arith.remsi %rem3A_256, %rem3A_257 : i32
    %dma_wait3A_259 = arith.constant 0 : i32
    %dma_wait3A_260 = arith.constant 0 : i32
    %dma_wait3A_261 = arith.constant 0 : i32
    %dma_wait3A_262 = arith.constant 0 : i32
    %dma_wait3A_263 = tpu.memref_slice %arg15[%dma_wait3A_259, %dma_wait3A_261, %dma_wait3A_262] : memref<4x125x64xf32, #tpu.memory_space<vmem>> -> memref<1x125x64xf32, #tpu.memory_space<vmem>>
    %dma_wait3A_264 = tpu.memref_squeeze %dma_wait3A_263 : memref<1x125x64xf32, #tpu.memory_space<vmem>> -> memref<125x64xf32, #tpu.memory_space<vmem>>
    %dma_wait3A_265 = arith.constant 0 : i32
    %dma_wait3A_266 = tpu.memref_slice %arg14[%dma_wait3A_260, %dma_wait3A_265] : memref<6x125xi32, #tpu.memory_space<vmem>> -> memref<1x125xi32, #tpu.memory_space<vmem>>
    %dma_wait3A_267 = tpu.memref_squeeze %dma_wait3A_266 : memref<1x125xi32, #tpu.memory_space<vmem>> -> memref<125xi32, #tpu.memory_space<vmem>>
    %dma_wait3A_268 = arith.constant 0 : i32
    %dma_wait3A_269 = arith.constant 0 : i32
    %dma_wait3A_270 = tpu.memref_slice %arg18[%dma_wait3A_268, %dma_wait3A_269] : memref<10240x64xf32, #tpu.memory_space<vmem_shared>> -> memref<10240x64xf32, #tpu.memory_space<vmem_shared>>
    %dma_wait3A_271 = tpu.memref_slice %arg24[%rem3A_258] : memref<2x!tpu.dma_semaphore, #tpu.memory_space<semaphore_mem>> -> memref<1x!tpu.dma_semaphore, #tpu.memory_space<semaphore_mem>>
    %dma_wait3A_272 = tpu.memref_squeeze %dma_wait3A_271 : memref<1x!tpu.dma_semaphore, #tpu.memory_space<semaphore_mem>> -> memref<!tpu.dma_semaphore, #tpu.memory_space<semaphore_mem>>
    tpu.wait_indirect_dma semaphore(%dma_wait3A_272 : memref<!tpu.dma_semaphore, #tpu.memory_space<semaphore_mem>>) src(%dma_wait3A_264 : memref<125x64xf32, #tpu.memory_space<vmem>>) dst(%dma_wait3A_270 : memref<10240x64xf32, #tpu.memory_space<vmem_shared>>)
    %rem3A_273 = arith.constant 158 : i32
    %rem3A_274 = arith.constant 2 : i32
    %rem3A_275 = arith.remsi %rem3A_273, %rem3A_274 : i32
    %dma_wait3A_276 = arith.constant 0 : i32
    %dma_wait3A_277 = arith.constant 0 : i32
    %dma_wait3A_278 = tpu.memref_slice %arg14[%dma_wait3A_276, %dma_wait3A_277] : memref<6x125xi32, #tpu.memory_space<vmem>> -> memref<1x125xi32, #tpu.memory_space<vmem>>
    %dma_wait3A_279 = tpu.memref_squeeze %dma_wait3A_278 : memref<1x125xi32, #tpu.memory_space<vmem>> -> memref<125xi32, #tpu.memory_space<vmem>>
    %dma_wait3A_280 = arith.constant 0 : i32
    %dma_wait3A_281 = arith.constant 0 : i32
    %dma_wait3A_282 = tpu.memref_slice %arg20[%dma_wait3A_280, %dma_wait3A_281] : memref<10240x16xf32, #tpu.memory_space<vmem_shared>> -> memref<10240x16xf32, #tpu.memory_space<vmem_shared>>
    %dma_wait3A_283 = tpu.memref_slice %arg23[%rem3A_275] : memref<2x!tpu.dma_semaphore, #tpu.memory_space<semaphore_mem>> -> memref<1x!tpu.dma_semaphore, #tpu.memory_space<semaphore_mem>>
    %dma_wait3A_284 = tpu.memref_squeeze %dma_wait3A_283 : memref<1x!tpu.dma_semaphore, #tpu.memory_space<semaphore_mem>> -> memref<!tpu.dma_semaphore, #tpu.memory_space<semaphore_mem>>
    tpu.wait_indirect_dma semaphore(%dma_wait3A_284 : memref<!tpu.dma_semaphore, #tpu.memory_space<semaphore_mem>>) src(%arg16 : memref<125x16xf32, #tpu.memory_space<vmem>>) dst(%dma_wait3A_282 : memref<10240x16xf32, #tpu.memory_space<vmem_shared>>)
    %rem3A_285 = arith.constant 159 : i32
    %rem3A_286 = arith.constant 2 : i32
    %rem3A_287 = arith.remsi %rem3A_285, %rem3A_286 : i32
    %dma_wait3A_288 = arith.constant 0 : i32
    %dma_wait3A_289 = arith.constant 0 : i32
    %dma_wait3A_290 = tpu.memref_slice %arg14[%dma_wait3A_288, %dma_wait3A_289] : memref<6x125xi32, #tpu.memory_space<vmem>> -> memref<1x125xi32, #tpu.memory_space<vmem>>
    %dma_wait3A_291 = tpu.memref_squeeze %dma_wait3A_290 : memref<1x125xi32, #tpu.memory_space<vmem>> -> memref<125xi32, #tpu.memory_space<vmem>>
    %dma_wait3A_292 = arith.constant 0 : i32
    %dma_wait3A_293 = arith.constant 0 : i32
    %dma_wait3A_294 = tpu.memref_slice %arg20[%dma_wait3A_292, %dma_wait3A_293] : memref<10240x16xf32, #tpu.memory_space<vmem_shared>> -> memref<10240x16xf32, #tpu.memory_space<vmem_shared>>
    %dma_wait3A_295 = tpu.memref_slice %arg23[%rem3A_287] : memref<2x!tpu.dma_semaphore, #tpu.memory_space<semaphore_mem>> -> memref<1x!tpu.dma_semaphore, #tpu.memory_space<semaphore_mem>>
    %dma_wait3A_296 = tpu.memref_squeeze %dma_wait3A_295 : memref<1x!tpu.dma_semaphore, #tpu.memory_space<semaphore_mem>> -> memref<!tpu.dma_semaphore, #tpu.memory_space<semaphore_mem>>
    tpu.wait_indirect_dma semaphore(%dma_wait3A_296 : memref<!tpu.dma_semaphore, #tpu.memory_space<semaphore_mem>>) src(%arg16 : memref<125x16xf32, #tpu.memory_space<vmem>>) dst(%dma_wait3A_294 : memref<10240x16xf32, #tpu.memory_space<vmem_shared>>)
    %barrier3A_297 = arith.constant 0 : index
    tpu.barrier barrier_id(%barrier3A_297)
    %mul3A_298 = arith.constant 640 : i32
    %mul3A_299 = arith.muli %arg1, %mul3A_298 : i32
    %add3A_300 = arith.constant 0 : i32
    %add3A_301 = arith.addi %mul3A_299, %add3A_300 : i32
    %rem3A_302 = arith.constant 0 : i32
    %rem3A_303 = arith.constant 3 : i32
    %rem3A_304 = arith.remsi %rem3A_302, %rem3A_303 : i32
    %rem3A_305 = arith.constant 0 : i32
    %rem3A_306 = arith.constant 2 : i32
    %rem3A_307 = arith.remsi %rem3A_305, %rem3A_306 : i32
    %dma_start3A_308 = arith.constant 0 : i32
    %dma_start3A_309 = arith.constant 0 : i32
    %dma_start3A_310 = tpu.memref_slice %arg15[%rem3A_307, %dma_start3A_308, %dma_start3A_309] : memref<4x125x64xf32, #tpu.memory_space<vmem>> -> memref<1x80x64xf32, #tpu.memory_space<vmem>>
    %dma_start3A_311 = tpu.memref_squeeze %dma_start3A_310 : memref<1x80x64xf32, #tpu.memory_space<vmem>> -> memref<80x64xf32, #tpu.memory_space<vmem>>
    %dma_start3A_312 = arith.constant 0 : i32
    %dma_start3A_313 = tpu.memref_slice %arg18[%add3A_301, %dma_start3A_312] : memref<10240x64xf32, #tpu.memory_space<vmem_shared>> -> memref<80x64xf32, #tpu.memory_space<vmem_shared>>
    %dma_start3A_314 = tpu.memref_slice %arg22[%rem3A_304] : memref<3x!tpu.dma_semaphore, #tpu.memory_space<semaphore_mem>> -> memref<1x!tpu.dma_semaphore, #tpu.memory_space<semaphore_mem>>
    %dma_start3A_315 = tpu.memref_squeeze %dma_start3A_314 : memref<1x!tpu.dma_semaphore, #tpu.memory_space<semaphore_mem>> -> memref<!tpu.dma_semaphore, #tpu.memory_space<semaphore_mem>>
    %dma_start3A_316 = arith.constant 0 : i32
    %dma_start3A_317 = arith.constant 0 : i32
    %dma_start3A_318 = tpu.memref_slice %arg15[%rem3A_307, %dma_start3A_316, %dma_start3A_317] : memref<4x125x64xf32, #tpu.memory_space<vmem>> -> memref<1x80x64xf32, #tpu.memory_space<vmem>>
    %dma_start3A_319 = tpu.memref_squeeze %dma_start3A_318 : memref<1x80x64xf32, #tpu.memory_space<vmem>> -> memref<80x64xf32, #tpu.memory_space<vmem>>
    %dma_start3A_320 = arith.constant 0 : i32
    %dma_start3A_321 = tpu.memref_slice %arg18[%add3A_301, %dma_start3A_320] : memref<10240x64xf32, #tpu.memory_space<vmem_shared>> -> memref<80x64xf32, #tpu.memory_space<vmem_shared>>
    tpu.enqueue_dma source(%dma_start3A_321 : memref<80x64xf32, #tpu.memory_space<vmem_shared>>) target(%dma_start3A_319 : memref<80x64xf32, #tpu.memory_space<vmem>>) target_semaphore(%dma_start3A_315 : memref<!tpu.dma_semaphore, #tpu.memory_space<semaphore_mem>>)
    %rem3A_322 = arith.constant 0 : i32
    %rem3A_323 = arith.constant 2 : i32
    %rem3A_324 = arith.remsi %rem3A_322, %rem3A_323 : i32
    %dma_start3A_325 = arith.constant 0 : i32
    %dma_start3A_326 = arith.constant 0 : i32
    %dma_start3A_327 = tpu.memref_slice %arg17[%rem3A_324, %dma_start3A_325, %dma_start3A_326] : memref<2x80x16xf32, #tpu.memory_space<vmem>> -> memref<1x80x16xf32, #tpu.memory_space<vmem>>
    %dma_start3A_328 = tpu.memref_squeeze %dma_start3A_327 : memref<1x80x16xf32, #tpu.memory_space<vmem>> -> memref<80x16xf32, #tpu.memory_space<vmem>>
    %dma_start3A_329 = arith.constant 0 : i32
    %dma_start3A_330 = tpu.memref_slice %arg20[%add3A_301, %dma_start3A_329] : memref<10240x16xf32, #tpu.memory_space<vmem_shared>> -> memref<80x16xf32, #tpu.memory_space<vmem_shared>>
    %dma_start3A_331 = tpu.memref_slice %arg21[%rem3A_304] : memref<3x!tpu.dma_semaphore, #tpu.memory_space<semaphore_mem>> -> memref<1x!tpu.dma_semaphore, #tpu.memory_space<semaphore_mem>>
    %dma_start3A_332 = tpu.memref_squeeze %dma_start3A_331 : memref<1x!tpu.dma_semaphore, #tpu.memory_space<semaphore_mem>> -> memref<!tpu.dma_semaphore, #tpu.memory_space<semaphore_mem>>
    %dma_start3A_333 = arith.constant 0 : i32
    %dma_start3A_334 = arith.constant 0 : i32
    %dma_start3A_335 = tpu.memref_slice %arg17[%rem3A_324, %dma_start3A_333, %dma_start3A_334] : memref<2x80x16xf32, #tpu.memory_space<vmem>> -> memref<1x80x16xf32, #tpu.memory_space<vmem>>
    %dma_start3A_336 = tpu.memref_squeeze %dma_start3A_335 : memref<1x80x16xf32, #tpu.memory_space<vmem>> -> memref<80x16xf32, #tpu.memory_space<vmem>>
    %dma_start3A_337 = arith.constant 0 : i32
    %dma_start3A_338 = tpu.memref_slice %arg20[%add3A_301, %dma_start3A_337] : memref<10240x16xf32, #tpu.memory_space<vmem_shared>> -> memref<80x16xf32, #tpu.memory_space<vmem_shared>>
    tpu.enqueue_dma source(%dma_start3A_338 : memref<80x16xf32, #tpu.memory_space<vmem_shared>>) target(%dma_start3A_336 : memref<80x16xf32, #tpu.memory_space<vmem>>) target_semaphore(%dma_start3A_332 : memref<!tpu.dma_semaphore, #tpu.memory_space<semaphore_mem>>)
    %scan3A_339 = arith.constant 0 : i32
    %scan3A_340 = arith.constant 0 : i32
    %scan3A_341 = arith.constant 8 : i32
    %scan3A_342 = arith.addi %scan3A_340, %scan3A_341 : i32
    %scan3A_343 = arith.constant 1 : i32
    scf.for %scan3A_655 = %scan3A_340 to %scan3A_342 step %scan3A_343  : i32 {
      %ge3A = arith.constant 1 : i32
      %ge3A_656 = arith.cmpi sge, %scan3A_655, %ge3A : i32
      %convert_element_type3A_657 = arith.extui %ge3A_656 : i1 to i32
      %cond3A_658 = arith.constant 0 : i32
      %cond3A_659 = arith.cmpi ne, %convert_element_type3A_657, %cond3A_658 : i32
      scf.if %cond3A_659 {
        %sub3A = arith.constant 1 : i32
        %sub3A_734 = arith.subi %scan3A_655, %sub3A : i32
        %rem3A_735 = arith.constant 2 : i32
        %rem3A_736 = arith.remsi %sub3A_734, %rem3A_735 : i32
        %dma_wait3A_737 = arith.constant 0 : i32
        %dma_wait3A_738 = arith.constant 0 : i32
        %dma_wait3A_739 = arith.constant 0 : i32
        %dma_wait3A_740 = tpu.memref_slice %arg15[%dma_wait3A_737, %dma_wait3A_738, %dma_wait3A_739] : memref<4x125x64xf32, #tpu.memory_space<vmem>> -> memref<1x80x64xf32, #tpu.memory_space<vmem>>
        %dma_wait3A_741 = tpu.memref_squeeze %dma_wait3A_740 : memref<1x80x64xf32, #tpu.memory_space<vmem>> -> memref<80x64xf32, #tpu.memory_space<vmem>>
        %dma_wait3A_742 = arith.constant 0 : i32
        %dma_wait3A_743 = arith.constant 0 : i32
        %dma_wait3A_744 = tpu.memref_slice %arg12[%dma_wait3A_742, %dma_wait3A_743] : memref<20480x64xf32, #tpu.memory_space<hbm>> -> memref<80x64xf32, #tpu.memory_space<hbm>>
        %dma_wait3A_745 = tpu.memref_slice %arg24[%rem3A_736] : memref<2x!tpu.dma_semaphore, #tpu.memory_space<semaphore_mem>> -> memref<1x!tpu.dma_semaphore, #tpu.memory_space<semaphore_mem>>
        %dma_wait3A_746 = tpu.memref_squeeze %dma_wait3A_745 : memref<1x!tpu.dma_semaphore, #tpu.memory_space<semaphore_mem>> -> memref<!tpu.dma_semaphore, #tpu.memory_space<semaphore_mem>>
        %dma_wait3A_747 = arith.constant 0 : i32
        %dma_wait3A_748 = arith.constant 0 : i32
        %dma_wait3A_749 = tpu.memref_slice %arg12[%dma_wait3A_747, %dma_wait3A_748] : memref<20480x64xf32, #tpu.memory_space<hbm>> -> memref<80x64xf32, #tpu.memory_space<hbm>>
        %dma_wait3A_750 = arith.constant 0 : i32
        %dma_wait3A_751 = arith.constant 0 : i32
        %dma_wait3A_752 = tpu.memref_slice %arg15[%dma_wait3A_737, %dma_wait3A_750, %dma_wait3A_751] : memref<4x125x64xf32, #tpu.memory_space<vmem>> -> memref<1x80x64xf32, #tpu.memory_space<vmem>>
        %dma_wait3A_753 = tpu.memref_squeeze %dma_wait3A_752 : memref<1x80x64xf32, #tpu.memory_space<vmem>> -> memref<80x64xf32, #tpu.memory_space<vmem>>
        tpu.wait_dma2 semaphore(%dma_wait3A_746 : memref<!tpu.dma_semaphore, #tpu.memory_space<semaphore_mem>>) src(%dma_wait3A_753 : memref<80x64xf32, #tpu.memory_space<vmem>>) dst(%dma_wait3A_749 : memref<80x64xf32, #tpu.memory_space<hbm>>)
      } else {
      }
      %add3A_660 = arith.constant 1 : i32
      %add3A_661 = arith.addi %scan3A_655, %add3A_660 : i32
      %lt3A = arith.constant 8 : i32
      %lt3A_662 = arith.cmpi slt, %add3A_661, %lt3A : i32
      %convert_element_type3A_663 = arith.extui %lt3A_662 : i1 to i32
      %cond3A_664 = arith.constant 0 : i32
      %cond3A_665 = arith.cmpi ne, %convert_element_type3A_663, %cond3A_664 : i32
      scf.if %cond3A_665 {
        %add3A_734 = arith.constant 1 : i32
        %add3A_735 = arith.addi %scan3A_655, %add3A_734 : i32
        %mul3A_736 = arith.constant 640 : i32
        %mul3A_737 = arith.muli %arg1, %mul3A_736 : i32
        %mul3A_738 = arith.constant 80 : i32
        %mul3A_739 = arith.muli %add3A_735, %mul3A_738 : i32
        %add3A_740 = arith.addi %mul3A_737, %mul3A_739 : i32
        %rem3A_741 = arith.constant 3 : i32
        %rem3A_742 = arith.remsi %add3A_735, %rem3A_741 : i32
        %rem3A_743 = arith.constant 2 : i32
        %rem3A_744 = arith.remsi %add3A_735, %rem3A_743 : i32
        %dma_start3A_745 = arith.constant 0 : i32
        %dma_start3A_746 = arith.constant 0 : i32
        %dma_start3A_747 = tpu.memref_slice %arg15[%rem3A_744, %dma_start3A_745, %dma_start3A_746] : memref<4x125x64xf32, #tpu.memory_space<vmem>> -> memref<1x80x64xf32, #tpu.memory_space<vmem>>
        %dma_start3A_748 = tpu.memref_squeeze %dma_start3A_747 : memref<1x80x64xf32, #tpu.memory_space<vmem>> -> memref<80x64xf32, #tpu.memory_space<vmem>>
        %dma_start3A_749 = arith.constant 0 : i32
        %dma_start3A_750 = tpu.memref_slice %arg18[%add3A_740, %dma_start3A_749] : memref<10240x64xf32, #tpu.memory_space<vmem_shared>> -> memref<80x64xf32, #tpu.memory_space<vmem_shared>>
        %dma_start3A_751 = tpu.memref_slice %arg22[%rem3A_742] : memref<3x!tpu.dma_semaphore, #tpu.memory_space<semaphore_mem>> -> memref<1x!tpu.dma_semaphore, #tpu.memory_space<semaphore_mem>>
        %dma_start3A_752 = tpu.memref_squeeze %dma_start3A_751 : memref<1x!tpu.dma_semaphore, #tpu.memory_space<semaphore_mem>> -> memref<!tpu.dma_semaphore, #tpu.memory_space<semaphore_mem>>
        %dma_start3A_753 = arith.constant 0 : i32
        %dma_start3A_754 = arith.constant 0 : i32
        %dma_start3A_755 = tpu.memref_slice %arg15[%rem3A_744, %dma_start3A_753, %dma_start3A_754] : memref<4x125x64xf32, #tpu.memory_space<vmem>> -> memref<1x80x64xf32, #tpu.memory_space<vmem>>
        %dma_start3A_756 = tpu.memref_squeeze %dma_start3A_755 : memref<1x80x64xf32, #tpu.memory_space<vmem>> -> memref<80x64xf32, #tpu.memory_space<vmem>>
        %dma_start3A_757 = arith.constant 0 : i32
        %dma_start3A_758 = tpu.memref_slice %arg18[%add3A_740, %dma_start3A_757] : memref<10240x64xf32, #tpu.memory_space<vmem_shared>> -> memref<80x64xf32, #tpu.memory_space<vmem_shared>>
        tpu.enqueue_dma source(%dma_start3A_758 : memref<80x64xf32, #tpu.memory_space<vmem_shared>>) target(%dma_start3A_756 : memref<80x64xf32, #tpu.memory_space<vmem>>) target_semaphore(%dma_start3A_752 : memref<!tpu.dma_semaphore, #tpu.memory_space<semaphore_mem>>)
        %rem3A_759 = arith.constant 2 : i32
        %rem3A_760 = arith.remsi %add3A_735, %rem3A_759 : i32
        %dma_start3A_761 = arith.constant 0 : i32
        %dma_start3A_762 = arith.constant 0 : i32
        %dma_start3A_763 = tpu.memref_slice %arg17[%rem3A_760, %dma_start3A_761, %dma_start3A_762] : memref<2x80x16xf32, #tpu.memory_space<vmem>> -> memref<1x80x16xf32, #tpu.memory_space<vmem>>
        %dma_start3A_764 = tpu.memref_squeeze %dma_start3A_763 : memref<1x80x16xf32, #tpu.memory_space<vmem>> -> memref<80x16xf32, #tpu.memory_space<vmem>>
        %dma_start3A_765 = arith.constant 0 : i32
        %dma_start3A_766 = tpu.memref_slice %arg20[%add3A_740, %dma_start3A_765] : memref<10240x16xf32, #tpu.memory_space<vmem_shared>> -> memref<80x16xf32, #tpu.memory_space<vmem_shared>>
        %dma_start3A_767 = tpu.memref_slice %arg21[%rem3A_742] : memref<3x!tpu.dma_semaphore, #tpu.memory_space<semaphore_mem>> -> memref<1x!tpu.dma_semaphore, #tpu.memory_space<semaphore_mem>>
        %dma_start3A_768 = tpu.memref_squeeze %dma_start3A_767 : memref<1x!tpu.dma_semaphore, #tpu.memory_space<semaphore_mem>> -> memref<!tpu.dma_semaphore, #tpu.memory_space<semaphore_mem>>
        %dma_start3A_769 = arith.constant 0 : i32
        %dma_start3A_770 = arith.constant 0 : i32
        %dma_start3A_771 = tpu.memref_slice %arg17[%rem3A_760, %dma_start3A_769, %dma_start3A_770] : memref<2x80x16xf32, #tpu.memory_space<vmem>> -> memref<1x80x16xf32, #tpu.memory_space<vmem>>
        %dma_start3A_772 = tpu.memref_squeeze %dma_start3A_771 : memref<1x80x16xf32, #tpu.memory_space<vmem>> -> memref<80x16xf32, #tpu.memory_space<vmem>>
        %dma_start3A_773 = arith.constant 0 : i32
        %dma_start3A_774 = tpu.memref_slice %arg20[%add3A_740, %dma_start3A_773] : memref<10240x16xf32, #tpu.memory_space<vmem_shared>> -> memref<80x16xf32, #tpu.memory_space<vmem_shared>>
        tpu.enqueue_dma source(%dma_start3A_774 : memref<80x16xf32, #tpu.memory_space<vmem_shared>>) target(%dma_start3A_772 : memref<80x16xf32, #tpu.memory_space<vmem>>) target_semaphore(%dma_start3A_768 : memref<!tpu.dma_semaphore, #tpu.memory_space<semaphore_mem>>)
      } else {
      }
      %rem3A_666 = arith.constant 3 : i32
      %rem3A_667 = arith.remsi %scan3A_655, %rem3A_666 : i32
      %dma_wait3A_668 = arith.constant 0 : i32
      %dma_wait3A_669 = arith.constant 0 : i32
      %dma_wait3A_670 = arith.constant 0 : i32
      %dma_wait3A_671 = tpu.memref_slice %arg15[%dma_wait3A_668, %dma_wait3A_669, %dma_wait3A_670] : memref<4x125x64xf32, #tpu.memory_space<vmem>> -> memref<1x80x64xf32, #tpu.memory_space<vmem>>
      %dma_wait3A_672 = tpu.memref_squeeze %dma_wait3A_671 : memref<1x80x64xf32, #tpu.memory_space<vmem>> -> memref<80x64xf32, #tpu.memory_space<vmem>>
      %dma_wait3A_673 = arith.constant 0 : i32
      %dma_wait3A_674 = arith.constant 0 : i32
      %dma_wait3A_675 = tpu.memref_slice %arg18[%dma_wait3A_673, %dma_wait3A_674] : memref<10240x64xf32, #tpu.memory_space<vmem_shared>> -> memref<80x64xf32, #tpu.memory_space<vmem_shared>>
      %dma_wait3A_676 = tpu.memref_slice %arg22[%rem3A_667] : memref<3x!tpu.dma_semaphore, #tpu.memory_space<semaphore_mem>> -> memref<1x!tpu.dma_semaphore, #tpu.memory_space<semaphore_mem>>
      %dma_wait3A_677 = tpu.memref_squeeze %dma_wait3A_676 : memref<1x!tpu.dma_semaphore, #tpu.memory_space<semaphore_mem>> -> memref<!tpu.dma_semaphore, #tpu.memory_space<semaphore_mem>>
      %dma_wait3A_678 = arith.constant 0 : i32
      %dma_wait3A_679 = arith.constant 0 : i32
      %dma_wait3A_680 = tpu.memref_slice %arg15[%dma_wait3A_668, %dma_wait3A_678, %dma_wait3A_679] : memref<4x125x64xf32, #tpu.memory_space<vmem>> -> memref<1x80x64xf32, #tpu.memory_space<vmem>>
      %dma_wait3A_681 = tpu.memref_squeeze %dma_wait3A_680 : memref<1x80x64xf32, #tpu.memory_space<vmem>> -> memref<80x64xf32, #tpu.memory_space<vmem>>
      %dma_wait3A_682 = arith.constant 0 : i32
      %dma_wait3A_683 = arith.constant 0 : i32
      %dma_wait3A_684 = tpu.memref_slice %arg18[%dma_wait3A_682, %dma_wait3A_683] : memref<10240x64xf32, #tpu.memory_space<vmem_shared>> -> memref<80x64xf32, #tpu.memory_space<vmem_shared>>
      tpu.wait_dma2 semaphore(%dma_wait3A_677 : memref<!tpu.dma_semaphore, #tpu.memory_space<semaphore_mem>>) src(%dma_wait3A_684 : memref<80x64xf32, #tpu.memory_space<vmem_shared>>) dst(%dma_wait3A_681 : memref<80x64xf32, #tpu.memory_space<vmem>>)
      %dma_wait3A_685 = arith.constant 0 : i32
      %dma_wait3A_686 = arith.constant 0 : i32
      %dma_wait3A_687 = arith.constant 0 : i32
      %dma_wait3A_688 = tpu.memref_slice %arg17[%dma_wait3A_685, %dma_wait3A_686, %dma_wait3A_687] : memref<2x80x16xf32, #tpu.memory_space<vmem>> -> memref<1x80x16xf32, #tpu.memory_space<vmem>>
      %dma_wait3A_689 = tpu.memref_squeeze %dma_wait3A_688 : memref<1x80x16xf32, #tpu.memory_space<vmem>> -> memref<80x16xf32, #tpu.memory_space<vmem>>
      %dma_wait3A_690 = arith.constant 0 : i32
      %dma_wait3A_691 = arith.constant 0 : i32
      %dma_wait3A_692 = tpu.memref_slice %arg20[%dma_wait3A_690, %dma_wait3A_691] : memref<10240x16xf32, #tpu.memory_space<vmem_shared>> -> memref<80x16xf32, #tpu.memory_space<vmem_shared>>
      %dma_wait3A_693 = tpu.memref_slice %arg21[%rem3A_667] : memref<3x!tpu.dma_semaphore, #tpu.memory_space<semaphore_mem>> -> memref<1x!tpu.dma_semaphore, #tpu.memory_space<semaphore_mem>>
      %dma_wait3A_694 = tpu.memref_squeeze %dma_wait3A_693 : memref<1x!tpu.dma_semaphore, #tpu.memory_space<semaphore_mem>> -> memref<!tpu.dma_semaphore, #tpu.memory_space<semaphore_mem>>
      %dma_wait3A_695 = arith.constant 0 : i32
      %dma_wait3A_696 = arith.constant 0 : i32
      %dma_wait3A_697 = tpu.memref_slice %arg17[%dma_wait3A_685, %dma_wait3A_695, %dma_wait3A_696] : memref<2x80x16xf32, #tpu.memory_space<vmem>> -> memref<1x80x16xf32, #tpu.memory_space<vmem>>
      %dma_wait3A_698 = tpu.memref_squeeze %dma_wait3A_697 : memref<1x80x16xf32, #tpu.memory_space<vmem>> -> memref<80x16xf32, #tpu.memory_space<vmem>>
      %dma_wait3A_699 = arith.constant 0 : i32
      %dma_wait3A_700 = arith.constant 0 : i32
      %dma_wait3A_701 = tpu.memref_slice %arg20[%dma_wait3A_699, %dma_wait3A_700] : memref<10240x16xf32, #tpu.memory_space<vmem_shared>> -> memref<80x16xf32, #tpu.memory_space<vmem_shared>>
      tpu.wait_dma2 semaphore(%dma_wait3A_694 : memref<!tpu.dma_semaphore, #tpu.memory_space<semaphore_mem>>) src(%dma_wait3A_701 : memref<80x16xf32, #tpu.memory_space<vmem_shared>>) dst(%dma_wait3A_698 : memref<80x16xf32, #tpu.memory_space<vmem>>)
      %rem3A_702 = arith.constant 2 : i32
      %rem3A_703 = arith.remsi %scan3A_655, %rem3A_702 : i32
      %scan3A_704 = arith.constant 0 : i32
      %scan3A_705 = arith.constant 0 : i32
      %scan3A_706 = arith.constant 80 : i32
      %scan3A_707 = arith.addi %scan3A_705, %scan3A_706 : i32
      %scan3A_708 = arith.constant 1 : i32
      scf.for %scan3A_734 = %scan3A_705 to %scan3A_707 step %scan3A_708  : i32 {
        %get3A = arith.index_cast %rem3A_703 : i32 to index
        %get3A_735 = arith.index_cast %scan3A_734 : i32 to index
        %get3A_736 = arith.constant 0 : index
        %get3A_737 = tpu.vector_load %arg17[%get3A, %get3A_735, %get3A_736] {strides = array<i32>} : memref<2x80x16xf32, #tpu.memory_space<vmem>>, vector<1x1x16xf32>,
        %get3A_738 = vector.shape_cast %get3A_737 : vector<1x1x16xf32> to vector<16xf32>
        %eq3A_739 = arith.constant 0.000000e+00 : f32
        %eq3A_740 = vector.broadcast %eq3A_739 : f32 to vector<16xf32>
        %eq3A_741 = arith.cmpf oeq, %get3A_738, %eq3A_740 : vector<16xf32>
        %jit3A = arith.constant 1.000000e+00 : f32
        %broadcast_in_dim3A = vector.broadcast %jit3A : f32 to vector<16xf32>
        %select_n3A = arith.select %eq3A_741, %broadcast_in_dim3A, %get3A_738 : vector<16xi1>, vector<16xf32>
        %get3A_742 = arith.index_cast %rem3A_703 : i32 to index
        %get3A_743 = arith.index_cast %scan3A_734 : i32 to index
        %get3A_744 = arith.constant 0 : index
        %get3A_745 = tpu.vector_load %arg15[%get3A_742, %get3A_743, %get3A_744] {strides = array<i32>} : memref<4x125x64xf32, #tpu.memory_space<vmem>>, vector<1x1x16xf32>,
        %get3A_746 = vector.shape_cast %get3A_745 : vector<1x1x16xf32> to vector<16xf32>
        %div3A = arith.divf %get3A_746, %select_n3A : vector<16xf32>
        %swap3A = arith.index_cast %rem3A_703 : i32 to index
        %swap3A_747 = arith.index_cast %scan3A_734 : i32 to index
        %swap3A_748 = arith.constant 0 : index
        %swap3A_749 = tpu.vector_load %arg15[%swap3A, %swap3A_747, %swap3A_748] {strides = array<i32>} : memref<4x125x64xf32, #tpu.memory_space<vmem>>, vector<1x1x16xf32>,
        %swap3A_750 = vector.shape_cast %swap3A_749 : vector<1x1x16xf32> to vector<16xf32>
        %swap3A_751 = vector.shape_cast %div3A : vector<16xf32> to vector<1x1x16xf32>
        tpu.vector_store %arg15[%swap3A, %swap3A_747, %swap3A_748], %swap3A_751 {strides = array<i32>} : memref<4x125x64xf32, #tpu.memory_space<vmem>>, vector<1x1x16xf32>,
        %get3A_752 = arith.index_cast %rem3A_703 : i32 to index
        %get3A_753 = arith.index_cast %scan3A_734 : i32 to index
        %get3A_754 = arith.constant 16 : index
        %get3A_755 = tpu.vector_load %arg15[%get3A_752, %get3A_753, %get3A_754] {strides = array<i32>} : memref<4x125x64xf32, #tpu.memory_space<vmem>>, vector<1x1x16xf32>,
        %get3A_756 = vector.shape_cast %get3A_755 : vector<1x1x16xf32> to vector<16xf32>
        %div3A_757 = arith.divf %get3A_756, %select_n3A : vector<16xf32>
        %swap3A_758 = arith.index_cast %rem3A_703 : i32 to index
        %swap3A_759 = arith.index_cast %scan3A_734 : i32 to index
        %swap3A_760 = arith.constant 16 : index
        %swap3A_761 = tpu.vector_load %arg15[%swap3A_758, %swap3A_759, %swap3A_760] {strides = array<i32>} : memref<4x125x64xf32, #tpu.memory_space<vmem>>, vector<1x1x16xf32>,
        %swap3A_762 = vector.shape_cast %swap3A_761 : vector<1x1x16xf32> to vector<16xf32>
        %swap3A_763 = vector.shape_cast %div3A_757 : vector<16xf32> to vector<1x1x16xf32>
        tpu.vector_store %arg15[%swap3A_758, %swap3A_759, %swap3A_760], %swap3A_763 {strides = array<i32>} : memref<4x125x64xf32, #tpu.memory_space<vmem>>, vector<1x1x16xf32>,
        %get3A_764 = arith.index_cast %rem3A_703 : i32 to index
        %get3A_765 = arith.index_cast %scan3A_734 : i32 to index
        %get3A_766 = arith.constant 32 : index
        %get3A_767 = tpu.vector_load %arg15[%get3A_764, %get3A_765, %get3A_766] {strides = array<i32>} : memref<4x125x64xf32, #tpu.memory_space<vmem>>, vector<1x1x16xf32>,
        %get3A_768 = vector.shape_cast %get3A_767 : vector<1x1x16xf32> to vector<16xf32>
        %div3A_769 = arith.divf %get3A_768, %select_n3A : vector<16xf32>
        %swap3A_770 = arith.index_cast %rem3A_703 : i32 to index
        %swap3A_771 = arith.index_cast %scan3A_734 : i32 to index
        %swap3A_772 = arith.constant 32 : index
        %swap3A_773 = tpu.vector_load %arg15[%swap3A_770, %swap3A_771, %swap3A_772] {strides = array<i32>} : memref<4x125x64xf32, #tpu.memory_space<vmem>>, vector<1x1x16xf32>,
        %swap3A_774 = vector.shape_cast %swap3A_773 : vector<1x1x16xf32> to vector<16xf32>
        %swap3A_775 = vector.shape_cast %div3A_769 : vector<16xf32> to vector<1x1x16xf32>
        tpu.vector_store %arg15[%swap3A_770, %swap3A_771, %swap3A_772], %swap3A_775 {strides = array<i32>} : memref<4x125x64xf32, #tpu.memory_space<vmem>>, vector<1x1x16xf32>,
        %get3A_776 = arith.index_cast %rem3A_703 : i32 to index
        %get3A_777 = arith.index_cast %scan3A_734 : i32 to index
        %get3A_778 = arith.constant 48 : index
        %get3A_779 = tpu.vector_load %arg15[%get3A_776, %get3A_777, %get3A_778] {strides = array<i32>} : memref<4x125x64xf32, #tpu.memory_space<vmem>>, vector<1x1x16xf32>,
        %get3A_780 = vector.shape_cast %get3A_779 : vector<1x1x16xf32> to vector<16xf32>
        %div3A_781 = arith.divf %get3A_780, %select_n3A : vector<16xf32>
        %swap3A_782 = arith.index_cast %rem3A_703 : i32 to index
        %swap3A_783 = arith.index_cast %scan3A_734 : i32 to index
        %swap3A_784 = arith.constant 48 : index
        %swap3A_785 = tpu.vector_load %arg15[%swap3A_782, %swap3A_783, %swap3A_784] {strides = array<i32>} : memref<4x125x64xf32, #tpu.memory_space<vmem>>, vector<1x1x16xf32>,
        %swap3A_786 = vector.shape_cast %swap3A_785 : vector<1x1x16xf32> to vector<16xf32>
        %swap3A_787 = vector.shape_cast %div3A_781 : vector<16xf32> to vector<1x1x16xf32>
        tpu.vector_store %arg15[%swap3A_782, %swap3A_783, %swap3A_784], %swap3A_787 {strides = array<i32>} : memref<4x125x64xf32, #tpu.memory_space<vmem>>, vector<1x1x16xf32>,
      }
      %scan3A_709 = arith.constant 80 : i32
      %mul3A_710 = arith.constant 640 : i32
      %mul3A_711 = arith.muli %arg1, %mul3A_710 : i32
      %mul3A_712 = arith.constant 80 : i32
      %mul3A_713 = arith.muli %scan3A_655, %mul3A_712 : i32
      %add3A_714 = arith.addi %mul3A_711, %mul3A_713 : i32
      %mul3A_715 = arith.constant 10240 : i32
      %mul3A_716 = arith.muli %arg0, %mul3A_715 : i32
      %add3A_717 = arith.addi %mul3A_716, %add3A_714 : i32
      %rem3A_718 = arith.constant 2 : i32
      %rem3A_719 = arith.remsi %scan3A_655, %rem3A_718 : i32
      %dma_start3A_720 = arith.constant 0 : i32
      %dma_start3A_721 = arith.constant 0 : i32
      %dma_start3A_722 = tpu.memref_slice %arg15[%rem3A_703, %dma_start3A_720, %dma_start3A_721] : memref<4x125x64xf32, #tpu.memory_space<vmem>> -> memref<1x80x64xf32, #tpu.memory_space<vmem>>
      %dma_start3A_723 = tpu.memref_squeeze %dma_start3A_722 : memref<1x80x64xf32, #tpu.memory_space<vmem>> -> memref<80x64xf32, #tpu.memory_space<vmem>>
      %dma_start3A_724 = arith.constant 0 : i32
      %dma_start3A_725 = tpu.memref_slice %arg12[%add3A_717, %dma_start3A_724] : memref<20480x64xf32, #tpu.memory_space<hbm>> -> memref<80x64xf32, #tpu.memory_space<hbm>>
      %dma_start3A_726 = tpu.memref_slice %arg24[%rem3A_719] : memref<2x!tpu.dma_semaphore, #tpu.memory_space<semaphore_mem>> -> memref<1x!tpu.dma_semaphore, #tpu.memory_space<semaphore_mem>>
      %dma_start3A_727 = tpu.memref_squeeze %dma_start3A_726 : memref<1x!tpu.dma_semaphore, #tpu.memory_space<semaphore_mem>> -> memref<!tpu.dma_semaphore, #tpu.memory_space<semaphore_mem>>
      %dma_start3A_728 = arith.constant 0 : i32
      %dma_start3A_729 = tpu.memref_slice %arg12[%add3A_717, %dma_start3A_728] : memref<20480x64xf32, #tpu.memory_space<hbm>> -> memref<80x64xf32, #tpu.memory_space<hbm>>
      %dma_start3A_730 = arith.constant 0 : i32
      %dma_start3A_731 = arith.constant 0 : i32
      %dma_start3A_732 = tpu.memref_slice %arg15[%rem3A_703, %dma_start3A_730, %dma_start3A_731] : memref<4x125x64xf32, #tpu.memory_space<vmem>> -> memref<1x80x64xf32, #tpu.memory_space<vmem>>
      %dma_start3A_733 = tpu.memref_squeeze %dma_start3A_732 : memref<1x80x64xf32, #tpu.memory_space<vmem>> -> memref<80x64xf32, #tpu.memory_space<vmem>>
      tpu.enqueue_dma source(%dma_start3A_733 : memref<80x64xf32, #tpu.memory_space<vmem>>) target(%dma_start3A_729 : memref<80x64xf32, #tpu.memory_space<hbm>>) target_semaphore(%dma_start3A_727 : memref<!tpu.dma_semaphore, #tpu.memory_space<semaphore_mem>>)
    }
    %scan3A_344 = arith.constant 8 : i32
    %rem3A_345 = arith.constant 7 : i32
    %rem3A_346 = arith.constant 2 : i32
    %rem3A_347 = arith.remsi %rem3A_345, %rem3A_346 : i32
    %dma_wait3A_348 = arith.constant 0 : i32
    %dma_wait3A_349 = arith.constant 0 : i32
    %dma_wait3A_350 = arith.constant 0 : i32
    %dma_wait3A_351 = tpu.memref_slice %arg15[%dma_wait3A_348, %dma_wait3A_349, %dma_wait3A_350] : memref<4x125x64xf32, #tpu.memory_space<vmem>> -> memref<1x80x64xf32, #tpu.memory_space<vmem>>
    %dma_wait3A_352 = tpu.memref_squeeze %dma_wait3A_351 : memref<1x80x64xf32, #tpu.memory_space<vmem>> -> memref<80x64xf32, #tpu.memory_space<vmem>>
    %dma_wait3A_353 = arith.constant 0 : i32
    %dma_wait3A_354 = arith.constant 0 : i32
    %dma_wait3A_355 = tpu.memref_slice %arg12[%dma_wait3A_353, %dma_wait3A_354] : memref<20480x64xf32, #tpu.memory_space<hbm>> -> memref<80x64xf32, #tpu.memory_space<hbm>>
    %dma_wait3A_356 = tpu.memref_slice %arg24[%rem3A_347] : memref<2x!tpu.dma_semaphore, #tpu.memory_space<semaphore_mem>> -> memref<1x!tpu.dma_semaphore, #tpu.memory_space<semaphore_mem>>
    %dma_wait3A_357 = tpu.memref_squeeze %dma_wait3A_356 : memref<1x!tpu.dma_semaphore, #tpu.memory_space<semaphore_mem>> -> memref<!tpu.dma_semaphore, #tpu.memory_space<semaphore_mem>>
    %dma_wait3A_358 = arith.constant 0 : i32
    %dma_wait3A_359 = arith.constant 0 : i32
    %dma_wait3A_360 = tpu.memref_slice %arg12[%dma_wait3A_358, %dma_wait3A_359] : memref<20480x64xf32, #tpu.memory_space<hbm>> -> memref<80x64xf32, #tpu.memory_space<hbm>>
    %dma_wait3A_361 = arith.constant 0 : i32
    %dma_wait3A_362 = arith.constant 0 : i32
    %dma_wait3A_363 = tpu.memref_slice %arg15[%dma_wait3A_348, %dma_wait3A_361, %dma_wait3A_362] : memref<4x125x64xf32, #tpu.memory_space<vmem>> -> memref<1x80x64xf32, #tpu.memory_space<vmem>>
    %dma_wait3A_364 = tpu.memref_squeeze %dma_wait3A_363 : memref<1x80x64xf32, #tpu.memory_space<vmem>> -> memref<80x64xf32, #tpu.memory_space<vmem>>
    tpu.wait_dma2 semaphore(%dma_wait3A_357 : memref<!tpu.dma_semaphore, #tpu.memory_space<semaphore_mem>>) src(%dma_wait3A_364 : memref<80x64xf32, #tpu.memory_space<vmem>>) dst(%dma_wait3A_360 : memref<80x64xf32, #tpu.memory_space<hbm>>)
    %mul3A_365 = arith.constant 640 : i32
    %mul3A_366 = arith.muli %arg1, %mul3A_365 : i32
    "tpu.region"() ({
      %run_scoped3A = tpu.sem_alloc : memref<!tpu.dma_semaphore, #tpu.memory_space<semaphore_mem>>
      %dma_start3A_655 = arith.constant 0 : i32
      %dma_start3A_656 = tpu.memref_slice %arg20[%mul3A_366, %dma_start3A_655] : memref<10240x16xf32, #tpu.memory_space<vmem_shared>> -> memref<640x16xf32, #tpu.memory_space<vmem_shared>>
      tpu.enqueue_dma source(%arg8 : memref<640x16xf32, #tpu.memory_space<hbm>>) target(%dma_start3A_656 : memref<640x16xf32, #tpu.memory_space<vmem_shared>>) target_semaphore(%run_scoped3A : memref<!tpu.dma_semaphore, #tpu.memory_space<semaphore_mem>>)
      %dma_wait3A_657 = arith.constant 0 : i32
      %dma_wait3A_658 = tpu.memref_slice %arg20[%mul3A_366, %dma_wait3A_657] : memref<10240x16xf32, #tpu.memory_space<vmem_shared>> -> memref<640x16xf32, #tpu.memory_space<vmem_shared>>
      tpu.wait_dma2 semaphore(%run_scoped3A : memref<!tpu.dma_semaphore, #tpu.memory_space<semaphore_mem>>) src(%arg8 : memref<640x16xf32, #tpu.memory_space<hbm>>) dst(%dma_wait3A_658 : memref<640x16xf32, #tpu.memory_space<vmem_shared>>)
      tpu.yield
    }) : () -> ()
    %barrier3A_367 = arith.constant 0 : index
    tpu.barrier barrier_id(%barrier3A_367)
    %mul3A_368 = arith.constant 160 : i32
    %mul3A_369 = arith.muli %add3A, %mul3A_368 : i32
    %mul3A_370 = arith.constant 160 : i32
    %mul3A_371 = arith.muli %arg1, %mul3A_370 : i32
    %rem3A_372 = arith.constant 0 : i32
    %rem3A_373 = arith.constant 6 : i32
    %rem3A_374 = arith.remsi %rem3A_372, %rem3A_373 : i32
    %rem3A_375 = arith.constant 0 : i32
    %rem3A_376 = arith.constant 3 : i32
    %rem3A_377 = arith.remsi %rem3A_375, %rem3A_376 : i32
    %add3A_378 = arith.constant 0 : i32
    %add3A_379 = arith.addi %mul3A_369, %add3A_378 : i32
    %dma_start3A_380 = arith.constant 0 : i32
    %dma_start3A_381 = tpu.memref_slice %arg13[%rem3A_374, %dma_start3A_380] : memref<6x125xi32, #tpu.memory_space<vmem>> -> memref<1x125xi32, #tpu.memory_space<vmem>>
    %dma_start3A_382 = tpu.memref_squeeze %dma_start3A_381 : memref<1x125xi32, #tpu.memory_space<vmem>> -> memref<125xi32, #tpu.memory_space<vmem>>
    %dma_start3A_383 = arith.constant 0 : i32
    %dma_start3A_384 = tpu.memref_slice %arg5[%add3A_379, %dma_start3A_383] : memref<5120x125xi32, #tpu.memory_space<hbm>> -> memref<1x125xi32, #tpu.memory_space<hbm>>
    %dma_start3A_385 = tpu.memref_squeeze %dma_start3A_384 : memref<1x125xi32, #tpu.memory_space<hbm>> -> memref<125xi32, #tpu.memory_space<hbm>>
    %dma_start3A_386 = tpu.memref_slice %arg21[%rem3A_377] : memref<3x!tpu.dma_semaphore, #tpu.memory_space<semaphore_mem>> -> memref<1x!tpu.dma_semaphore, #tpu.memory_space<semaphore_mem>>
    %dma_start3A_387 = tpu.memref_squeeze %dma_start3A_386 : memref<1x!tpu.dma_semaphore, #tpu.memory_space<semaphore_mem>> -> memref<!tpu.dma_semaphore, #tpu.memory_space<semaphore_mem>>
    %dma_start3A_388 = arith.constant 0 : i32
    %dma_start3A_389 = tpu.memref_slice %arg13[%rem3A_374, %dma_start3A_388] : memref<6x125xi32, #tpu.memory_space<vmem>> -> memref<1x125xi32, #tpu.memory_space<vmem>>
    %dma_start3A_390 = tpu.memref_squeeze %dma_start3A_389 : memref<1x125xi32, #tpu.memory_space<vmem>> -> memref<125xi32, #tpu.memory_space<vmem>>
    %dma_start3A_391 = arith.constant 0 : i32
    %dma_start3A_392 = tpu.memref_slice %arg5[%add3A_379, %dma_start3A_391] : memref<5120x125xi32, #tpu.memory_space<hbm>> -> memref<1x125xi32, #tpu.memory_space<hbm>>
    %dma_start3A_393 = tpu.memref_squeeze %dma_start3A_392 : memref<1x125xi32, #tpu.memory_space<hbm>> -> memref<125xi32, #tpu.memory_space<hbm>>
    tpu.enqueue_dma source(%dma_start3A_393 : memref<125xi32, #tpu.memory_space<hbm>>) target(%dma_start3A_390 : memref<125xi32, #tpu.memory_space<vmem>>) target_semaphore(%dma_start3A_387 : memref<!tpu.dma_semaphore, #tpu.memory_space<semaphore_mem>>)
    %add3A_394 = arith.constant 0 : i32
    %add3A_395 = arith.addi %mul3A_371, %add3A_394 : i32
    %dma_start3A_396 = arith.constant 0 : i32
    %dma_start3A_397 = tpu.memref_slice %arg14[%rem3A_374, %dma_start3A_396] : memref<6x125xi32, #tpu.memory_space<vmem>> -> memref<1x125xi32, #tpu.memory_space<vmem>>
    %dma_start3A_398 = tpu.memref_squeeze %dma_start3A_397 : memref<1x125xi32, #tpu.memory_space<vmem>> -> memref<125xi32, #tpu.memory_space<vmem>>
    %dma_start3A_399 = arith.constant 0 : i32
    %dma_start3A_400 = tpu.memref_slice %arg6[%add3A_395, %dma_start3A_399] : memref<2560x125xi32, #tpu.memory_space<hbm>> -> memref<1x125xi32, #tpu.memory_space<hbm>>
    %dma_start3A_401 = tpu.memref_squeeze %dma_start3A_400 : memref<1x125xi32, #tpu.memory_space<hbm>> -> memref<125xi32, #tpu.memory_space<hbm>>
    %dma_start3A_402 = tpu.memref_slice %arg21[%rem3A_377] : memref<3x!tpu.dma_semaphore, #tpu.memory_space<semaphore_mem>> -> memref<1x!tpu.dma_semaphore, #tpu.memory_space<semaphore_mem>>
    %dma_start3A_403 = tpu.memref_squeeze %dma_start3A_402 : memref<1x!tpu.dma_semaphore, #tpu.memory_space<semaphore_mem>> -> memref<!tpu.dma_semaphore, #tpu.memory_space<semaphore_mem>>
    %dma_start3A_404 = arith.constant 0 : i32
    %dma_start3A_405 = tpu.memref_slice %arg14[%rem3A_374, %dma_start3A_404] : memref<6x125xi32, #tpu.memory_space<vmem>> -> memref<1x125xi32, #tpu.memory_space<vmem>>
    %dma_start3A_406 = tpu.memref_squeeze %dma_start3A_405 : memref<1x125xi32, #tpu.memory_space<vmem>> -> memref<125xi32, #tpu.memory_space<vmem>>
    %dma_start3A_407 = arith.constant 0 : i32
    %dma_start3A_408 = tpu.memref_slice %arg6[%add3A_395, %dma_start3A_407] : memref<2560x125xi32, #tpu.memory_space<hbm>> -> memref<1x125xi32, #tpu.memory_space<hbm>>
    %dma_start3A_409 = tpu.memref_squeeze %dma_start3A_408 : memref<1x125xi32, #tpu.memory_space<hbm>> -> memref<125xi32, #tpu.memory_space<hbm>>
    tpu.enqueue_dma source(%dma_start3A_409 : memref<125xi32, #tpu.memory_space<hbm>>) target(%dma_start3A_406 : memref<125xi32, #tpu.memory_space<vmem>>) target_semaphore(%dma_start3A_403 : memref<!tpu.dma_semaphore, #tpu.memory_space<semaphore_mem>>)
    %rem3A_410 = arith.constant 1 : i32
    %rem3A_411 = arith.constant 6 : i32
    %rem3A_412 = arith.remsi %rem3A_410, %rem3A_411 : i32
    %rem3A_413 = arith.constant 1 : i32
    %rem3A_414 = arith.constant 3 : i32
    %rem3A_415 = arith.remsi %rem3A_413, %rem3A_414 : i32
    %add3A_416 = arith.constant 1 : i32
    %add3A_417 = arith.addi %mul3A_369, %add3A_416 : i32
    %dma_start3A_418 = arith.constant 0 : i32
    %dma_start3A_419 = tpu.memref_slice %arg13[%rem3A_412, %dma_start3A_418] : memref<6x125xi32, #tpu.memory_space<vmem>> -> memref<1x125xi32, #tpu.memory_space<vmem>>
    %dma_start3A_420 = tpu.memref_squeeze %dma_start3A_419 : memref<1x125xi32, #tpu.memory_space<vmem>> -> memref<125xi32, #tpu.memory_space<vmem>>
    %dma_start3A_421 = arith.constant 0 : i32
    %dma_start3A_422 = tpu.memref_slice %arg5[%add3A_417, %dma_start3A_421] : memref<5120x125xi32, #tpu.memory_space<hbm>> -> memref<1x125xi32, #tpu.memory_space<hbm>>
    %dma_start3A_423 = tpu.memref_squeeze %dma_start3A_422 : memref<1x125xi32, #tpu.memory_space<hbm>> -> memref<125xi32, #tpu.memory_space<hbm>>
    %dma_start3A_424 = tpu.memref_slice %arg21[%rem3A_415] : memref<3x!tpu.dma_semaphore, #tpu.memory_space<semaphore_mem>> -> memref<1x!tpu.dma_semaphore, #tpu.memory_space<semaphore_mem>>
    %dma_start3A_425 = tpu.memref_squeeze %dma_start3A_424 : memref<1x!tpu.dma_semaphore, #tpu.memory_space<semaphore_mem>> -> memref<!tpu.dma_semaphore, #tpu.memory_space<semaphore_mem>>
    %dma_start3A_426 = arith.constant 0 : i32
    %dma_start3A_427 = tpu.memref_slice %arg13[%rem3A_412, %dma_start3A_426] : memref<6x125xi32, #tpu.memory_space<vmem>> -> memref<1x125xi32, #tpu.memory_space<vmem>>
    %dma_start3A_428 = tpu.memref_squeeze %dma_start3A_427 : memref<1x125xi32, #tpu.memory_space<vmem>> -> memref<125xi32, #tpu.memory_space<vmem>>
    %dma_start3A_429 = arith.constant 0 : i32
    %dma_start3A_430 = tpu.memref_slice %arg5[%add3A_417, %dma_start3A_429] : memref<5120x125xi32, #tpu.memory_space<hbm>> -> memref<1x125xi32, #tpu.memory_space<hbm>>
    %dma_start3A_431 = tpu.memref_squeeze %dma_start3A_430 : memref<1x125xi32, #tpu.memory_space<hbm>> -> memref<125xi32, #tpu.memory_space<hbm>>
    tpu.enqueue_dma source(%dma_start3A_431 : memref<125xi32, #tpu.memory_space<hbm>>) target(%dma_start3A_428 : memref<125xi32, #tpu.memory_space<vmem>>) target_semaphore(%dma_start3A_425 : memref<!tpu.dma_semaphore, #tpu.memory_space<semaphore_mem>>)
    %add3A_432 = arith.constant 1 : i32
    %add3A_433 = arith.addi %mul3A_371, %add3A_432 : i32
    %dma_start3A_434 = arith.constant 0 : i32
    %dma_start3A_435 = tpu.memref_slice %arg14[%rem3A_412, %dma_start3A_434] : memref<6x125xi32, #tpu.memory_space<vmem>> -> memref<1x125xi32, #tpu.memory_space<vmem>>
    %dma_start3A_436 = tpu.memref_squeeze %dma_start3A_435 : memref<1x125xi32, #tpu.memory_space<vmem>> -> memref<125xi32, #tpu.memory_space<vmem>>
    %dma_start3A_437 = arith.constant 0 : i32
    %dma_start3A_438 = tpu.memref_slice %arg6[%add3A_433, %dma_start3A_437] : memref<2560x125xi32, #tpu.memory_space<hbm>> -> memref<1x125xi32, #tpu.memory_space<hbm>>
    %dma_start3A_439 = tpu.memref_squeeze %dma_start3A_438 : memref<1x125xi32, #tpu.memory_space<hbm>> -> memref<125xi32, #tpu.memory_space<hbm>>
    %dma_start3A_440 = tpu.memref_slice %arg21[%rem3A_415] : memref<3x!tpu.dma_semaphore, #tpu.memory_space<semaphore_mem>> -> memref<1x!tpu.dma_semaphore, #tpu.memory_space<semaphore_mem>>
    %dma_start3A_441 = tpu.memref_squeeze %dma_start3A_440 : memref<1x!tpu.dma_semaphore, #tpu.memory_space<semaphore_mem>> -> memref<!tpu.dma_semaphore, #tpu.memory_space<semaphore_mem>>
    %dma_start3A_442 = arith.constant 0 : i32
    %dma_start3A_443 = tpu.memref_slice %arg14[%rem3A_412, %dma_start3A_442] : memref<6x125xi32, #tpu.memory_space<vmem>> -> memref<1x125xi32, #tpu.memory_space<vmem>>
    %dma_start3A_444 = tpu.memref_squeeze %dma_start3A_443 : memref<1x125xi32, #tpu.memory_space<vmem>> -> memref<125xi32, #tpu.memory_space<vmem>>
    %dma_start3A_445 = arith.constant 0 : i32
    %dma_start3A_446 = tpu.memref_slice %arg6[%add3A_433, %dma_start3A_445] : memref<2560x125xi32, #tpu.memory_space<hbm>> -> memref<1x125xi32, #tpu.memory_space<hbm>>
    %dma_start3A_447 = tpu.memref_squeeze %dma_start3A_446 : memref<1x125xi32, #tpu.memory_space<hbm>> -> memref<125xi32, #tpu.memory_space<hbm>>
    tpu.enqueue_dma source(%dma_start3A_447 : memref<125xi32, #tpu.memory_space<hbm>>) target(%dma_start3A_444 : memref<125xi32, #tpu.memory_space<vmem>>) target_semaphore(%dma_start3A_441 : memref<!tpu.dma_semaphore, #tpu.memory_space<semaphore_mem>>)
    %rem3A_448 = arith.constant 2 : i32
    %rem3A_449 = arith.constant 6 : i32
    %rem3A_450 = arith.remsi %rem3A_448, %rem3A_449 : i32
    %rem3A_451 = arith.constant 2 : i32
    %rem3A_452 = arith.constant 3 : i32
    %rem3A_453 = arith.remsi %rem3A_451, %rem3A_452 : i32
    %add3A_454 = arith.constant 2 : i32
    %add3A_455 = arith.addi %mul3A_369, %add3A_454 : i32
    %dma_start3A_456 = arith.constant 0 : i32
    %dma_start3A_457 = tpu.memref_slice %arg13[%rem3A_450, %dma_start3A_456] : memref<6x125xi32, #tpu.memory_space<vmem>> -> memref<1x125xi32, #tpu.memory_space<vmem>>
    %dma_start3A_458 = tpu.memref_squeeze %dma_start3A_457 : memref<1x125xi32, #tpu.memory_space<vmem>> -> memref<125xi32, #tpu.memory_space<vmem>>
    %dma_start3A_459 = arith.constant 0 : i32
    %dma_start3A_460 = tpu.memref_slice %arg5[%add3A_455, %dma_start3A_459] : memref<5120x125xi32, #tpu.memory_space<hbm>> -> memref<1x125xi32, #tpu.memory_space<hbm>>
    %dma_start3A_461 = tpu.memref_squeeze %dma_start3A_460 : memref<1x125xi32, #tpu.memory_space<hbm>> -> memref<125xi32, #tpu.memory_space<hbm>>
    %dma_start3A_462 = tpu.memref_slice %arg21[%rem3A_453] : memref<3x!tpu.dma_semaphore, #tpu.memory_space<semaphore_mem>> -> memref<1x!tpu.dma_semaphore, #tpu.memory_space<semaphore_mem>>
    %dma_start3A_463 = tpu.memref_squeeze %dma_start3A_462 : memref<1x!tpu.dma_semaphore, #tpu.memory_space<semaphore_mem>> -> memref<!tpu.dma_semaphore, #tpu.memory_space<semaphore_mem>>
    %dma_start3A_464 = arith.constant 0 : i32
    %dma_start3A_465 = tpu.memref_slice %arg13[%rem3A_450, %dma_start3A_464] : memref<6x125xi32, #tpu.memory_space<vmem>> -> memref<1x125xi32, #tpu.memory_space<vmem>>
    %dma_start3A_466 = tpu.memref_squeeze %dma_start3A_465 : memref<1x125xi32, #tpu.memory_space<vmem>> -> memref<125xi32, #tpu.memory_space<vmem>>
    %dma_start3A_467 = arith.constant 0 : i32
    %dma_start3A_468 = tpu.memref_slice %arg5[%add3A_455, %dma_start3A_467] : memref<5120x125xi32, #tpu.memory_space<hbm>> -> memref<1x125xi32, #tpu.memory_space<hbm>>
    %dma_start3A_469 = tpu.memref_squeeze %dma_start3A_468 : memref<1x125xi32, #tpu.memory_space<hbm>> -> memref<125xi32, #tpu.memory_space<hbm>>
    tpu.enqueue_dma source(%dma_start3A_469 : memref<125xi32, #tpu.memory_space<hbm>>) target(%dma_start3A_466 : memref<125xi32, #tpu.memory_space<vmem>>) target_semaphore(%dma_start3A_463 : memref<!tpu.dma_semaphore, #tpu.memory_space<semaphore_mem>>)
    %add3A_470 = arith.constant 2 : i32
    %add3A_471 = arith.addi %mul3A_371, %add3A_470 : i32
    %dma_start3A_472 = arith.constant 0 : i32
    %dma_start3A_473 = tpu.memref_slice %arg14[%rem3A_450, %dma_start3A_472] : memref<6x125xi32, #tpu.memory_space<vmem>> -> memref<1x125xi32, #tpu.memory_space<vmem>>
    %dma_start3A_474 = tpu.memref_squeeze %dma_start3A_473 : memref<1x125xi32, #tpu.memory_space<vmem>> -> memref<125xi32, #tpu.memory_space<vmem>>
    %dma_start3A_475 = arith.constant 0 : i32
    %dma_start3A_476 = tpu.memref_slice %arg6[%add3A_471, %dma_start3A_475] : memref<2560x125xi32, #tpu.memory_space<hbm>> -> memref<1x125xi32, #tpu.memory_space<hbm>>
    %dma_start3A_477 = tpu.memref_squeeze %dma_start3A_476 : memref<1x125xi32, #tpu.memory_space<hbm>> -> memref<125xi32, #tpu.memory_space<hbm>>
    %dma_start3A_478 = tpu.memref_slice %arg21[%rem3A_453] : memref<3x!tpu.dma_semaphore, #tpu.memory_space<semaphore_mem>> -> memref<1x!tpu.dma_semaphore, #tpu.memory_space<semaphore_mem>>
    %dma_start3A_479 = tpu.memref_squeeze %dma_start3A_478 : memref<1x!tpu.dma_semaphore, #tpu.memory_space<semaphore_mem>> -> memref<!tpu.dma_semaphore, #tpu.memory_space<semaphore_mem>>
    %dma_start3A_480 = arith.constant 0 : i32
    %dma_start3A_481 = tpu.memref_slice %arg14[%rem3A_450, %dma_start3A_480] : memref<6x125xi32, #tpu.memory_space<vmem>> -> memref<1x125xi32, #tpu.memory_space<vmem>>
    %dma_start3A_482 = tpu.memref_squeeze %dma_start3A_481 : memref<1x125xi32, #tpu.memory_space<vmem>> -> memref<125xi32, #tpu.memory_space<vmem>>
    %dma_start3A_483 = arith.constant 0 : i32
    %dma_start3A_484 = tpu.memref_slice %arg6[%add3A_471, %dma_start3A_483] : memref<2560x125xi32, #tpu.memory_space<hbm>> -> memref<1x125xi32, #tpu.memory_space<hbm>>
    %dma_start3A_485 = tpu.memref_squeeze %dma_start3A_484 : memref<1x125xi32, #tpu.memory_space<hbm>> -> memref<125xi32, #tpu.memory_space<hbm>>
    tpu.enqueue_dma source(%dma_start3A_485 : memref<125xi32, #tpu.memory_space<hbm>>) target(%dma_start3A_482 : memref<125xi32, #tpu.memory_space<vmem>>) target_semaphore(%dma_start3A_479 : memref<!tpu.dma_semaphore, #tpu.memory_space<semaphore_mem>>)
    %rem3A_486 = arith.constant 0 : i32
    %rem3A_487 = arith.constant 3 : i32
    %rem3A_488 = arith.remsi %rem3A_486, %rem3A_487 : i32
    %dma_wait3A_489 = arith.constant 0 : i32
    %dma_wait3A_490 = arith.constant 0 : i32
    %dma_wait3A_491 = arith.constant 0 : i32
    %dma_wait3A_492 = tpu.memref_slice %arg13[%dma_wait3A_490, %dma_wait3A_491] : memref<6x125xi32, #tpu.memory_space<vmem>> -> memref<1x125xi32, #tpu.memory_space<vmem>>
    %dma_wait3A_493 = tpu.memref_squeeze %dma_wait3A_492 : memref<1x125xi32, #tpu.memory_space<vmem>> -> memref<125xi32, #tpu.memory_space<vmem>>
    %dma_wait3A_494 = arith.constant 0 : i32
    %dma_wait3A_495 = tpu.memref_slice %arg5[%dma_wait3A_489, %dma_wait3A_494] : memref<5120x125xi32, #tpu.memory_space<hbm>> -> memref<1x125xi32, #tpu.memory_space<hbm>>
    %dma_wait3A_496 = tpu.memref_squeeze %dma_wait3A_495 : memref<1x125xi32, #tpu.memory_space<hbm>> -> memref<125xi32, #tpu.memory_space<hbm>>
    %dma_wait3A_497 = tpu.memref_slice %arg21[%rem3A_488] : memref<3x!tpu.dma_semaphore, #tpu.memory_space<semaphore_mem>> -> memref<1x!tpu.dma_semaphore, #tpu.memory_space<semaphore_mem>>
    %dma_wait3A_498 = tpu.memref_squeeze %dma_wait3A_497 : memref<1x!tpu.dma_semaphore, #tpu.memory_space<semaphore_mem>> -> memref<!tpu.dma_semaphore, #tpu.memory_space<semaphore_mem>>
    %dma_wait3A_499 = arith.constant 0 : i32
    %dma_wait3A_500 = tpu.memref_slice %arg13[%dma_wait3A_490, %dma_wait3A_499] : memref<6x125xi32, #tpu.memory_space<vmem>> -> memref<1x125xi32, #tpu.memory_space<vmem>>
    %dma_wait3A_501 = tpu.memref_squeeze %dma_wait3A_500 : memref<1x125xi32, #tpu.memory_space<vmem>> -> memref<125xi32, #tpu.memory_space<vmem>>
    %dma_wait3A_502 = arith.constant 0 : i32
    %dma_wait3A_503 = tpu.memref_slice %arg5[%dma_wait3A_489, %dma_wait3A_502] : memref<5120x125xi32, #tpu.memory_space<hbm>> -> memref<1x125xi32, #tpu.memory_space<hbm>>
    %dma_wait3A_504 = tpu.memref_squeeze %dma_wait3A_503 : memref<1x125xi32, #tpu.memory_space<hbm>> -> memref<125xi32, #tpu.memory_space<hbm>>
    tpu.wait_dma2 semaphore(%dma_wait3A_498 : memref<!tpu.dma_semaphore, #tpu.memory_space<semaphore_mem>>) src(%dma_wait3A_504 : memref<125xi32, #tpu.memory_space<hbm>>) dst(%dma_wait3A_501 : memref<125xi32, #tpu.memory_space<vmem>>)
    %dma_wait3A_505 = arith.constant 0 : i32
    %dma_wait3A_506 = arith.constant 0 : i32
    %dma_wait3A_507 = arith.constant 0 : i32
    %dma_wait3A_508 = tpu.memref_slice %arg14[%dma_wait3A_506, %dma_wait3A_507] : memref<6x125xi32, #tpu.memory_space<vmem>> -> memref<1x125xi32, #tpu.memory_space<vmem>>
    %dma_wait3A_509 = tpu.memref_squeeze %dma_wait3A_508 : memref<1x125xi32, #tpu.memory_space<vmem>> -> memref<125xi32, #tpu.memory_space<vmem>>
    %dma_wait3A_510 = arith.constant 0 : i32
    %dma_wait3A_511 = tpu.memref_slice %arg6[%dma_wait3A_505, %dma_wait3A_510] : memref<2560x125xi32, #tpu.memory_space<hbm>> -> memref<1x125xi32, #tpu.memory_space<hbm>>
    %dma_wait3A_512 = tpu.memref_squeeze %dma_wait3A_511 : memref<1x125xi32, #tpu.memory_space<hbm>> -> memref<125xi32, #tpu.memory_space<hbm>>
    %dma_wait3A_513 = tpu.memref_slice %arg21[%rem3A_488] : memref<3x!tpu.dma_semaphore, #tpu.memory_space<semaphore_mem>> -> memref<1x!tpu.dma_semaphore, #tpu.memory_space<semaphore_mem>>
    %dma_wait3A_514 = tpu.memref_squeeze %dma_wait3A_513 : memref<1x!tpu.dma_semaphore, #tpu.memory_space<semaphore_mem>> -> memref<!tpu.dma_semaphore, #tpu.memory_space<semaphore_mem>>
    %dma_wait3A_515 = arith.constant 0 : i32
    %dma_wait3A_516 = tpu.memref_slice %arg14[%dma_wait3A_506, %dma_wait3A_515] : memref<6x125xi32, #tpu.memory_space<vmem>> -> memref<1x125xi32, #tpu.memory_space<vmem>>
    %dma_wait3A_517 = tpu.memref_squeeze %dma_wait3A_516 : memref<1x125xi32, #tpu.memory_space<vmem>> -> memref<125xi32, #tpu.memory_space<vmem>>
    %dma_wait3A_518 = arith.constant 0 : i32
    %dma_wait3A_519 = tpu.memref_slice %arg6[%dma_wait3A_505, %dma_wait3A_518] : memref<2560x125xi32, #tpu.memory_space<hbm>> -> memref<1x125xi32, #tpu.memory_space<hbm>>
    %dma_wait3A_520 = tpu.memref_squeeze %dma_wait3A_519 : memref<1x125xi32, #tpu.memory_space<hbm>> -> memref<125xi32, #tpu.memory_space<hbm>>
    tpu.wait_dma2 semaphore(%dma_wait3A_514 : memref<!tpu.dma_semaphore, #tpu.memory_space<semaphore_mem>>) src(%dma_wait3A_520 : memref<125xi32, #tpu.memory_space<hbm>>) dst(%dma_wait3A_517 : memref<125xi32, #tpu.memory_space<vmem>>)
    %rem3A_521 = arith.constant 0 : i32
    %rem3A_522 = arith.constant 6 : i32
    %rem3A_523 = arith.remsi %rem3A_521, %rem3A_522 : i32
    %rem3A_524 = arith.constant 0 : i32
    %rem3A_525 = arith.constant 4 : i32
    %rem3A_526 = arith.remsi %rem3A_524, %rem3A_525 : i32
    %rem3A_527 = arith.constant 0 : i32
    %rem3A_528 = arith.constant 3 : i32
    %rem3A_529 = arith.remsi %rem3A_527, %rem3A_528 : i32
    %dma_start3A_530 = arith.constant 0 : i32
    %dma_start3A_531 = arith.constant 0 : i32
    %dma_start3A_532 = tpu.memref_slice %arg15[%rem3A_526, %dma_start3A_530, %dma_start3A_531] : memref<4x125x64xf32, #tpu.memory_space<vmem>> -> memref<1x125x64xf32, #tpu.memory_space<vmem>>
    %dma_start3A_533 = tpu.memref_squeeze %dma_start3A_532 : memref<1x125x64xf32, #tpu.memory_space<vmem>> -> memref<125x64xf32, #tpu.memory_space<vmem>>
    %dma_start3A_534 = arith.constant 0 : i32
    %dma_start3A_535 = tpu.memref_slice %arg13[%rem3A_523, %dma_start3A_534] : memref<6x125xi32, #tpu.memory_space<vmem>> -> memref<1x125xi32, #tpu.memory_space<vmem>>
    %dma_start3A_536 = tpu.memref_squeeze %dma_start3A_535 : memref<1x125xi32, #tpu.memory_space<vmem>> -> memref<125xi32, #tpu.memory_space<vmem>>
    %dma_start3A_537 = arith.constant 0 : i32
    %dma_start3A_538 = arith.constant 0 : i32
    %dma_start3A_539 = tpu.memref_slice %arg12[%dma_start3A_537, %dma_start3A_538] : memref<20480x64xf32, #tpu.memory_space<hbm>> -> memref<20480x64xf32, #tpu.memory_space<hbm>>
    %dma_start3A_540 = tpu.memref_slice %arg22[%rem3A_529] : memref<3x!tpu.dma_semaphore, #tpu.memory_space<semaphore_mem>> -> memref<1x!tpu.dma_semaphore, #tpu.memory_space<semaphore_mem>>
    %dma_start3A_541 = tpu.memref_squeeze %dma_start3A_540 : memref<1x!tpu.dma_semaphore, #tpu.memory_space<semaphore_mem>> -> memref<!tpu.dma_semaphore, #tpu.memory_space<semaphore_mem>>
    tpu.enqueue_indirect_dma source(%dma_start3A_539 : memref<20480x64xf32, #tpu.memory_space<hbm>>) target(%dma_start3A_533 : memref<125x64xf32, #tpu.memory_space<vmem>>) offsets(%dma_start3A_536 : memref<125xi32, #tpu.memory_space<vmem>>) semaphore(%dma_start3A_541 : memref<!tpu.dma_semaphore, #tpu.memory_space<semaphore_mem>>)
    %rem3A_542 = arith.constant 1 : i32
    %rem3A_543 = arith.constant 3 : i32
    %rem3A_544 = arith.remsi %rem3A_542, %rem3A_543 : i32
    %dma_wait3A_545 = arith.constant 0 : i32
    %dma_wait3A_546 = arith.constant 0 : i32
    %dma_wait3A_547 = arith.constant 0 : i32
    %dma_wait3A_548 = tpu.memref_slice %arg13[%dma_wait3A_546, %dma_wait3A_547] : memref<6x125xi32, #tpu.memory_space<vmem>> -> memref<1x125xi32, #tpu.memory_space<vmem>>
    %dma_wait3A_549 = tpu.memref_squeeze %dma_wait3A_548 : memref<1x125xi32, #tpu.memory_space<vmem>> -> memref<125xi32, #tpu.memory_space<vmem>>
    %dma_wait3A_550 = arith.constant 0 : i32
    %dma_wait3A_551 = tpu.memref_slice %arg5[%dma_wait3A_545, %dma_wait3A_550] : memref<5120x125xi32, #tpu.memory_space<hbm>> -> memref<1x125xi32, #tpu.memory_space<hbm>>
    %dma_wait3A_552 = tpu.memref_squeeze %dma_wait3A_551 : memref<1x125xi32, #tpu.memory_space<hbm>> -> memref<125xi32, #tpu.memory_space<hbm>>
    %dma_wait3A_553 = tpu.memref_slice %arg21[%rem3A_544] : memref<3x!tpu.dma_semaphore, #tpu.memory_space<semaphore_mem>> -> memref<1x!tpu.dma_semaphore, #tpu.memory_space<semaphore_mem>>
    %dma_wait3A_554 = tpu.memref_squeeze %dma_wait3A_553 : memref<1x!tpu.dma_semaphore, #tpu.memory_space<semaphore_mem>> -> memref<!tpu.dma_semaphore, #tpu.memory_space<semaphore_mem>>
    %dma_wait3A_555 = arith.constant 0 : i32
    %dma_wait3A_556 = tpu.memref_slice %arg13[%dma_wait3A_546, %dma_wait3A_555] : memref<6x125xi32, #tpu.memory_space<vmem>> -> memref<1x125xi32, #tpu.memory_space<vmem>>
    %dma_wait3A_557 = tpu.memref_squeeze %dma_wait3A_556 : memref<1x125xi32, #tpu.memory_space<vmem>> -> memref<125xi32, #tpu.memory_space<vmem>>
    %dma_wait3A_558 = arith.constant 0 : i32
    %dma_wait3A_559 = tpu.memref_slice %arg5[%dma_wait3A_545, %dma_wait3A_558] : memref<5120x125xi32, #tpu.memory_space<hbm>> -> memref<1x125xi32, #tpu.memory_space<hbm>>
    %dma_wait3A_560 = tpu.memref_squeeze %dma_wait3A_559 : memref<1x125xi32, #tpu.memory_space<hbm>> -> memref<125xi32, #tpu.memory_space<hbm>>
    tpu.wait_dma2 semaphore(%dma_wait3A_554 : memref<!tpu.dma_semaphore, #tpu.memory_space<semaphore_mem>>) src(%dma_wait3A_560 : memref<125xi32, #tpu.memory_space<hbm>>) dst(%dma_wait3A_557 : memref<125xi32, #tpu.memory_space<vmem>>)
    %dma_wait3A_561 = arith.constant 0 : i32
    %dma_wait3A_562 = arith.constant 0 : i32
    %dma_wait3A_563 = arith.constant 0 : i32
    %dma_wait3A_564 = tpu.memref_slice %arg14[%dma_wait3A_562, %dma_wait3A_563] : memref<6x125xi32, #tpu.memory_space<vmem>> -> memref<1x125xi32, #tpu.memory_space<vmem>>
    %dma_wait3A_565 = tpu.memref_squeeze %dma_wait3A_564 : memref<1x125xi32, #tpu.memory_space<vmem>> -> memref<125xi32, #tpu.memory_space<vmem>>
    %dma_wait3A_566 = arith.constant 0 : i32
    %dma_wait3A_567 = tpu.memref_slice %arg6[%dma_wait3A_561, %dma_wait3A_566] : memref<2560x125xi32, #tpu.memory_space<hbm>> -> memref<1x125xi32, #tpu.memory_space<hbm>>
    %dma_wait3A_568 = tpu.memref_squeeze %dma_wait3A_567 : memref<1x125xi32, #tpu.memory_space<hbm>> -> memref<125xi32, #tpu.memory_space<hbm>>
    %dma_wait3A_569 = tpu.memref_slice %arg21[%rem3A_544] : memref<3x!tpu.dma_semaphore, #tpu.memory_space<semaphore_mem>> -> memref<1x!tpu.dma_semaphore, #tpu.memory_space<semaphore_mem>>
    %dma_wait3A_570 = tpu.memref_squeeze %dma_wait3A_569 : memref<1x!tpu.dma_semaphore, #tpu.memory_space<semaphore_mem>> -> memref<!tpu.dma_semaphore, #tpu.memory_space<semaphore_mem>>
    %dma_wait3A_571 = arith.constant 0 : i32
    %dma_wait3A_572 = tpu.memref_slice %arg14[%dma_wait3A_562, %dma_wait3A_571] : memref<6x125xi32, #tpu.memory_space<vmem>> -> memref<1x125xi32, #tpu.memory_space<vmem>>
    %dma_wait3A_573 = tpu.memref_squeeze %dma_wait3A_572 : memref<1x125xi32, #tpu.memory_space<vmem>> -> memref<125xi32, #tpu.memory_space<vmem>>
    %dma_wait3A_574 = arith.constant 0 : i32
    %dma_wait3A_575 = tpu.memref_slice %arg6[%dma_wait3A_561, %dma_wait3A_574] : memref<2560x125xi32, #tpu.memory_space<hbm>> -> memref<1x125xi32, #tpu.memory_space<hbm>>
    %dma_wait3A_576 = tpu.memref_squeeze %dma_wait3A_575 : memref<1x125xi32, #tpu.memory_space<hbm>> -> memref<125xi32, #tpu.memory_space<hbm>>
    tpu.wait_dma2 semaphore(%dma_wait3A_570 : memref<!tpu.dma_semaphore, #tpu.memory_space<semaphore_mem>>) src(%dma_wait3A_576 : memref<125xi32, #tpu.memory_space<hbm>>) dst(%dma_wait3A_573 : memref<125xi32, #tpu.memory_space<vmem>>)
    %rem3A_577 = arith.constant 1 : i32
    %rem3A_578 = arith.constant 6 : i32
    %rem3A_579 = arith.remsi %rem3A_577, %rem3A_578 : i32
    %rem3A_580 = arith.constant 1 : i32
    %rem3A_581 = arith.constant 4 : i32
    %rem3A_582 = arith.remsi %rem3A_580, %rem3A_581 : i32
    %rem3A_583 = arith.constant 1 : i32
    %rem3A_584 = arith.constant 3 : i32
    %rem3A_585 = arith.remsi %rem3A_583, %rem3A_584 : i32
    %dma_start3A_586 = arith.constant 0 : i32
    %dma_start3A_587 = arith.constant 0 : i32
    %dma_start3A_588 = tpu.memref_slice %arg15[%rem3A_582, %dma_start3A_586, %dma_start3A_587] : memref<4x125x64xf32, #tpu.memory_space<vmem>> -> memref<1x125x64xf32, #tpu.memory_space<vmem>>
    %dma_start3A_589 = tpu.memref_squeeze %dma_start3A_588 : memref<1x125x64xf32, #tpu.memory_space<vmem>> -> memref<125x64xf32, #tpu.memory_space<vmem>>
    %dma_start3A_590 = arith.constant 0 : i32
    %dma_start3A_591 = tpu.memref_slice %arg13[%rem3A_579, %dma_start3A_590] : memref<6x125xi32, #tpu.memory_space<vmem>> -> memref<1x125xi32, #tpu.memory_space<vmem>>
    %dma_start3A_592 = tpu.memref_squeeze %dma_start3A_591 : memref<1x125xi32, #tpu.memory_space<vmem>> -> memref<125xi32, #tpu.memory_space<vmem>>
    %dma_start3A_593 = arith.constant 0 : i32
    %dma_start3A_594 = arith.constant 0 : i32
    %dma_start3A_595 = tpu.memref_slice %arg12[%dma_start3A_593, %dma_start3A_594] : memref<20480x64xf32, #tpu.memory_space<hbm>> -> memref<20480x64xf32, #tpu.memory_space<hbm>>
    %dma_start3A_596 = tpu.memref_slice %arg22[%rem3A_585] : memref<3x!tpu.dma_semaphore, #tpu.memory_space<semaphore_mem>> -> memref<1x!tpu.dma_semaphore, #tpu.memory_space<semaphore_mem>>
    %dma_start3A_597 = tpu.memref_squeeze %dma_start3A_596 : memref<1x!tpu.dma_semaphore, #tpu.memory_space<semaphore_mem>> -> memref<!tpu.dma_semaphore, #tpu.memory_space<semaphore_mem>>
    tpu.enqueue_indirect_dma source(%dma_start3A_595 : memref<20480x64xf32, #tpu.memory_space<hbm>>) target(%dma_start3A_589 : memref<125x64xf32, #tpu.memory_space<vmem>>) offsets(%dma_start3A_592 : memref<125xi32, #tpu.memory_space<vmem>>) semaphore(%dma_start3A_597 : memref<!tpu.dma_semaphore, #tpu.memory_space<semaphore_mem>>)
    %scan3A_598 = arith.constant 0 : i32
    %scan3A_599 = arith.constant 0 : i32
    %scan3A_600 = arith.constant 160 : i32
    %scan3A_601 = arith.addi %scan3A_599, %scan3A_600 : i32
    %scan3A_602 = arith.constant 1 : i32
    scf.for %scan3A_655 = %scan3A_599 to %scan3A_601 step %scan3A_602  : i32 {
      %ge3A = arith.constant 2 : i32
      %ge3A_656 = arith.cmpi sge, %scan3A_655, %ge3A : i32
      %convert_element_type3A_657 = arith.extui %ge3A_656 : i1 to i32
      %cond3A_658 = arith.constant 0 : i32
      %cond3A_659 = arith.cmpi ne, %convert_element_type3A_657, %cond3A_658 : i32
      scf.if %cond3A_659 {
        %rem3A_724 = arith.constant 2 : i32
        %rem3A_725 = arith.remsi %scan3A_655, %rem3A_724 : i32
        %dma_wait3A_726 = arith.constant 0 : i32
        %dma_wait3A_727 = arith.constant 0 : i32
        %dma_wait3A_728 = arith.constant 0 : i32
        %dma_wait3A_729 = arith.constant 0 : i32
        %dma_wait3A_730 = tpu.memref_slice %arg15[%dma_wait3A_726, %dma_wait3A_728, %dma_wait3A_729] : memref<4x125x64xf32, #tpu.memory_space<vmem>> -> memref<1x125x64xf32, #tpu.memory_space<vmem>>
        %dma_wait3A_731 = tpu.memref_squeeze %dma_wait3A_730 : memref<1x125x64xf32, #tpu.memory_space<vmem>> -> memref<125x64xf32, #tpu.memory_space<vmem>>
        %dma_wait3A_732 = arith.constant 0 : i32
        %dma_wait3A_733 = tpu.memref_slice %arg14[%dma_wait3A_727, %dma_wait3A_732] : memref<6x125xi32, #tpu.memory_space<vmem>> -> memref<1x125xi32, #tpu.memory_space<vmem>>
        %dma_wait3A_734 = tpu.memref_squeeze %dma_wait3A_733 : memref<1x125xi32, #tpu.memory_space<vmem>> -> memref<125xi32, #tpu.memory_space<vmem>>
        %dma_wait3A_735 = arith.constant 0 : i32
        %dma_wait3A_736 = arith.constant 0 : i32
        %dma_wait3A_737 = tpu.memref_slice %arg19[%dma_wait3A_735, %dma_wait3A_736] : memref<10240x64xf32, #tpu.memory_space<vmem_shared>> -> memref<10240x64xf32, #tpu.memory_space<vmem_shared>>
        %dma_wait3A_738 = tpu.memref_slice %arg24[%rem3A_725] : memref<2x!tpu.dma_semaphore, #tpu.memory_space<semaphore_mem>> -> memref<1x!tpu.dma_semaphore, #tpu.memory_space<semaphore_mem>>
        %dma_wait3A_739 = tpu.memref_squeeze %dma_wait3A_738 : memref<1x!tpu.dma_semaphore, #tpu.memory_space<semaphore_mem>> -> memref<!tpu.dma_semaphore, #tpu.memory_space<semaphore_mem>>
        tpu.wait_indirect_dma semaphore(%dma_wait3A_739 : memref<!tpu.dma_semaphore, #tpu.memory_space<semaphore_mem>>) src(%dma_wait3A_731 : memref<125x64xf32, #tpu.memory_space<vmem>>) dst(%dma_wait3A_737 : memref<10240x64xf32, #tpu.memory_space<vmem_shared>>)
      } else {
      }
      %ge3A_660 = arith.constant 2 : i32
      %ge3A_661 = arith.cmpi sge, %scan3A_655, %ge3A_660 : i32
      %rem3A_662 = arith.constant 2 : i32
      %rem3A_663 = arith.remsi %scan3A_655, %rem3A_662 : i32
      %eq3A_664 = arith.cmpi eq, %rem3A_663, %arg0 : i32
      %and3A = arith.andi %ge3A_661, %eq3A_664 : i1
      %convert_element_type3A_665 = arith.extui %and3A : i1 to i32
      %cond3A_666 = arith.constant 0 : i32
      %cond3A_667 = arith.cmpi ne, %convert_element_type3A_665, %cond3A_666 : i32
      scf.if %cond3A_667 {
        %rem3A_724 = arith.constant 2 : i32
        %rem3A_725 = arith.remsi %scan3A_655, %rem3A_724 : i32
        %dma_wait3A_726 = arith.constant 0 : i32
        %dma_wait3A_727 = arith.constant 0 : i32
        %dma_wait3A_728 = tpu.memref_slice %arg14[%dma_wait3A_726, %dma_wait3A_727] : memref<6x125xi32, #tpu.memory_space<vmem>> -> memref<1x125xi32, #tpu.memory_space<vmem>>
        %dma_wait3A_729 = tpu.memref_squeeze %dma_wait3A_728 : memref<1x125xi32, #tpu.memory_space<vmem>> -> memref<125xi32, #tpu.memory_space<vmem>>
        %dma_wait3A_730 = arith.constant 0 : i32
        %dma_wait3A_731 = arith.constant 0 : i32
        %dma_wait3A_732 = tpu.memref_slice %arg20[%dma_wait3A_730, %dma_wait3A_731] : memref<10240x16xf32, #tpu.memory_space<vmem_shared>> -> memref<10240x16xf32, #tpu.memory_space<vmem_shared>>
        %dma_wait3A_733 = tpu.memref_slice %arg23[%rem3A_725] : memref<2x!tpu.dma_semaphore, #tpu.memory_space<semaphore_mem>> -> memref<1x!tpu.dma_semaphore, #tpu.memory_space<semaphore_mem>>
        %dma_wait3A_734 = tpu.memref_squeeze %dma_wait3A_733 : memref<1x!tpu.dma_semaphore, #tpu.memory_space<semaphore_mem>> -> memref<!tpu.dma_semaphore, #tpu.memory_space<semaphore_mem>>
        tpu.wait_indirect_dma semaphore(%dma_wait3A_734 : memref<!tpu.dma_semaphore, #tpu.memory_space<semaphore_mem>>) src(%arg16 : memref<125x16xf32, #tpu.memory_space<vmem>>) dst(%dma_wait3A_732 : memref<10240x16xf32, #tpu.memory_space<vmem_shared>>)
      } else {
      }
      %add3A_668 = arith.constant 3 : i32
      %add3A_669 = arith.addi %scan3A_655, %add3A_668 : i32
      %lt3A = arith.constant 160 : i32
      %lt3A_670 = arith.cmpi slt, %add3A_669, %lt3A : i32
      %convert_element_type3A_671 = arith.extui %lt3A_670 : i1 to i32
      %cond3A_672 = arith.constant 0 : i32
      %cond3A_673 = arith.cmpi ne, %convert_element_type3A_671, %cond3A_672 : i32
      scf.if %cond3A_673 {
        %add3A_724 = arith.constant 3 : i32
        %add3A_725 = arith.addi %scan3A_655, %add3A_724 : i32
        %rem3A_726 = arith.constant 6 : i32
        %rem3A_727 = arith.remsi %add3A_725, %rem3A_726 : i32
        %rem3A_728 = arith.constant 3 : i32
        %rem3A_729 = arith.remsi %add3A_725, %rem3A_728 : i32
        %add3A_730 = arith.addi %mul3A_369, %add3A_725 : i32
        %dma_start3A_731 = arith.constant 0 : i32
        %dma_start3A_732 = tpu.memref_slice %arg13[%rem3A_727, %dma_start3A_731] : memref<6x125xi32, #tpu.memory_space<vmem>> -> memref<1x125xi32, #tpu.memory_space<vmem>>
        %dma_start3A_733 = tpu.memref_squeeze %dma_start3A_732 : memref<1x125xi32, #tpu.memory_space<vmem>> -> memref<125xi32, #tpu.memory_space<vmem>>
        %dma_start3A_734 = arith.constant 0 : i32
        %dma_start3A_735 = tpu.memref_slice %arg5[%add3A_730, %dma_start3A_734] : memref<5120x125xi32, #tpu.memory_space<hbm>> -> memref<1x125xi32, #tpu.memory_space<hbm>>
        %dma_start3A_736 = tpu.memref_squeeze %dma_start3A_735 : memref<1x125xi32, #tpu.memory_space<hbm>> -> memref<125xi32, #tpu.memory_space<hbm>>
        %dma_start3A_737 = tpu.memref_slice %arg21[%rem3A_729] : memref<3x!tpu.dma_semaphore, #tpu.memory_space<semaphore_mem>> -> memref<1x!tpu.dma_semaphore, #tpu.memory_space<semaphore_mem>>
        %dma_start3A_738 = tpu.memref_squeeze %dma_start3A_737 : memref<1x!tpu.dma_semaphore, #tpu.memory_space<semaphore_mem>> -> memref<!tpu.dma_semaphore, #tpu.memory_space<semaphore_mem>>
        %dma_start3A_739 = arith.constant 0 : i32
        %dma_start3A_740 = tpu.memref_slice %arg13[%rem3A_727, %dma_start3A_739] : memref<6x125xi32, #tpu.memory_space<vmem>> -> memref<1x125xi32, #tpu.memory_space<vmem>>
        %dma_start3A_741 = tpu.memref_squeeze %dma_start3A_740 : memref<1x125xi32, #tpu.memory_space<vmem>> -> memref<125xi32, #tpu.memory_space<vmem>>
        %dma_start3A_742 = arith.constant 0 : i32
        %dma_start3A_743 = tpu.memref_slice %arg5[%add3A_730, %dma_start3A_742] : memref<5120x125xi32, #tpu.memory_space<hbm>> -> memref<1x125xi32, #tpu.memory_space<hbm>>
        %dma_start3A_744 = tpu.memref_squeeze %dma_start3A_743 : memref<1x125xi32, #tpu.memory_space<hbm>> -> memref<125xi32, #tpu.memory_space<hbm>>
        tpu.enqueue_dma source(%dma_start3A_744 : memref<125xi32, #tpu.memory_space<hbm>>) target(%dma_start3A_741 : memref<125xi32, #tpu.memory_space<vmem>>) target_semaphore(%dma_start3A_738 : memref<!tpu.dma_semaphore, #tpu.memory_space<semaphore_mem>>)
        %add3A_745 = arith.addi %mul3A_371, %add3A_725 : i32
        %dma_start3A_746 = arith.constant 0 : i32
        %dma_start3A_747 = tpu.memref_slice %arg14[%rem3A_727, %dma_start3A_746] : memref<6x125xi32, #tpu.memory_space<vmem>> -> memref<1x125xi32, #tpu.memory_space<vmem>>
        %dma_start3A_748 = tpu.memref_squeeze %dma_start3A_747 : memref<1x125xi32, #tpu.memory_space<vmem>> -> memref<125xi32, #tpu.memory_space<vmem>>
        %dma_start3A_749 = arith.constant 0 : i32
        %dma_start3A_750 = tpu.memref_slice %arg6[%add3A_745, %dma_start3A_749] : memref<2560x125xi32, #tpu.memory_space<hbm>> -> memref<1x125xi32, #tpu.memory_space<hbm>>
        %dma_start3A_751 = tpu.memref_squeeze %dma_start3A_750 : memref<1x125xi32, #tpu.memory_space<hbm>> -> memref<125xi32, #tpu.memory_space<hbm>>
        %dma_start3A_752 = tpu.memref_slice %arg21[%rem3A_729] : memref<3x!tpu.dma_semaphore, #tpu.memory_space<semaphore_mem>> -> memref<1x!tpu.dma_semaphore, #tpu.memory_space<semaphore_mem>>
        %dma_start3A_753 = tpu.memref_squeeze %dma_start3A_752 : memref<1x!tpu.dma_semaphore, #tpu.memory_space<semaphore_mem>> -> memref<!tpu.dma_semaphore, #tpu.memory_space<semaphore_mem>>
        %dma_start3A_754 = arith.constant 0 : i32
        %dma_start3A_755 = tpu.memref_slice %arg14[%rem3A_727, %dma_start3A_754] : memref<6x125xi32, #tpu.memory_space<vmem>> -> memref<1x125xi32, #tpu.memory_space<vmem>>
        %dma_start3A_756 = tpu.memref_squeeze %dma_start3A_755 : memref<1x125xi32, #tpu.memory_space<vmem>> -> memref<125xi32, #tpu.memory_space<vmem>>
        %dma_start3A_757 = arith.constant 0 : i32
        %dma_start3A_758 = tpu.memref_slice %arg6[%add3A_745, %dma_start3A_757] : memref<2560x125xi32, #tpu.memory_space<hbm>> -> memref<1x125xi32, #tpu.memory_space<hbm>>
        %dma_start3A_759 = tpu.memref_squeeze %dma_start3A_758 : memref<1x125xi32, #tpu.memory_space<hbm>> -> memref<125xi32, #tpu.memory_space<hbm>>
        tpu.enqueue_dma source(%dma_start3A_759 : memref<125xi32, #tpu.memory_space<hbm>>) target(%dma_start3A_756 : memref<125xi32, #tpu.memory_space<vmem>>) target_semaphore(%dma_start3A_753 : memref<!tpu.dma_semaphore, #tpu.memory_space<semaphore_mem>>)
      } else {
      }
      %add3A_674 = arith.constant 2 : i32
      %add3A_675 = arith.addi %scan3A_655, %add3A_674 : i32
      %lt3A_676 = arith.constant 160 : i32
      %lt3A_677 = arith.cmpi slt, %add3A_675, %lt3A_676 : i32
      %convert_element_type3A_678 = arith.extui %lt3A_677 : i1 to i32
      %cond3A_679 = arith.constant 0 : i32
      %cond3A_680 = arith.cmpi ne, %convert_element_type3A_678, %cond3A_679 : i32
      scf.if %cond3A_680 {
        %add3A_724 = arith.constant 2 : i32
        %add3A_725 = arith.addi %scan3A_655, %add3A_724 : i32
        %rem3A_726 = arith.constant 3 : i32
        %rem3A_727 = arith.remsi %add3A_725, %rem3A_726 : i32
        %dma_wait3A_728 = arith.constant 0 : i32
        %dma_wait3A_729 = arith.constant 0 : i32
        %dma_wait3A_730 = arith.constant 0 : i32
        %dma_wait3A_731 = tpu.memref_slice %arg13[%dma_wait3A_729, %dma_wait3A_730] : memref<6x125xi32, #tpu.memory_space<vmem>> -> memref<1x125xi32, #tpu.memory_space<vmem>>
        %dma_wait3A_732 = tpu.memref_squeeze %dma_wait3A_731 : memref<1x125xi32, #tpu.memory_space<vmem>> -> memref<125xi32, #tpu.memory_space<vmem>>
        %dma_wait3A_733 = arith.constant 0 : i32
        %dma_wait3A_734 = tpu.memref_slice %arg5[%dma_wait3A_728, %dma_wait3A_733] : memref<5120x125xi32, #tpu.memory_space<hbm>> -> memref<1x125xi32, #tpu.memory_space<hbm>>
        %dma_wait3A_735 = tpu.memref_squeeze %dma_wait3A_734 : memref<1x125xi32, #tpu.memory_space<hbm>> -> memref<125xi32, #tpu.memory_space<hbm>>
        %dma_wait3A_736 = tpu.memref_slice %arg21[%rem3A_727] : memref<3x!tpu.dma_semaphore, #tpu.memory_space<semaphore_mem>> -> memref<1x!tpu.dma_semaphore, #tpu.memory_space<semaphore_mem>>
        %dma_wait3A_737 = tpu.memref_squeeze %dma_wait3A_736 : memref<1x!tpu.dma_semaphore, #tpu.memory_space<semaphore_mem>> -> memref<!tpu.dma_semaphore, #tpu.memory_space<semaphore_mem>>
        %dma_wait3A_738 = arith.constant 0 : i32
        %dma_wait3A_739 = tpu.memref_slice %arg13[%dma_wait3A_729, %dma_wait3A_738] : memref<6x125xi32, #tpu.memory_space<vmem>> -> memref<1x125xi32, #tpu.memory_space<vmem>>
        %dma_wait3A_740 = tpu.memref_squeeze %dma_wait3A_739 : memref<1x125xi32, #tpu.memory_space<vmem>> -> memref<125xi32, #tpu.memory_space<vmem>>
        %dma_wait3A_741 = arith.constant 0 : i32
        %dma_wait3A_742 = tpu.memref_slice %arg5[%dma_wait3A_728, %dma_wait3A_741] : memref<5120x125xi32, #tpu.memory_space<hbm>> -> memref<1x125xi32, #tpu.memory_space<hbm>>
        %dma_wait3A_743 = tpu.memref_squeeze %dma_wait3A_742 : memref<1x125xi32, #tpu.memory_space<hbm>> -> memref<125xi32, #tpu.memory_space<hbm>>
        tpu.wait_dma2 semaphore(%dma_wait3A_737 : memref<!tpu.dma_semaphore, #tpu.memory_space<semaphore_mem>>) src(%dma_wait3A_743 : memref<125xi32, #tpu.memory_space<hbm>>) dst(%dma_wait3A_740 : memref<125xi32, #tpu.memory_space<vmem>>)
        %dma_wait3A_744 = arith.constant 0 : i32
        %dma_wait3A_745 = arith.constant 0 : i32
        %dma_wait3A_746 = arith.constant 0 : i32
        %dma_wait3A_747 = tpu.memref_slice %arg14[%dma_wait3A_745, %dma_wait3A_746] : memref<6x125xi32, #tpu.memory_space<vmem>> -> memref<1x125xi32, #tpu.memory_space<vmem>>
        %dma_wait3A_748 = tpu.memref_squeeze %dma_wait3A_747 : memref<1x125xi32, #tpu.memory_space<vmem>> -> memref<125xi32, #tpu.memory_space<vmem>>
        %dma_wait3A_749 = arith.constant 0 : i32
        %dma_wait3A_750 = tpu.memref_slice %arg6[%dma_wait3A_744, %dma_wait3A_749] : memref<2560x125xi32, #tpu.memory_space<hbm>> -> memref<1x125xi32, #tpu.memory_space<hbm>>
        %dma_wait3A_751 = tpu.memref_squeeze %dma_wait3A_750 : memref<1x125xi32, #tpu.memory_space<hbm>> -> memref<125xi32, #tpu.memory_space<hbm>>
        %dma_wait3A_752 = tpu.memref_slice %arg21[%rem3A_727] : memref<3x!tpu.dma_semaphore, #tpu.memory_space<semaphore_mem>> -> memref<1x!tpu.dma_semaphore, #tpu.memory_space<semaphore_mem>>
        %dma_wait3A_753 = tpu.memref_squeeze %dma_wait3A_752 : memref<1x!tpu.dma_semaphore, #tpu.memory_space<semaphore_mem>> -> memref<!tpu.dma_semaphore, #tpu.memory_space<semaphore_mem>>
        %dma_wait3A_754 = arith.constant 0 : i32
        %dma_wait3A_755 = tpu.memref_slice %arg14[%dma_wait3A_745, %dma_wait3A_754] : memref<6x125xi32, #tpu.memory_space<vmem>> -> memref<1x125xi32, #tpu.memory_space<vmem>>
        %dma_wait3A_756 = tpu.memref_squeeze %dma_wait3A_755 : memref<1x125xi32, #tpu.memory_space<vmem>> -> memref<125xi32, #tpu.memory_space<vmem>>
        %dma_wait3A_757 = arith.constant 0 : i32
        %dma_wait3A_758 = tpu.memref_slice %arg6[%dma_wait3A_744, %dma_wait3A_757] : memref<2560x125xi32, #tpu.memory_space<hbm>> -> memref<1x125xi32, #tpu.memory_space<hbm>>
        %dma_wait3A_759 = tpu.memref_squeeze %dma_wait3A_758 : memref<1x125xi32, #tpu.memory_space<hbm>> -> memref<125xi32, #tpu.memory_space<hbm>>
        tpu.wait_dma2 semaphore(%dma_wait3A_753 : memref<!tpu.dma_semaphore, #tpu.memory_space<semaphore_mem>>) src(%dma_wait3A_759 : memref<125xi32, #tpu.memory_space<hbm>>) dst(%dma_wait3A_756 : memref<125xi32, #tpu.memory_space<vmem>>)
        %add3A_760 = arith.constant 2 : i32
        %add3A_761 = arith.addi %scan3A_655, %add3A_760 : i32
        %rem3A_762 = arith.constant 6 : i32
        %rem3A_763 = arith.remsi %add3A_761, %rem3A_762 : i32
        %rem3A_764 = arith.constant 4 : i32
        %rem3A_765 = arith.remsi %add3A_761, %rem3A_764 : i32
        %rem3A_766 = arith.constant 3 : i32
        %rem3A_767 = arith.remsi %add3A_761, %rem3A_766 : i32
        %dma_start3A_768 = arith.constant 0 : i32
        %dma_start3A_769 = arith.constant 0 : i32
        %dma_start3A_770 = tpu.memref_slice %arg15[%rem3A_765, %dma_start3A_768, %dma_start3A_769] : memref<4x125x64xf32, #tpu.memory_space<vmem>> -> memref<1x125x64xf32, #tpu.memory_space<vmem>>
        %dma_start3A_771 = tpu.memref_squeeze %dma_start3A_770 : memref<1x125x64xf32, #tpu.memory_space<vmem>> -> memref<125x64xf32, #tpu.memory_space<vmem>>
        %dma_start3A_772 = arith.constant 0 : i32
        %dma_start3A_773 = tpu.memref_slice %arg13[%rem3A_763, %dma_start3A_772] : memref<6x125xi32, #tpu.memory_space<vmem>> -> memref<1x125xi32, #tpu.memory_space<vmem>>
        %dma_start3A_774 = tpu.memref_squeeze %dma_start3A_773 : memref<1x125xi32, #tpu.memory_space<vmem>> -> memref<125xi32, #tpu.memory_space<vmem>>
        %dma_start3A_775 = arith.constant 0 : i32
        %dma_start3A_776 = arith.constant 0 : i32
        %dma_start3A_777 = tpu.memref_slice %arg12[%dma_start3A_775, %dma_start3A_776] : memref<20480x64xf32, #tpu.memory_space<hbm>> -> memref<20480x64xf32, #tpu.memory_space<hbm>>
        %dma_start3A_778 = tpu.memref_slice %arg22[%rem3A_767] : memref<3x!tpu.dma_semaphore, #tpu.memory_space<semaphore_mem>> -> memref<1x!tpu.dma_semaphore, #tpu.memory_space<semaphore_mem>>
        %dma_start3A_779 = tpu.memref_squeeze %dma_start3A_778 : memref<1x!tpu.dma_semaphore, #tpu.memory_space<semaphore_mem>> -> memref<!tpu.dma_semaphore, #tpu.memory_space<semaphore_mem>>
        tpu.enqueue_indirect_dma source(%dma_start3A_777 : memref<20480x64xf32, #tpu.memory_space<hbm>>) target(%dma_start3A_771 : memref<125x64xf32, #tpu.memory_space<vmem>>) offsets(%dma_start3A_774 : memref<125xi32, #tpu.memory_space<vmem>>) semaphore(%dma_start3A_779 : memref<!tpu.dma_semaphore, #tpu.memory_space<semaphore_mem>>)
      } else {
      }
      %rem3A_681 = arith.constant 3 : i32
      %rem3A_682 = arith.remsi %scan3A_655, %rem3A_681 : i32
      %dma_wait3A_683 = arith.constant 0 : i32
      %dma_wait3A_684 = arith.constant 0 : i32
      %dma_wait3A_685 = arith.constant 0 : i32
      %dma_wait3A_686 = tpu.memref_slice %arg15[%dma_wait3A_683, %dma_wait3A_684, %dma_wait3A_685] : memref<4x125x64xf32, #tpu.memory_space<vmem>> -> memref<1x125x64xf32, #tpu.memory_space<vmem>>
      %dma_wait3A_687 = tpu.memref_squeeze %dma_wait3A_686 : memref<1x125x64xf32, #tpu.memory_space<vmem>> -> memref<125x64xf32, #tpu.memory_space<vmem>>
      %dma_wait3A_688 = arith.constant 0 : i32
      %dma_wait3A_689 = arith.constant 0 : i32
      %dma_wait3A_690 = tpu.memref_slice %arg12[%dma_wait3A_688, %dma_wait3A_689] : memref<20480x64xf32, #tpu.memory_space<hbm>> -> memref<125x64xf32, #tpu.memory_space<hbm>>
      %dma_wait3A_691 = tpu.memref_slice %arg22[%rem3A_682] : memref<3x!tpu.dma_semaphore, #tpu.memory_space<semaphore_mem>> -> memref<1x!tpu.dma_semaphore, #tpu.memory_space<semaphore_mem>>
      %dma_wait3A_692 = tpu.memref_squeeze %dma_wait3A_691 : memref<1x!tpu.dma_semaphore, #tpu.memory_space<semaphore_mem>> -> memref<!tpu.dma_semaphore, #tpu.memory_space<semaphore_mem>>
      %dma_wait3A_693 = arith.constant 0 : i32
      %dma_wait3A_694 = arith.constant 0 : i32
      %dma_wait3A_695 = tpu.memref_slice %arg15[%dma_wait3A_683, %dma_wait3A_693, %dma_wait3A_694] : memref<4x125x64xf32, #tpu.memory_space<vmem>> -> memref<1x125x64xf32, #tpu.memory_space<vmem>>
      %dma_wait3A_696 = tpu.memref_squeeze %dma_wait3A_695 : memref<1x125x64xf32, #tpu.memory_space<vmem>> -> memref<125x64xf32, #tpu.memory_space<vmem>>
      %dma_wait3A_697 = arith.constant 0 : i32
      %dma_wait3A_698 = arith.constant 0 : i32
      %dma_wait3A_699 = tpu.memref_slice %arg12[%dma_wait3A_697, %dma_wait3A_698] : memref<20480x64xf32, #tpu.memory_space<hbm>> -> memref<125x64xf32, #tpu.memory_space<hbm>>
      tpu.wait_dma2 semaphore(%dma_wait3A_692 : memref<!tpu.dma_semaphore, #tpu.memory_space<semaphore_mem>>) src(%dma_wait3A_699 : memref<125x64xf32, #tpu.memory_space<hbm>>) dst(%dma_wait3A_696 : memref<125x64xf32, #tpu.memory_space<vmem>>)
      %rem3A_700 = arith.constant 6 : i32
      %rem3A_701 = arith.remsi %scan3A_655, %rem3A_700 : i32
      %rem3A_702 = arith.constant 4 : i32
      %rem3A_703 = arith.remsi %scan3A_655, %rem3A_702 : i32
      %rem3A_704 = arith.constant 2 : i32
      %rem3A_705 = arith.remsi %scan3A_655, %rem3A_704 : i32
      %dma_start3A_706 = arith.constant 0 : i32
      %dma_start3A_707 = arith.constant 0 : i32
      %dma_start3A_708 = tpu.memref_slice %arg15[%rem3A_703, %dma_start3A_706, %dma_start3A_707] : memref<4x125x64xf32, #tpu.memory_space<vmem>> -> memref<1x125x64xf32, #tpu.memory_space<vmem>>
      %dma_start3A_709 = tpu.memref_squeeze %dma_start3A_708 : memref<1x125x64xf32, #tpu.memory_space<vmem>> -> memref<125x64xf32, #tpu.memory_space<vmem>>
      %dma_start3A_710 = arith.constant 0 : i32
      %dma_start3A_711 = tpu.memref_slice %arg14[%rem3A_701, %dma_start3A_710] : memref<6x125xi32, #tpu.memory_space<vmem>> -> memref<1x125xi32, #tpu.memory_space<vmem>>
      %dma_start3A_712 = tpu.memref_squeeze %dma_start3A_711 : memref<1x125xi32, #tpu.memory_space<vmem>> -> memref<125xi32, #tpu.memory_space<vmem>>
      %dma_start3A_713 = arith.constant 0 : i32
      %dma_start3A_714 = arith.constant 0 : i32
      %dma_start3A_715 = tpu.memref_slice %arg19[%dma_start3A_713, %dma_start3A_714] : memref<10240x64xf32, #tpu.memory_space<vmem_shared>> -> memref<10240x64xf32, #tpu.memory_space<vmem_shared>>
      %dma_start3A_716 = tpu.memref_slice %arg24[%rem3A_705] : memref<2x!tpu.dma_semaphore, #tpu.memory_space<semaphore_mem>> -> memref<1x!tpu.dma_semaphore, #tpu.memory_space<semaphore_mem>>
      %dma_start3A_717 = tpu.memref_squeeze %dma_start3A_716 : memref<1x!tpu.dma_semaphore, #tpu.memory_space<semaphore_mem>> -> memref<!tpu.dma_semaphore, #tpu.memory_space<semaphore_mem>>
      tpu.enqueue_indirect_dma source(%dma_start3A_709 : memref<125x64xf32, #tpu.memory_space<vmem>>) target(%dma_start3A_715 : memref<10240x64xf32, #tpu.memory_space<vmem_shared>>) offsets(%dma_start3A_712 : memref<125xi32, #tpu.memory_space<vmem>>) semaphore(%dma_start3A_717 : memref<!tpu.dma_semaphore, #tpu.memory_space<semaphore_mem>>) {add = true}
      %rem3A_718 = arith.constant 2 : i32
      %rem3A_719 = arith.remsi %scan3A_655, %rem3A_718 : i32
      %eq3A_720 = arith.cmpi eq, %rem3A_719, %arg0 : i32
      %convert_element_type3A_721 = arith.extui %eq3A_720 : i1 to i32
      %cond3A_722 = arith.constant 0 : i32
      %cond3A_723 = arith.cmpi ne, %convert_element_type3A_721, %cond3A_722 : i32
      scf.if %cond3A_723 {
        %rem3A_724 = arith.constant 2 : i32
        %rem3A_725 = arith.remsi %scan3A_655, %rem3A_724 : i32
        %dma_start3A_726 = arith.constant 0 : i32
        %dma_start3A_727 = tpu.memref_slice %arg14[%rem3A_701, %dma_start3A_726] : memref<6x125xi32, #tpu.memory_space<vmem>> -> memref<1x125xi32, #tpu.memory_space<vmem>>
        %dma_start3A_728 = tpu.memref_squeeze %dma_start3A_727 : memref<1x125xi32, #tpu.memory_space<vmem>> -> memref<125xi32, #tpu.memory_space<vmem>>
        %dma_start3A_729 = arith.constant 0 : i32
        %dma_start3A_730 = arith.constant 0 : i32
        %dma_start3A_731 = tpu.memref_slice %arg20[%dma_start3A_729, %dma_start3A_730] : memref<10240x16xf32, #tpu.memory_space<vmem_shared>> -> memref<10240x16xf32, #tpu.memory_space<vmem_shared>>
        %dma_start3A_732 = tpu.memref_slice %arg23[%rem3A_725] : memref<2x!tpu.dma_semaphore, #tpu.memory_space<semaphore_mem>> -> memref<1x!tpu.dma_semaphore, #tpu.memory_space<semaphore_mem>>
        %dma_start3A_733 = tpu.memref_squeeze %dma_start3A_732 : memref<1x!tpu.dma_semaphore, #tpu.memory_space<semaphore_mem>> -> memref<!tpu.dma_semaphore, #tpu.memory_space<semaphore_mem>>
        tpu.enqueue_indirect_dma source(%arg16 : memref<125x16xf32, #tpu.memory_space<vmem>>) target(%dma_start3A_731 : memref<10240x16xf32, #tpu.memory_space<vmem_shared>>) offsets(%dma_start3A_728 : memref<125xi32, #tpu.memory_space<vmem>>) semaphore(%dma_start3A_733 : memref<!tpu.dma_semaphore, #tpu.memory_space<semaphore_mem>>) {add = true}
      } else {
      }
    }
    %scan3A_603 = arith.constant 160 : i32
    %rem3A_604 = arith.constant 158 : i32
    %rem3A_605 = arith.constant 2 : i32
    %rem3A_606 = arith.remsi %rem3A_604, %rem3A_605 : i32
    %dma_wait3A_607 = arith.constant 0 : i32
    %dma_wait3A_608 = arith.constant 0 : i32
    %dma_wait3A_609 = arith.constant 0 : i32
    %dma_wait3A_610 = arith.constant 0 : i32
    %dma_wait3A_611 = tpu.memref_slice %arg15[%dma_wait3A_607, %dma_wait3A_609, %dma_wait3A_610] : memref<4x125x64xf32, #tpu.memory_space<vmem>> -> memref<1x125x64xf32, #tpu.memory_space<vmem>>
    %dma_wait3A_612 = tpu.memref_squeeze %dma_wait3A_611 : memref<1x125x64xf32, #tpu.memory_space<vmem>> -> memref<125x64xf32, #tpu.memory_space<vmem>>
    %dma_wait3A_613 = arith.constant 0 : i32
    %dma_wait3A_614 = tpu.memref_slice %arg14[%dma_wait3A_608, %dma_wait3A_613] : memref<6x125xi32, #tpu.memory_space<vmem>> -> memref<1x125xi32, #tpu.memory_space<vmem>>
    %dma_wait3A_615 = tpu.memref_squeeze %dma_wait3A_614 : memref<1x125xi32, #tpu.memory_space<vmem>> -> memref<125xi32, #tpu.memory_space<vmem>>
    %dma_wait3A_616 = arith.constant 0 : i32
    %dma_wait3A_617 = arith.constant 0 : i32
    %dma_wait3A_618 = tpu.memref_slice %arg19[%dma_wait3A_616, %dma_wait3A_617] : memref<10240x64xf32, #tpu.memory_space<vmem_shared>> -> memref<10240x64xf32, #tpu.memory_space<vmem_shared>>
    %dma_wait3A_619 = tpu.memref_slice %arg24[%rem3A_606] : memref<2x!tpu.dma_semaphore, #tpu.memory_space<semaphore_mem>> -> memref<1x!tpu.dma_semaphore, #tpu.memory_space<semaphore_mem>>
    %dma_wait3A_620 = tpu.memref_squeeze %dma_wait3A_619 : memref<1x!tpu.dma_semaphore, #tpu.memory_space<semaphore_mem>> -> memref<!tpu.dma_semaphore, #tpu.memory_space<semaphore_mem>>
    tpu.wait_indirect_dma semaphore(%dma_wait3A_620 : memref<!tpu.dma_semaphore, #tpu.memory_space<semaphore_mem>>) src(%dma_wait3A_612 : memref<125x64xf32, #tpu.memory_space<vmem>>) dst(%dma_wait3A_618 : memref<10240x64xf32, #tpu.memory_space<vmem_shared>>)
    %rem3A_621 = arith.constant 159 : i32
    %rem3A_622 = arith.constant 2 : i32
    %rem3A_623 = arith.remsi %rem3A_621, %rem3A_622 : i32
    %dma_wait3A_624 = arith.constant 0 : i32
    %dma_wait3A_625 = arith.constant 0 : i32
    %dma_wait3A_626 = arith.constant 0 : i32
    %dma_wait3A_627 = arith.constant 0 : i32
    %dma_wait3A_628 = tpu.memref_slice %arg15[%dma_wait3A_624, %dma_wait3A_626, %dma_wait3A_627] : memref<4x125x64xf32, #tpu.memory_space<vmem>> -> memref<1x125x64xf32, #tpu.memory_space<vmem>>
    %dma_wait3A_629 = tpu.memref_squeeze %dma_wait3A_628 : memref<1x125x64xf32, #tpu.memory_space<vmem>> -> memref<125x64xf32, #tpu.memory_space<vmem>>
    %dma_wait3A_630 = arith.constant 0 : i32
    %dma_wait3A_631 = tpu.memref_slice %arg14[%dma_wait3A_625, %dma_wait3A_630] : memref<6x125xi32, #tpu.memory_space<vmem>> -> memref<1x125xi32, #tpu.memory_space<vmem>>
    %dma_wait3A_632 = tpu.memref_squeeze %dma_wait3A_631 : memref<1x125xi32, #tpu.memory_space<vmem>> -> memref<125xi32, #tpu.memory_space<vmem>>
    %dma_wait3A_633 = arith.constant 0 : i32
    %dma_wait3A_634 = arith.constant 0 : i32
    %dma_wait3A_635 = tpu.memref_slice %arg19[%dma_wait3A_633, %dma_wait3A_634] : memref<10240x64xf32, #tpu.memory_space<vmem_shared>> -> memref<10240x64xf32, #tpu.memory_space<vmem_shared>>
    %dma_wait3A_636 = tpu.memref_slice %arg24[%rem3A_623] : memref<2x!tpu.dma_semaphore, #tpu.memory_space<semaphore_mem>> -> memref<1x!tpu.dma_semaphore, #tpu.memory_space<semaphore_mem>>
    %dma_wait3A_637 = tpu.memref_squeeze %dma_wait3A_636 : memref<1x!tpu.dma_semaphore, #tpu.memory_space<semaphore_mem>> -> memref<!tpu.dma_semaphore, #tpu.memory_space<semaphore_mem>>
    tpu.wait_indirect_dma semaphore(%dma_wait3A_637 : memref<!tpu.dma_semaphore, #tpu.memory_space<semaphore_mem>>) src(%dma_wait3A_629 : memref<125x64xf32, #tpu.memory_space<vmem>>) dst(%dma_wait3A_635 : memref<10240x64xf32, #tpu.memory_space<vmem_shared>>)
    %eq3A = arith.constant 0 : i32
    %eq3A_638 = arith.cmpi eq, %arg0, %eq3A : i32
    %convert_element_type3A = arith.extui %eq3A_638 : i1 to i32
    %cond3A = arith.constant 0 : i32
    %cond3A_639 = arith.cmpi ne, %convert_element_type3A, %cond3A : i32
    scf.if %cond3A_639 {
      %rem3A_655 = arith.constant 0 : i32
      %rem3A_656 = arith.constant 2 : i32
      %rem3A_657 = arith.remsi %rem3A_655, %rem3A_656 : i32
      %dma_wait3A_658 = arith.constant 0 : i32
      %dma_wait3A_659 = arith.constant 0 : i32
      %dma_wait3A_660 = tpu.memref_slice %arg14[%dma_wait3A_658, %dma_wait3A_659] : memref<6x125xi32, #tpu.memory_space<vmem>> -> memref<1x125xi32, #tpu.memory_space<vmem>>
      %dma_wait3A_661 = tpu.memref_squeeze %dma_wait3A_660 : memref<1x125xi32, #tpu.memory_space<vmem>> -> memref<125xi32, #tpu.memory_space<vmem>>
      %dma_wait3A_662 = arith.constant 0 : i32
      %dma_wait3A_663 = arith.constant 0 : i32
      %dma_wait3A_664 = tpu.memref_slice %arg20[%dma_wait3A_662, %dma_wait3A_663] : memref<10240x16xf32, #tpu.memory_space<vmem_shared>> -> memref<10240x16xf32, #tpu.memory_space<vmem_shared>>
      %dma_wait3A_665 = tpu.memref_slice %arg23[%rem3A_657] : memref<2x!tpu.dma_semaphore, #tpu.memory_space<semaphore_mem>> -> memref<1x!tpu.dma_semaphore, #tpu.memory_space<semaphore_mem>>
      %dma_wait3A_666 = tpu.memref_squeeze %dma_wait3A_665 : memref<1x!tpu.dma_semaphore, #tpu.memory_space<semaphore_mem>> -> memref<!tpu.dma_semaphore, #tpu.memory_space<semaphore_mem>>
      tpu.wait_indirect_dma semaphore(%dma_wait3A_666 : memref<!tpu.dma_semaphore, #tpu.memory_space<semaphore_mem>>) src(%arg16 : memref<125x16xf32, #tpu.memory_space<vmem>>) dst(%dma_wait3A_664 : memref<10240x16xf32, #tpu.memory_space<vmem_shared>>)
    } else {
    }
    %eq3A_640 = arith.constant 1 : i32
    %eq3A_641 = arith.cmpi eq, %arg0, %eq3A_640 : i32
    %convert_element_type3A_642 = arith.extui %eq3A_641 : i1 to i32
    %cond3A_643 = arith.constant 0 : i32
    %cond3A_644 = arith.cmpi ne, %convert_element_type3A_642, %cond3A_643 : i32
    scf.if %cond3A_644 {
      %rem3A_655 = arith.constant 1 : i32
      %rem3A_656 = arith.constant 2 : i32
      %rem3A_657 = arith.remsi %rem3A_655, %rem3A_656 : i32
      %dma_wait3A_658 = arith.constant 0 : i32
      %dma_wait3A_659 = arith.constant 0 : i32
      %dma_wait3A_660 = tpu.memref_slice %arg14[%dma_wait3A_658, %dma_wait3A_659] : memref<6x125xi32, #tpu.memory_space<vmem>> -> memref<1x125xi32, #tpu.memory_space<vmem>>
      %dma_wait3A_661 = tpu.memref_squeeze %dma_wait3A_660 : memref<1x125xi32, #tpu.memory_space<vmem>> -> memref<125xi32, #tpu.memory_space<vmem>>
      %dma_wait3A_662 = arith.constant 0 : i32
      %dma_wait3A_663 = arith.constant 0 : i32
      %dma_wait3A_664 = tpu.memref_slice %arg20[%dma_wait3A_662, %dma_wait3A_663] : memref<10240x16xf32, #tpu.memory_space<vmem_shared>> -> memref<10240x16xf32, #tpu.memory_space<vmem_shared>>
      %dma_wait3A_665 = tpu.memref_slice %arg23[%rem3A_657] : memref<2x!tpu.dma_semaphore, #tpu.memory_space<semaphore_mem>> -> memref<1x!tpu.dma_semaphore, #tpu.memory_space<semaphore_mem>>
      %dma_wait3A_666 = tpu.memref_squeeze %dma_wait3A_665 : memref<1x!tpu.dma_semaphore, #tpu.memory_space<semaphore_mem>> -> memref<!tpu.dma_semaphore, #tpu.memory_space<semaphore_mem>>
      tpu.wait_indirect_dma semaphore(%dma_wait3A_666 : memref<!tpu.dma_semaphore, #tpu.memory_space<semaphore_mem>>) src(%arg16 : memref<125x16xf32, #tpu.memory_space<vmem>>) dst(%dma_wait3A_664 : memref<10240x16xf32, #tpu.memory_space<vmem_shared>>)
    } else {
    }
    %barrier3A_645 = arith.constant 0 : index
    tpu.barrier barrier_id(%barrier3A_645)
    %mul3A_646 = arith.constant 10240 : i32
    %mul3A_647 = arith.muli %arg0, %mul3A_646 : i32
    %mul3A_648 = arith.constant 640 : i32
    %mul3A_649 = arith.muli %arg1, %mul3A_648 : i32
    %add3A_650 = arith.addi %mul3A_647, %mul3A_649 : i32
    %mul3A_651 = arith.constant 640 : i32
    %mul3A_652 = arith.muli %arg1, %mul3A_651 : i32
    "tpu.region"() ({
      %run_scoped3A = tpu.sem_alloc : memref<!tpu.dma_semaphore, #tpu.memory_space<semaphore_mem>>
      %dma_start3A_655 = arith.constant 0 : i32
      %dma_start3A_656 = tpu.memref_slice %arg10[%add3A_650, %dma_start3A_655] : memref<20480x64xf32, #tpu.memory_space<hbm>> -> memref<640x64xf32, #tpu.memory_space<hbm>>
      %dma_start3A_657 = arith.constant 0 : i32
      %dma_start3A_658 = tpu.memref_slice %arg19[%mul3A_652, %dma_start3A_657] : memref<10240x64xf32, #tpu.memory_space<vmem_shared>> -> memref<640x64xf32, #tpu.memory_space<vmem_shared>>
      tpu.enqueue_dma source(%dma_start3A_658 : memref<640x64xf32, #tpu.memory_space<vmem_shared>>) target(%dma_start3A_656 : memref<640x64xf32, #tpu.memory_space<hbm>>) target_semaphore(%run_scoped3A : memref<!tpu.dma_semaphore, #tpu.memory_space<semaphore_mem>>)
      %dma_wait3A_659 = arith.constant 0 : i32
      %dma_wait3A_660 = tpu.memref_slice %arg10[%add3A_650, %dma_wait3A_659] : memref<20480x64xf32, #tpu.memory_space<hbm>> -> memref<640x64xf32, #tpu.memory_space<hbm>>
      %dma_wait3A_661 = arith.constant 0 : i32
      %dma_wait3A_662 = tpu.memref_slice %arg19[%mul3A_652, %dma_wait3A_661] : memref<10240x64xf32, #tpu.memory_space<vmem_shared>> -> memref<640x64xf32, #tpu.memory_space<vmem_shared>>
      tpu.wait_dma2 semaphore(%run_scoped3A : memref<!tpu.dma_semaphore, #tpu.memory_space<semaphore_mem>>) src(%dma_wait3A_662 : memref<640x64xf32, #tpu.memory_space<vmem_shared>>) dst(%dma_wait3A_660 : memref<640x64xf32, #tpu.memory_space<hbm>>)
      tpu.yield
    }) : () -> ()
    %mul3A_653 = arith.constant 640 : i32
    %mul3A_654 = arith.muli %arg1, %mul3A_653 : i32
    "tpu.region"() ({
      %run_scoped3A = tpu.sem_alloc : memref<!tpu.dma_semaphore, #tpu.memory_space<semaphore_mem>>
      %dma_start3A_655 = arith.constant 0 : i32
      %dma_start3A_656 = tpu.memref_slice %arg11[%add3A_650, %dma_start3A_655] : memref<20480x16xf32, #tpu.memory_space<hbm>> -> memref<640x16xf32, #tpu.memory_space<hbm>>
      %dma_start3A_657 = arith.constant 0 : i32
      %dma_start3A_658 = tpu.memref_slice %arg20[%mul3A_654, %dma_start3A_657] : memref<10240x16xf32, #tpu.memory_space<vmem_shared>> -> memref<640x16xf32, #tpu.memory_space<vmem_shared>>
      tpu.enqueue_dma source(%dma_start3A_658 : memref<640x16xf32, #tpu.memory_space<vmem_shared>>) target(%dma_start3A_656 : memref<640x16xf32, #tpu.memory_space<hbm>>) target_semaphore(%run_scoped3A : memref<!tpu.dma_semaphore, #tpu.memory_space<semaphore_mem>>)
      %dma_wait3A_659 = arith.constant 0 : i32
      %dma_wait3A_660 = tpu.memref_slice %arg11[%add3A_650, %dma_wait3A_659] : memref<20480x16xf32, #tpu.memory_space<hbm>> -> memref<640x16xf32, #tpu.memory_space<hbm>>
      %dma_wait3A_661 = arith.constant 0 : i32
      %dma_wait3A_662 = tpu.memref_slice %arg20[%mul3A_654, %dma_wait3A_661] : memref<10240x16xf32, #tpu.memory_space<vmem_shared>> -> memref<640x16xf32, #tpu.memory_space<vmem_shared>>
      tpu.wait_dma2 semaphore(%run_scoped3A : memref<!tpu.dma_semaphore, #tpu.memory_space<semaphore_mem>>) src(%dma_wait3A_662 : memref<640x16xf32, #tpu.memory_space<vmem_shared>>) dst(%dma_wait3A_660 : memref<640x16xf32, #tpu.memory_space<hbm>>)
      tpu.yield
    }) : () -> ()
    return
  }
}

module attributes {stable_mosaic.version = 14 : i64} {
  func.func @_tc_body(%arg0: i32, %arg1: memref<2x2000x64xf32, #tpu.memory_space<vmem>>, %arg2: memref<2x2000x16xf32, #tpu.memory_space<vmem>>, %arg3: memref<128x128xf32, #tpu.memory_space<vmem>>, %arg4: memref<1x128xf32, #tpu.memory_space<vmem>>, %arg5: memref<2000x128xf32, #tpu.memory_space<vmem>>) attributes {dimension_semantics = [#tpu.dimension_semantics<arbitrary>], iteration_bounds = array<i64: 5>, scalar_prefetch = 0 : i64, scratch_operands = 0 : i64, tpu.core_type = #tpu.core_type<tc>, window_params = [{transform_indices = @transform_0, window_bounds = array<i64: 2, 2000, 64>}, {transform_indices = @transform_1, window_bounds = array<i64: 2, 2000, 16>}, {pipeline_mode = #tpu.pipeline_mode<synchronous>, transform_indices = @transform_2, window_bounds = array<i64: 128, 128>}, {pipeline_mode = #tpu.pipeline_mode<synchronous>, transform_indices = @transform_3, window_bounds = array<i64: 1, 128>}, {transform_indices = @transform_4, window_bounds = array<i64: 2000, 128>}]} {
    %get3A = arith.constant 0 : index
    %get3A_0 = arith.constant 0 : index
    %get3A_1 = arith.constant 0 : index
    %get3A_2 = vector.load %arg1[%get3A, %get3A_0, %get3A_1] : memref<2x2000x64xf32, #tpu.memory_space<vmem>>, vector<1x2000x64xf32>
    %get3A_3 = vector.shape_cast %get3A_2 : vector<1x2000x64xf32> to vector<2000x64xf32>
    %get3A_4 = arith.constant 1 : index
    %get3A_5 = arith.constant 0 : index
    %get3A_6 = arith.constant 0 : index
    %get3A_7 = vector.load %arg1[%get3A_4, %get3A_5, %get3A_6] : memref<2x2000x64xf32, #tpu.memory_space<vmem>>, vector<1x2000x64xf32>
    %get3A_8 = vector.shape_cast %get3A_7 : vector<1x2000x64xf32> to vector<2000x64xf32>
    %concatenate3A = tpu.concatenate %get3A_3, %get3A_8 in 1 : vector<2000x64xf32>, vector<2000x64xf32> -> vector<2000x128xf32>
    %get3A_9 = arith.constant 0 : index
    %get3A_10 = arith.constant 0 : index
    %get3A_11 = arith.constant 0 : index
    %get3A_12 = vector.load %arg2[%get3A_9, %get3A_10, %get3A_11] : memref<2x2000x16xf32, #tpu.memory_space<vmem>>, vector<1x2000x16xf32>
    %get3A_13 = vector.shape_cast %get3A_12 : vector<1x2000x16xf32> to vector<2000x16xf32>
    %slice3A = vector.extract_strided_slice %get3A_13 {offsets = [0, 0], sizes = [2000, 1], strides = [1, 1]} : vector<2000x16xf32> to vector<2000x1xf32>
    %get3A_14 = arith.constant 1 : index
    %get3A_15 = arith.constant 0 : index
    %get3A_16 = arith.constant 0 : index
    %get3A_17 = vector.load %arg2[%get3A_14, %get3A_15, %get3A_16] : memref<2x2000x16xf32, #tpu.memory_space<vmem>>, vector<1x2000x16xf32>
    %get3A_18 = vector.shape_cast %get3A_17 : vector<1x2000x16xf32> to vector<2000x16xf32>
    %slice3A_19 = vector.extract_strided_slice %get3A_18 {offsets = [0, 0], sizes = [2000, 1], strides = [1, 1]} : vector<2000x16xf32> to vector<2000x1xf32>
    %add3A = arith.addf %slice3A, %slice3A_19 : vector<2000x1xf32>
    %eq3A = arith.constant 0.000000e+00 : f32
    %eq3A_20 = vector.broadcast %eq3A : f32 to vector<2000x1xf32>
    %eq3A_21 = arith.cmpf oeq, %add3A, %eq3A_20 : vector<2000x1xf32>
    %jit3A = arith.constant 1.000000e+00 : f32
    %broadcast_in_dim3A = vector.broadcast %jit3A : f32 to vector<2000x1xf32>
    %select_n3A = arith.select %eq3A_21, %broadcast_in_dim3A, %add3A : vector<2000x1xi1>, vector<2000x1xf32>
    %get3A_22 = arith.constant 0 : index
    %get3A_23 = arith.constant 0 : index
    %get3A_24 = vector.load %arg3[%get3A_22, %get3A_23] : memref<128x128xf32, #tpu.memory_space<vmem>>, vector<128x128xf32>
    %dot_general3A = arith.constant dense<0.000000e+00> : vector<2000x128xf32>
    %dot_general3A_25 = tpu.matmul %concatenate3A, %get3A_24, %dot_general3A {dimension_numbers = #tpu.dot_dimension_numbers<[1], [0], [0], [1], [0, 0, 1, 1], [], []>, transpose_lhs_hint = false} : vector<2000x128xf32>, vector<128x128xf32>, vector<2000x128xf32> -> vector<2000x128xf32>
    %div3A = vector.broadcast %select_n3A : vector<2000x1xf32> to vector<2000x128xf32>
    %div3A_26 = arith.divf %dot_general3A_25, %div3A : vector<2000x128xf32>
    %get3A_27 = arith.constant 0 : index
    %get3A_28 = arith.constant 0 : index
    %get3A_29 = vector.load %arg4[%get3A_27, %get3A_28] : memref<1x128xf32, #tpu.memory_space<vmem>>, vector<1x128xf32>
    %add3A_30 = vector.broadcast %get3A_29 : vector<1x128xf32> to vector<2000x128xf32>
    %add3A_31 = arith.addf %div3A_26, %add3A_30 : vector<2000x128xf32>
    %swap3A = arith.constant 0 : index
    %swap3A_32 = arith.constant 0 : index
    %swap3A_33 = vector.load %arg5[%swap3A, %swap3A_32] : memref<2000x128xf32, #tpu.memory_space<vmem>>, vector<2000x128xf32>
    tpu.vector_store %arg5[%swap3A, %swap3A_32], %add3A_31 {strides = array<i32>} : memref<2000x128xf32, #tpu.memory_space<vmem>>, vector<2000x128xf32>,
    return
  }
  func.func @transform_0(%arg0: i32) -> (i32, i32, i32) {
    %c0_i32 = arith.constant 0 : i32
    %c0_i32_0 = arith.constant 0 : i32
    %c0_i32_1 = arith.constant 0 : i32
    return %c0_i32, %arg0, %c0_i32_0 : i32, i32, i32
  }
  func.func @transform_1(%arg0: i32) -> (i32, i32, i32) {
    %c0_i32 = arith.constant 0 : i32
    %c0_i32_0 = arith.constant 0 : i32
    %c0_i32_1 = arith.constant 0 : i32
    return %c0_i32, %arg0, %c0_i32_0 : i32, i32, i32
  }
  func.func @transform_2(%arg0: i32) -> (i32, i32) {
    %c0_i32 = arith.constant 0 : i32
    %c0_i32_0 = arith.constant 0 : i32
    %c0_i32_1 = arith.constant 0 : i32
    return %c0_i32, %c0_i32_0 : i32, i32
  }
  func.func @transform_3(%arg0: i32) -> (i32, i32) {
    %c0_i32 = arith.constant 0 : i32
    %c0_i32_0 = arith.constant 0 : i32
    %c0_i32_1 = arith.constant 0 : i32
    return %c0_i32, %c0_i32_0 : i32, i32
  }
  func.func @transform_4(%arg0: i32) -> (i32, i32) {
    %c0_i32 = arith.constant 0 : i32
    %c0_i32_0 = arith.constant 0 : i32
    return %arg0, %c0_i32 : i32, i32
  }
}

</mosaic_0001>

<sc_bundles>
// kernel: kernel.4.cloned.1.call-start
scs
__scs_entry_jumppad:
0x0: {  	(pc) =	sbr.rel $0x88, $3  }
0x1: {  	(tag) =	ssettag $0x0;
	lr =	simm.s32 $0x1  }
0x2: {  	[smem:$0x3F9D] =	sst lr;
	_ =	strace $0xD0000000  }
0x3: {  	_ = 	snop  }
0x4: {  	_ = 	snop  }
0x5: {  	_ = 	snop  }
0x6: {  	_ = 	snop  }
0x7: {  	_ = 	snop  }
__scs_overlays_trampoline_lowered:
0x8: {  	[smem:$0x3FAC] =	sst s0  }
0x9: {  	[smem:$0x3FAD] =	sst s1  }
0xa: {  	[smem:$0x3FAE] =	sst s2  }
0xb: {  	[smem:$0x3FAF] =	sst s3  }
0xc: {  	[smem:$0x3FB0] =	sst s4  }
0xd: {  	[smem:$0x3FB1] =	sst s5  }
0xe: {  	[smem:$0x3FB2] =	sst s6  }
0xf: {  	[smem:$0x3FB3] =	sst s7  }
0x10: {  	[smem:$0x3FB4] =	sst s8  }
0x11: {  	[smem:$0x3FB5] =	sst s9;
	s0 =	simm.s32 @!p0 $0x0  }
0x12: {  	s1 =	sld [smem:$0x3F9B];
	s0 =	simm.s32 @p0 $0x1  }
0x13: {  	[smem:$0x3FB6] =	sst s0;
	s0 =	simm.s32 @!p1 $0x0  }
0x14: {  	s2 =	sld [smem:$0x3F9A];
	s0 =	simm.s32 @p1 $0x1  }
0x15: {  	[smem:$0x3FB7] =	sst s0;
	s0 =	simm.s32 @!p2 $0x0  }
0x16: {  	s3 =	sld [smem:$0x3FDB];
	s0 =	simm.s32 @p2 $0x1  }
0x17: {  	s4 =	simm.s32 $0x1BF5;
	[smem:$0x3FB9] =	sst s0  }
0x18: {  	s0 =	sld [smem:$0x3F9C];
	_ =	swait.ge [sflag:s4], $0x0  }
0x19: {  	s7 =	sld [smem:$0x3F9D]  }
0x1a: {  	s8 =	sadd.s32 $0xFFFFE003, lr  }
0x1b: {  	s9 =	sadd.s32 $0xFFFFFEF7, lr;
	s5 =	simm.s32 $0xFFFFFFFF;
	p2 =	slt.u32 s8, $0xFFFFF086  }
0x1c: {  	p1 =	slt.u32 s9, $0xF7A;
	s5 =	simm.s32 @!p2 $0x0  }
0x1d: {  	s5 =	simm.s32 @p1 $0x1;
	p0 =	seq.s32 s7, s2  }
0x1e: {  	s7 =	smul.u32 @!p0 $0xF7A, s2;
	p2 =	seq.s32 @!p0 s5, $0x0  }
0x1f: {  	s9 =	smul.u32 $0xF7A, s1;
	s8 =	simm.s32 @!p0 $0x1BF5;
	p2 =	por !p2, p0  }
0x20: {  	[sflag:s8] =	ssyncset.s32 @!p0 $0xFFFFF086;
	s6 =	sadd.s32 @!p0 s3, s7;
	s7 =	simm.s32 @!p0 $0x108  }
0x21: {  	s3 =	sadd.s32 s3, s9;
	s6 =	sadd.s32 @!p0 $0x88, s6;
	s7 =	simm.s32 @p2 $0x1082  }
0x22: {  	[simem:s7], [sflag:s8] =	dma.local @!p0 [hbm:s6], $0xF7A  }
0x23: {  	s9 =	sor.u32 $0xD0000000, s2;
	s6 =	simm.s32 $0x108;
	_ =	swait.ge @!p0 [sflag:s8], $0x0  }
0x24: {  	s3 =	sadd.s32 $0x88, s3;
	s6 =	simm.s32 @!p1 $0x1082;
	[sflag:s4] =	ssyncset.s32 $0xFFFFF086  }
0x25: {  	[simem:s6], [sflag:s4] =	dma.local [hbm:s3], $0xF7A  }
0x26: {  	[smem:$0x3F9D] =	sst s1;
	(tag) =	ssettag s2;
	_ =	strace s9  }
0x27: {  	s1 =	sld [smem:$0x3FAD]  }
0x28: {  	s2 =	sld [smem:$0x3FAE]  }
0x29: {  	s4 =	sld [smem:$0x3FB0]  }
0x2a: {  	p0 =	seq.s32 s5, $0x0;
	s5 =	sld [smem:$0x3FB1]  }
0x2b: {  	s6 =	sld [smem:$0x3FB2]  }
0x2c: {  	s7 =	sld [smem:$0x3FB3]  }
0x2d: {  	s3 =	simm.s32 $0x108;
	s8 =	sld [smem:$0x3FB4]  }
0x2e: {  	s3 =	simm.s32 @!p0 $0x1082;
	s9 =	sld [smem:$0x3FB5]  }
0x2f: {  	lr =	sadd.s32 s0, s3;
	s0 =	sld [smem:$0x3FAC]  }
0x30: {  	s3 =	sld [smem:$0x3FAF]  }
0x31: {  	[smem:$0x3FB8] =	sst s10  }
0x32: {  	s10 =	sld [smem:$0x3FB6];
	_ =	sdelay $0x3  }
0x33: {  	p0 =	seq.s32 s10, $0x1;
	s10 =	sld [smem:$0x3FB8];
	_ =	sdelay $0x3  }
0x34: {  	[smem:$0x3FB8] =	sst s10  }
0x35: {  	s10 =	sld [smem:$0x3FB7];
	_ =	sdelay $0x3  }
0x36: {  	p1 =	seq.s32 s10, $0x1;
	s10 =	sld [smem:$0x3FB8];
	_ =	sdelay $0x3  }
0x37: {  	[smem:$0x3FB8] =	sst s10  }
0x38: {  	s10 =	sld [smem:$0x3FB9]  }
0x39: {  	_ = 	snop;
	(pc) =	sbr.ind lr, $3  }
0x3a: {  	_ = 	snop  }
0x3b: {  	_ = 	snop  }
0x3c: {  	p2 =	seq.s32 s10, $0x1;
	s10 =	sld [smem:$0x3FB8]  }
0x3d: {  	_ =	shalt  }
0x3e: {  	_ =	shalt  }
0x3f: {  	_ =	shalt  }
0x40: {  	_ =	shalt  }
0x41: {  	_ =	shalt  }
0x42: {  	_ =	shalt  }
0x43: {  	_ =	shalt  }
0x44: {  	_ =	shalt  }
0x45: {  	_ =	shalt  }
0x46: {  	_ =	shalt  }
0x47: {  	_ =	shalt  }
0x48: {  	_ =	shalt  }
0x49: {  	_ =	shalt  }
0x4a: {  	_ =	shalt  }
0x4b: {  	_ =	shalt  }
0x4c: {  	_ =	shalt  }
0x4d: {  	_ =	shalt  }
0x4e: {  	_ =	shalt  }
0x4f: {  	_ =	shalt  }
0x50: {  	_ =	shalt  }
0x51: {  	_ =	shalt  }
0x52: {  	_ =	shalt  }
0x53: {  	_ =	shalt  }
0x54: {  	_ =	shalt  }
0x55: {  	_ =	shalt  }
0x56: {  	_ =	shalt  }
0x57: {  	_ =	shalt  }
0x58: {  	_ =	shalt  }
0x59: {  	_ =	shalt  }
0x5a: {  	_ =	shalt  }
0x5b: {  	_ =	shalt  }
0x5c: {  	_ =	shalt  }
0x5d: {  	_ =	shalt  }
0x5e: {  	_ =	shalt  }
0x5f: {  	_ =	shalt  }
0x60: {  	_ =	shalt  }
0x61: {  	_ =	shalt  }
0x62: {  	_ =	shalt  }
0x63: {  	_ =	shalt  }
0x64: {  	_ =	shalt  }
0x65: {  	_ =	shalt  }
0x66: {  	_ =	shalt  }
0x67: {  	_ =	shalt  }
0x68: {  	_ =	shalt  }
0x69: {  	_ =	shalt  }
0x6a: {  	_ =	shalt  }
0x6b: {  	_ =	shalt  }
0x6c: {  	_ =	shalt  }
0x6d: {  	_ =	shalt  }
0x6e: {  	_ =	shalt  }
0x6f: {  	_ =	shalt  }
0x70: {  	_ =	shalt  }
0x71: {  	_ =	shalt  }
0x72: {  	_ =	shalt  }
0x73: {  	_ =	shalt  }
0x74: {  	_ =	shalt  }
0x75: {  	_ =	shalt  }
0x76: {  	_ =	shalt  }
0x77: {  	_ =	shalt  }
0x78: {  	_ =	shalt  }
0x79: {  	_ =	shalt  }
0x7a: {  	_ =	shalt  }
0x7b: {  	_ =	shalt  }
0x7c: {  	_ =	shalt  }
0x7d: {  	_ =	shalt  }
0x7e: {  	_ =	shalt  }
0x7f: {  	_ =	shalt  }
0x80: {  	_ =	shalt  }
0x81: {  	_ =	shalt  }
0x82: {  	_ =	shalt  }
0x83: {  	_ =	shalt  }
0x84: {  	_ =	shalt  }
0x85: {  	_ =	shalt  }
0x86: {  	_ =	shalt  }
0x87: {  	_ =	shalt  }
.Lfunc_end0:
.L_simem_size_0:
called_computation_lowered:
.L_overlay_start_0:
0x88: {  	s2 =	sld [smem:$0x3FD9]  }
0x89: {  	s3 =	sld [smem:$0x3FFE];
	_ =	sdelay $0x1  }
0x8a: {  	s1 =	srdreg.scid  }
0x8b: {  	s0 =	sand.u32 $0x1, s1  }
0x8c: {  	s17 =	sshll.u32 s0, $0xA;
	s2 =	sadd.s32 s3, s2  }
0x8d: {  	s2 =	sadd.s32 s2, s17  }
0x8e: {  	[smem:$0x3FC4] =	sst s2  }
0x8f: {  	_ = 	snop  }
0x90: {  	s2 =	sld [smem:$0x3FD0];
	(tm) =	ssettm $0x1  }
0x91: {  	s18 =	sld [smem:$0x3FFB];
	_ =	sdelay $0x3  }
0x92: {  	_ =	strace s18  }
0x93: {  	s3 =	sld [smem:$0x3FFC];
	_ =	sdelay $0x3  }
0x94: {  	_ =	strace s3  }
0x95: {  	s3 =	sld [smem:$0x3FFD];
	_ =	sdelay $0x3  }
0x96: {  	_ =	strace s3  }
0x97: {  	_ =	strace $0x8FFFFFFF  }
0x98: {  	s19 =	sld [smem:$0x3FDB];
	_ =	sdelay $0x1  }
0x99: {  	s4 =	simm.s32 $_scs_section_size  }
0x9a: {  	s5 =	simm.s32 $_size__tile_overlayer_lowered;
	s6 =	simm.s32 $_tile_overlayer_lowered  }
0x9b: {  	s22 =	simm.s32 $0x1BFF;
	s21 =	sshll.u32 s6, $0x1;
	s3 =	sadd.s32 s4, s19  }
0x9c: {  	s7 =	simm.s32 $0x0;
	s20 =	sshll.u32 s5, $0x1;
	s5 =	sadd.s32 s21, s3  }
0x9d: {  	[timem:s7], [sflag:s22] =	dma.local [hbm:s5], s20  }
0x9e: {  	_ =	swait.ge [sflag:s22], s20  }
0x9f: {  	s4 =	ssub.s32 $0x0, s20;
	[sflag:s22] =	ssyncset.done $0x0  }
0xa0: {  	[sflag:s22] =	ssyncadd.s32 s4;
	_ =	sdelay $0x1  }
0xa1: {  	s23 =	simm.s32 $0x1B8B  }
0xa2: {  	_ =	swait.ge [sflag:s23], $0x1  }
0xa3: {  	[sflag:s23] =	ssyncset.done $0x0  }
0xa4: {  	s25 =	simm.s32 $0x1B8E;
	s24 =	sld [smem:$0x3FFE];
	[sflag:s23] =	ssyncadd.s32 $0xFFFFFFFF  }
0xa5: {  	s26 =	simm.s32 $execute0_lowered;
	[smem:$0x3FD2] =	sst s25  }
0xa6: {  	s5 =	sshll.u32 s26, $0x1;
	_ =	strace $0x80000046;
	[dreg:$0x1] =	wrdreg $0xFFFFFFFF  }
0xa7: {  	s28 =	simm.s32 $_size_execute0_lowered;
	s3 =	sadd.s32 s3, s5;
	[dreg:$0x0] =	wrdreg $0x0  }
0xa8: {  	s5 =	sshll.u32 s28, $0x1;
	[dreg:$0x2] =	wrdreg s3  }
0xa9: {  	[dreg:$0x3] =	wrdreg s5  }
0xaa: {  	[dreg:$0x4] =	wrdreg $0xC0  }
0xab: {  	_ =	task [dreg:s7], $0x5FFFF  }
0xac: {  	[dreg:$0x1] =	wrdreg $0xFFFFFFFF  }
0xad: {  	[dreg:$0x0] =	wrdreg $0x60  }
0xae: {  	[dreg:$0x2] =	wrdreg s2  }
0xaf: {  	[dreg:$0x3] =	wrdreg s24  }
0xb0: {  	[dreg:$0x4] =	wrdreg $0x94D00  }
0xb1: {  	[dreg:$0x5] =	wrdreg $0x134D00  }
0xb2: {  	[dreg:$0x6] =	wrdreg $0x1D4D00  }
0xb3: {  	[dreg:$0x7] =	wrdreg $0x9  }
0xb4: {  	_ =	task.clear_ibuf [dreg:s7], $0x8FFFF;
	_ =	strace $0x90000046  }
0xb5: {  	s29 =	simm.s32 $0x9;
	_ =	strace $0x80000048  }
0xb6: {  	_ =	swait.ge [sflag:s29], $0x1  }
0xb7: {  	[sflag:s29] =	ssyncadd.s32 $0xFFFFFFFF  }
0xb8: {  	_ =	strace $0x90000048  }
0xb9: {  	_ =	sfence  }
0xba: {  	s30 =	sld [smem:$0x0];
	_ =	sdelay $0x2  }
0xbb: {  	s31 =	sshll.u32 s1, $0xD;
	s1 =	sshrl.u32 s1, $0x2  }
0xbc: {  	s3 =	sand.u32 $0x4000, s31;
	s1 =	sadd.s32 s1, s30  }
0xbd: {  	s0 =	sor.u32 s3, s0;
	s1 =	sshll.u32 s1, $0x11  }
0xbe: {  	s0 =	sor.u32 s1, s0  }
0xbf: {  	s0 =	sadd.s32 $0x8F2B, s0  }
0xc0: {  	[sflag:s0] =	ssyncadd.remote.s32 $0x1  }
0xc1: {  	_ =	sfence.sel $0xFFFF  }
0xc2: {  	[dreg:$0x0] =	wrdreg $0xFFFFFFFF;
	(pc) =	sbr.abs _section_cstart, $3  }
0xc3: {  	[dreg:$0x1] =	wrdreg $0xFFFFFFFF  }
0xc4: {  	_ =	task.clear_ibuf [dreg:s7], $0x2FFFF;
	_ =	strace $0x9FFFFFFF  }
0xc5: {  	(tm) =	ssettm $0x7FFFFFFF  }
tec
execute0_lowered:
.L_overlay_start_1:
0x0: {  	(tag) =	ssettag $0x1  }
0x1: {  	s1 =	rddreg [dreg:$0x0]  }
0x2: {  	s0 =	rddreg [dreg:$0x1]  }
0x3: {  	s2 =	rddreg [dreg:$0x2]  }
0x4: {  	s3 =	rddreg [dreg:$0x3]  }
0x5: {  	s4 =	rddreg [dreg:$0x4]  }
0x6: {  	s5 =	srdreg.scid;
	s22 =	stileid.u32;
	s31 =	simm.s32 $0x1  }
0x7: {  	s29 =	simm.s32 $0xA;
	s6 =	sand.u32 $0x1, s5;
	s7 =	smul.u32 $0x280, s22  }
0x8: {  	s5 =	sadd.s32 $0x15000, s0;
	s9 =	sadd.s32 $0x1000, s0;
	s14 =	smul.u32 $0xA00, s22  }
0x9: {  	s10 =	sadd.s32 $0x29000, s0;
	s12 =	sadd.s32 $0xB000, s0;
	s25 =	smul.u32 $0xA0, s22  }
0xa: {  	s8 =	sshll.u32 s6, $0x4;
	s11 =	ssub.s32 $0x2, s6;
	s15 =	smul.u32 $0x2800, s6  }
0xb: {  	s18 =	smul.u32 $0xA00, s6;
	p0 =	seq.s32 s6, $0x1;
	s16 =	sor.u32 $0x10, s14  }
0xc: {  	s8 =	sor.u32 s22, s8;
	s24 =	sor.u32 $0x20, s14;
	s17 =	sadd.s32 s9, s16  }
0xd: {  	s23 =	sadd.s32 s9, s14;
	s9 =	sadd.s32 s9, s24;
	[dreg:$0x8] =	wrdreg s17  }
0xe: {  	s8 =	smul.u32 $0xA00, s8;
	s16 =	sadd.s32 s12, s16;
	[dreg:$0x9] =	wrdreg s9  }
0xf: {  	s14 =	sadd.s32 s12, s14;
	s12 =	sadd.s32 s12, s24;
	[dreg:$0xb] =	wrdreg s16  }
0x10: {  	[dreg:$0xc] =	wrdreg s12;
	s20 =	sadd.s32 s5, s8;
	s21 =	sor.u32 $0x10, s8  }
0x11: {  	s19 =	sor.u32 $0x20, s8;
	s8 =	sadd.s32 s10, s8;
	[dreg:$0x6] =	wrdreg s20  }
0x12: {  	s13 =	sshrl.u32 s11, $0x1;
	s26 =	sadd.s32 s5, s21;
	[dreg:$0xf] =	wrdreg s8  }
0x13: {  	s11 =	ssub.s32 s11, s13;
	s28 =	sadd.s32 s5, s19;
	[dreg:$0xd] =	wrdreg s26  }
0x14: {  	s24 =	smul.u32 $0xA000, s22;
	s30 =	sadd.s32 s10, s21;
	[dreg:$0xe] =	wrdreg s28  }
0x15: {  	s9 =	sadd.s32 s25, s18;
	s13 =	sadd.s32 s10, s19;
	[dreg:$0x10] =	wrdreg s30  }
0x16: {  	s18 =	sadd.s32 $0x3D000, s0;
	s20 =	simm.s32 $0x0;
	[dreg:$0x11] =	wrdreg s13  }
0x17: {  	s25 =	sadd.s32 $0x3EC00, s0;
	s12 =	sshll.u32 s9, $0x4;
	[smem:$0x7FF] =	sst s20  }
0x18: {  	s19 =	sadd.s32 $0x3E400, s0;
	_ =	strace $0x80000047;
	[dreg:$0x12] =	wrdreg s18  }
0x19: {  	s5 =	sadd.s32 s12, s5;
	s30 =	sadd.s32 $0x3EA00, s0;
	[dreg:$0x13] =	wrdreg s19  }
0x1a: {  	s9 =	sadd.s32 s12, s10;
	s13 =	sadd.s32 s24, s2;
	[dreg:$0x14] =	wrdreg s30  }
0x1b: {  	s21 =	sadd.s32 s7, s15;
	s15 =	sadd.s32 s24, s3;
	[dreg:$0x15] =	wrdreg s13  }
0x1c: {  	s28 =	sshll.u32 s22, $0x6;
	s22 =	sadd.s32 $0x30, s5;
	[dreg:$0x16] =	wrdreg s15  }
0x1d: {  	s16 =	sshll.u32 s21, $0x3;
	s17 =	sshll.u32 s21, $0x1;
	[dreg:$0x1b] =	wrdreg s22  }
0x1e: {  	s8 =	sadd.s32 s16, s0;
	s10 =	sadd.s32 s17, s0;
	[dreg:$0x7] =	wrdreg s23  }
0x1f: {  	s26 =	sor.u32 $0x1C0B, s28;
	s19 =	smax.u32 s11, $0x1;
	[dreg:$0xa] =	wrdreg s14  }
0x20: {  	s16 =	sshrl.u32 s24, $0x2;
	s24 =	sadd.s32 $0x30, s9;
	[dreg:$0x1a] =	wrdreg s19  }
0x21: {  	s13 =	sadd.s32 $0x7, s6;
	s28 =	sadd.s32 $0x30, s23;
	[dreg:$0x1c] =	wrdreg s24  }
0x22: {  	s30 =	sadd.s32 $0x30, s14;
	s9 =	simm.s32 $0x2;
	[dreg:$0x1d] =	wrdreg s28  }
.Ltmp0:
0x23: {  	s0 =	sadd.s32 s16, s4;
	[dreg:$0x1e] =	wrdreg s30;
	(pc) =	sbr.rel .LBB2_1-.Ltmp0, $4  }
0x24: {  	s11 =	simm.s32 $0x0;
	s17 =	sadd.s32 $0x66C00, s8;
	[dreg:$0x17] =	wrdreg s0  }
0x25: {  	s18 =	sadd.s32 $0x8EC00, s10;
	s8 =	simm.s32 $0x8;
	[dreg:$0x18] =	wrdreg s17  }
0x26: {  	s24 =	simm.s32 $0x9;
	[dreg:$0x19] =	wrdreg s18;
	s8 =	simm.s32 @!p0 $0x7  }
0x27: {  	s17 =	simm.s32 $0xB;
	s18 =	simm.s32 $0x8300;
	s0 =	simm.s32 $0x7D  }
.LBB2_22:
0x28: {  	_ =	swait.ge [sflag:s24], $0x1F40  }
0x29: {  	[sflag:s24] =	ssyncset.done $0x0  }
0x2a: {  	[sflag:s24] =	ssyncadd.s32 $0xFFFFE0C0  }
0x2b: {  	_ =	swait.ge [sflag:s29], $0x1F40  }
0x2c: {  	[sflag:s29] =	ssyncset.done $0x0  }
0x2d: {  	[sflag:s29] =	ssyncadd.s32 $0xFFFFE0C0  }
0x2e: {  	_ =	swait.ge [sflag:s8], $0x7D0  }
0x2f: {  	[sflag:s8] =	ssyncset.done $0x0  }
0x30: {  	[sflag:s8] =	ssyncadd.s32 $0xFFFFF830  }
0x31: {  	[bflag:$0x0] =	sbarrier.arrive $0xFFFF  }
0x32: {  	s5 =	rddreg [dreg:$0x18]  }
0x33: {  	[hbm:s5], [sflag:s26] =	dma.local [spmem:s12], $0x1400  }
0x34: {  	_ =	swait.ge [sflag:s17], $0x1400  }
0x35: {  	[sflag:s17] =	ssyncset.done $0x0  }
0x36: {  	s28 =	rddreg [dreg:$0x19];
	[sflag:s17] =	ssyncadd.s32 $0xFFFFEC00  }
0x37: {  	[hbm:s28], [sflag:s26] =	dma.local [spmem:s15], $0x500  }
0x38: {  	_ =	swait.ge [sflag:s17], $0x500  }
0x39: {  	s11 =	sadd.s32 $0x1, s11;
	s30 =	rddreg [dreg:$0x1a]  }
0x3a: {  	p0 =	sne.s32 s11, s30  }
.Ltmp1:
0x3b: {  	_ = 	snop;
	(pc) =	sbr.rel @!p0 .LBB2_23-.Ltmp1, $3  }
0x3c: {  	_ =	sdelay $0x1  }
0x3d: {  	[sflag:s17] =	ssyncset.done $0x0  }
0x3e: {  	[sflag:s17] =	ssyncadd.s32 $0xFFFFFB00  }
.LBB2_1:
0x3f: {  	s5 =	rddreg [dreg:$0x15]  }
0x40: {  	s10 =	rddreg [dreg:$0x12];
	s5 =	sshrl.u32 s5, $0x3  }
0x41: {  	[spmem:s5], [sflag:s26] =	dma.local [hbm:s10], $0x1400  }
0x42: {  	_ =	swait.ge [sflag:s17], $0x1400  }
0x43: {  	[sflag:s17] =	ssyncset.done $0x0;
	s30 =	rddreg [dreg:$0x16]  }
0x44: {  	[sflag:s17] =	ssyncadd.s32 $0xFFFFEC00;
	s12 =	sshrl.u32 s30, $0x3  }
0x45: {  	[spmem:s12], [sflag:s26] =	dma.local [hbm:s10], $0x1400  }
0x46: {  	_ =	swait.ge [sflag:s17], $0x1400  }
0x47: {  	[sflag:s17] =	ssyncset.done $0x0;
	s10 =	rddreg [dreg:$0x17]  }
0x48: {  	s14 =	rddreg [dreg:$0x13];
	[sflag:s17] =	ssyncadd.s32 $0xFFFFEC00;
	s15 =	sshrl.u32 s10, $0x3  }
0x49: {  	[spmem:s15], [sflag:s26] =	dma.local [hbm:s14], $0x500  }
0x4a: {  	_ =	swait.ge [sflag:s17], $0x500  }
0x4b: {  	[sflag:s17] =	ssyncset.done $0x0  }
0x4c: {  	s16 =	rddreg [dreg:$0x14];
	[sflag:s17] =	ssyncadd.s32 $0xFFFFFB00  }
0x4d: {  	[tilespmem:s18], [sflag:$0xB] =	stream.linear.gather [hbm4b:s16+s20], $0x7D0, $0x38;
	[tilespmem:$0x1FCD0] =	vst v63  }
0x4e: {  	_ =	swait.ge [sflag:s17], $0x7D0  }
0x4f: {  	[sflag:s17] =	ssyncset.done $0x0  }
0x50: {  	[sflag:s17] =	ssyncadd.s32 $0xFFFFF830  }
0x51: {  	[bflag:$0x0] =	sbarrier.arrive $0xFFFF  }
0x52: {  	s19 =	rddreg [dreg:$0x6]  }
0x53: {  	[tilespmem:s20], [sflag:$0x1] =	stream.linear.gather [hbm4b:s19+s20], $0x80, $0x38;
	[tilespmem:$0x1FCD0] =	vst v63  }
0x54: {  	s23 =	simm.s32 $0x300;
	s22 =	rddreg [dreg:$0x7]  }
0x55: {  	[tilespmem:s23], [sflag:$0x1] =	stream.linear.gather [hbm4b:s22+s20], $0x80, $0x38;
	[tilespmem:$0x1FCD0] =	vst v63  }
0x56: {  	s10 =	simm.s32 $0x80;
	s28 =	rddreg [dreg:$0xd]  }
0x57: {  	[tilespmem:s10], [sflag:$0x2] =	stream.linear.gather [hbm4b:s28+s20], $0x80, $0x38;
	[tilespmem:$0x1FCD0] =	vst v63  }
0x58: {  	s14 =	simm.s32 $0x380;
	s30 =	rddreg [dreg:$0x8]  }
0x59: {  	[tilespmem:s14], [sflag:$0x2] =	stream.linear.gather [hbm4b:s30+s20], $0x80, $0x38;
	[tilespmem:$0x1FCD0] =	vst v63  }
0x5a: {  	s16 =	rddreg [dreg:$0xe];
	s19 =	simm.s32 $0x100  }
0x5b: {  	[tilespmem:s19], [sflag:$0x3] =	stream.linear.gather [hbm4b:s16+s20], $0x80, $0x38;
	[tilespmem:$0x1FCD0] =	vst v63  }
0x5c: {  	s22 =	rddreg [dreg:$0x9];
	s23 =	simm.s32 $0x400  }
0x5d: {  	[tilespmem:s23], [sflag:$0x3] =	stream.linear.gather [hbm4b:s22+s20], $0x80, $0x38;
	[tilespmem:$0x1FCD0] =	vst v63  }
0x5e: {  	_ =	swait.ge [sflag:s31], $0x80  }
0x5f: {  	[sflag:s31] =	ssyncset.done $0x0  }
0x60: {  	[sflag:s31] =	ssyncadd.s32 $0xFFFFFF80  }
0x61: {  	_ =	swait.ge [sflag:s31], $0x80  }
0x62: {  	[sflag:s31] =	ssyncset.done $0x0  }
0x63: {  	s28 =	simm.s32 $0x600;
	[sflag:s31] =	ssyncadd.s32 $0xFFFFFF80  }
0x64: {  	[tilespmem:s28], [sflag:$0x4] =	stream.indirect.gather [hbm4b:s1+s0], $0x40, s20, s0, $0xb8;
	[tilespmem:$0x1FCD0] =	vst v63  }
0x65: {  	_ =	swait.ge [sflag:s9], $0x80  }
0x66: {  	[sflag:s9] =	ssyncset.done $0x0  }
.Ltmp2:
0x67: {  	[sflag:s9] =	ssyncadd.s32 $0xFFFFFF80;
	(pc) =	sbr.rel .LBB2_2-.Ltmp2, $4  }
0x68: {  	_ =	swait.ge [sflag:s9], $0x80  }
0x69: {  	s30 =	simm.s32 $0x2540;
	[sflag:s9] =	ssyncset.done $0x0;
	s5 =	rddreg [dreg:$0x1b]  }
0x6a: {  	s16 =	simm.s32 $0x0;
	s14 =	rddreg [dreg:$0x1d];
	[sflag:s9] =	ssyncadd.s32 $0xFFFFFF80  }
0x6b: {  	[tilespmem:s30], [sflag:$0x5] =	stream.indirect.gather [hbm4b:s1+s0], $0x40, s10, s0, $0xb8;
	[tilespmem:$0x1FCD0] =	vst v63  }
.LBB2_3:
0x6c: {  	s22 =	sadd.s32 $0x3, s16  }
0x6d: {  	s23 =	smul.u32 $0xAB, s22;
	_ =	sdelay $0x1  }
0x6e: {  	s28 =	sshrl.u32 s23, $0x9  }
0x6f: {  	s23 =	sshrl.u32 s23, $0xA;
	s28 =	sand.u32 $0x7F, s28  }
0x70: {  	s23 =	sand.u32 $0x3F, s23;
	s28 =	smul.u32 $0x3, s28  }
0x71: {  	s23 =	smul.u32 $0x6, s23;
	_ =	sdelay $0x1  }
0x72: {  	s28 =	ssub.s32 s22, s28;
	s22 =	ssub.s32 s22, s23  }
0x73: {  	s30 =	sand.u32 $0xFF, s28;
	s22 =	sand.u32 $0xFF, s22  }
0x74: {  	s23 =	sadd.s32 $0x1, s30;
	s22 =	sshll.u32 s22, $0x7  }
0x75: {  	[tilespmem:s22], [sflag:s23] =	stream.linear.gather [hbm4b:s5+s20], $0x80, $0x38;
	[tilespmem:$0x1FCD0] =	vst v63  }
0x76: {  	s10 =	smov.u32 @p0 s16;
	s22 =	sadd.s32 $0x300, s22  }
0x77: {  	[tilespmem:s22], [sflag:s23] =	stream.linear.gather [hbm4b:s14+s20], $0x80, $0x38;
	[tilespmem:$0x1FCD0] =	vst v63  }
0x78: {  	s22 =	smov.u32 s10  }
.LBB2_5:
0x79: {  	s10 =	sadd.s32 $0x2, s16  }
0x7a: {  	s23 =	smul.u32 $0xAB, s10;
	_ =	sdelay $0x1  }
0x7b: {  	s28 =	sshrl.u32 s23, $0x9  }
0x7c: {  	s28 =	sand.u32 $0x7F, s28  }
0x7d: {  	s28 =	smul.u32 $0x3, s28;
	_ =	sdelay $0x1  }
0x7e: {  	s28 =	ssub.s32 s10, s28  }
0x7f: {  	s28 =	sand.u32 $0xFF, s28  }
0x80: {  	s19 =	sand.u32 $0x3, s10;
	s23 =	sshrl.u32 s23, $0xA;
	s30 =	sadd.s32 $0x1, s28  }
0x81: {  	s19 =	smul.u32 $0x7D00, s19;
	s23 =	sand.u32 $0x3F, s23;
	_ =	swait.ge [sflag:s30], $0x80  }
0x82: {  	s23 =	smul.u32 $0x6, s23;
	[sflag:s30] =	ssyncset.done $0x0  }
0x83: {  	[sflag:s30] =	ssyncadd.s32 $0xFFFFFF80  }
0x84: {  	s19 =	sshrl.u32 s19, $0x2;
	s10 =	ssub.s32 s10, s23;
	_ =	swait.ge [sflag:s30], $0x80  }
0x85: {  	s19 =	sadd.s32 $0x600, s19;
	s10 =	sand.u32 $0xFF, s10;
	[sflag:s30] =	ssyncset.done $0x0  }
0x86: {  	s10 =	sshll.u32 s10, $0x7;
	[sflag:s30] =	ssyncadd.s32 $0xFFFFFF80;
	s30 =	sor.u32 $0x4, s28  }
0x87: {  	[tilespmem:s19], [sflag:s30] =	stream.indirect.gather [hbm4b:s1+s0], $0x40, s10, s0, $0xb8;
	[tilespmem:$0x1FCD0] =	vst v63  }
0x88: {  	s10 =	smov.u32 s22  }
.LBB2_6:
0x89: {  	s19 =	smul.u32 $0xAB, s16;
	_ =	sdelay $0x1  }
0x8a: {  	s22 =	sshrl.u32 s19, $0x9  }
0x8b: {  	s22 =	sand.u32 $0x7F, s22  }
0x8c: {  	s23 =	sand.u32 $0x3, s16;
	s19 =	sshrl.u32 s19, $0xA;
	s22 =	smul.u32 $0x3, s22  }
0x8d: {  	s23 =	smul.u32 $0x7D00, s23;
	s19 =	sand.u32 $0x3F, s19  }
0x8e: {  	s19 =	smul.u32 $0x6, s19;
	s22 =	ssub.s32 s16, s22  }
0x8f: {  	s28 =	sadd.s32 $0x9, s10;
	s23 =	sshrl.u32 s23, $0x2;
	s22 =	sor.u32 $0x4, s22  }
0x90: {  	s19 =	ssub.s32 s16, s19;
	s16 =	sadd.s32 $0x1, s16;
	s22 =	sand.u32 $0xFF, s22  }
0x91: {  	s19 =	sand.u32 $0xFF, s19;
	p0 =	sne.s32 s16, $0xA0;
	_ =	swait.ge [sflag:s22], $0x1F40  }
.Ltmp3:
0x92: {  	s19 =	sshll.u32 s19, $0x7;
	[sflag:s22] =	ssyncset.done $0x0;
	(pc) =	sbr.rel @!p0 .LBB2_7-.Ltmp3, $4  }
0x93: {  	s19 =	sadd.s32 $0x300, s19;
	[sflag:s22] =	ssyncadd.s32 $0xFFFFE0C0;
	s22 =	sadd.s32 $0x600, s23  }
0x94: {  	[spmem:s2] =	stream.indirect.scatter.add.f32 [tilespmem:s22], [sflag:s28], $0x40, s19, s0, $0xb8;
	[tilespmem:$0x1FCD0] =	vst v63  }
0x95: {  	s30 =	sadd.s32 $0x7, s10;
	s14 =	sadd.s32 $0x10, s14;
	s5 =	sadd.s32 $0x10, s5  }
0x96: {  	[spmem:s4] =	stream.indirect.scatter.add.f32 [tilespmem:s18], [sflag:s30], $0x10, s19, s0, $0xb8;
	[tilespmem:$0x1FCD0] =	vst v63  }
.LBB2_2:
0x97: {  	p0 =	slt.u32 s16, $0x2  }
0x98: {  	s10 =	sand.u32 @!p0 $0x1, s16  }
0x99: {  	p1 =	sgt.u32 @!p0 s16, $0x9C;
	s22 =	sadd.s32 @!p0 $0x9, s10  }
0x9a: {  	p1 =	por p0, !p1;
	_ =	swait.ge @!p0 [sflag:s22], $0x1F40  }
.Ltmp4:
0x9b: {  	[sflag:s22] =	ssyncset.done @!p0 $0x0;
	(pc) =	sbr.rel @p1 .LBB2_3-.Ltmp4, $4  }
0x9c: {  	[sflag:s22] =	ssyncadd.s32 @!p0 $0xFFFFE0C0;
	s22 =	sadd.s32 @!p0 $0x7, s10  }
0x9d: {  	_ =	swait.ge @!p0 [sflag:s22], $0x7D0  }
0x9e: {  	[sflag:s22] =	ssyncset.done @!p0 $0x0  }
0x9f: {  	[sflag:s22] =	ssyncadd.s32 @!p0 $0xFFFFF830  }
0xa0: {  	p0 =	sne.s32 s16, $0x9D  }
.Ltmp5:
0xa1: {  	_ = 	snop;
	(pc) =	sbr.rel @p0 .LBB2_6-.Ltmp5, $4  }
.Ltmp6:
0xa2: {  	_ = 	snop;
	(pc) =	sbr.rel @!p0 .LBB2_5-.Ltmp6, $4  }
0xa3: {  	_ = 	snop  }
0xa4: {  	_ = 	snop  }
0xa5: {  	s22 =	simm.s32 $0x1  }
0xa6: {  	_ = 	snop  }
.LBB2_7:
0xa7: {  	_ =	swait.ge [sflag:s24], $0x1F40  }
0xa8: {  	[sflag:s24] =	ssyncset.done $0x0  }
0xa9: {  	[sflag:s24] =	ssyncadd.s32 $0xFFFFE0C0  }
0xaa: {  	_ =	swait.ge [sflag:s29], $0x1F40  }
0xab: {  	[sflag:s29] =	ssyncset.done $0x0  }
0xac: {  	s5 =	simm.s32 $0x7;
	[sflag:s29] =	ssyncadd.s32 $0xFFFFE0C0  }
0xad: {  	_ =	swait.ge [sflag:s5], $0x7D0  }
0xae: {  	[sflag:s5] =	ssyncset.done $0x0  }
0xaf: {  	s22 =	simm.s32 $0x8;
	[sflag:s5] =	ssyncadd.s32 $0xFFFFF830  }
0xb0: {  	_ =	swait.ge [sflag:s22], $0x7D0  }
0xb1: {  	[sflag:s22] =	ssyncset.done $0x0  }
0xb2: {  	[sflag:s22] =	ssyncadd.s32 $0xFFFFF830  }
0xb3: {  	[bflag:$0x0] =	sbarrier.arrive $0xFFFF  }
0xb4: {  	s10 =	simm.s32 $0x600;
	s23 =	rddreg [dreg:$0x15]  }
0xb5: {  	[tilespmem:s10], [sflag:$0x4] =	stream.linear.gather [spmem:s23], $0x1400, $0x38;
	[tilespmem:$0x1FCD0] =	vst v63  }
0xb6: {  	s30 =	simm.s32 $0x8AD0;
	s14 =	simm.s32 $0x0;
	s28 =	rddreg [dreg:$0x17]  }
0xb7: {  	[tilespmem:s30], [sflag:$0x1] =	stream.linear.gather [spmem:s28], $0x500, $0x38;
	[tilespmem:$0x1FCD0] =	vst v63  }
.LBB2_8:
0xb8: {  	p0 =	seq.s32 s14, $0x0  }
0xb9: {  	p1 =	seq.s32 @!p0 s14, $0x7  }
0xba: {  	s16 =	sand.u32 @!p0 $0x1, s14;
	p1 =	por p0, !p1  }
.Ltmp7:
0xbb: {  	s5 =	sxor.u32 @!p0 $0x1, s16;
	(pc) =	sbr.rel @p1 .LBB2_10-.Ltmp7, $4  }
0xbc: {  	s5 =	sadd.s32 @!p0 $0x9, s5  }
0xbd: {  	_ =	swait.ge @!p0 [sflag:s5], $0x1400  }
0xbe: {  	[sflag:s5] =	ssyncset.done @!p0 $0x0  }
0xbf: {  	[sflag:s5] =	ssyncadd.s32 @!p0 $0xFFFFEC00  }
.Ltmp8:
0xc0: {  	(pc) =	sbr.rel .LBB2_11-.Ltmp8, $2  }
0xc1: {  	_ =	sdelay $0x2  }
0xc2: {  	s5 =	simm.s32 @!p0 $0x8;
	s16 =	simm.s32 @!p0 $0x1  }
.LBB2_10:
0xc3: {  	s5 =	sadd.s32 @!p0 $0x1, s14  }
0xc4: {  	s5 =	simm.s32 @p0 $0x1  }
0xc5: {  	s10 =	smul.u32 $0xAB, s5  }
0xc6: {  	s19 =	smul.u32 $0x50, s5;
	s22 =	sand.u32 $0x1, s5  }
0xc7: {  	s23 =	smul.u32 $0x7D00, s22;
	s10 =	sshrl.u32 s10, $0x9  }
0xc8: {  	s22 =	smul.u32 $0x1400, s22;
	s10 =	sand.u32 $0x7F, s10  }
0xc9: {  	s19 =	sadd.s32 s7, s19;
	s10 =	smul.u32 $0x3, s10  }
0xca: {  	s16 =	simm.s32 @p0 $0x0;
	s28 =	sshll.u32 s19, $0x6;
	s23 =	sshrl.u32 s23, $0x2  }
0xcb: {  	s19 =	sshll.u32 s19, $0x4;
	s22 =	sshrl.u32 s22, $0x2;
	s10 =	ssub.s32 s5, s10  }
0xcc: {  	s28 =	sand.u32 $0x3FFFFFC0, s28;
	s23 =	sadd.s32 $0x600, s23;
	s10 =	sand.u32 $0xFF, s10  }
0xcd: {  	s19 =	sand.u32 $0x3FFFFFF0, s19;
	s28 =	sadd.s32 s28, s2;
	s30 =	sor.u32 $0x4, s10  }
0xce: {  	[tilespmem:s23], [sflag:s30] =	stream.linear.gather [spmem:s28], $0x1400, $0x38;
	[tilespmem:$0x1FCD0] =	vst v63  }
0xcf: {  	s22 =	sadd.s32 $0x8AD0, s22;
	s19 =	sadd.s32 s19, s4;
	s10 =	sadd.s32 $0x1, s10  }
0xd0: {  	[tilespmem:s22], [sflag:s10] =	stream.linear.gather [spmem:s19], $0x500, $0x38;
	[tilespmem:$0x1FCD0] =	vst v63  }
.LBB2_11:
0xd1: {  	s10 =	smul.u32 $0xAB, s14;
	_ =	sdelay $0x1  }
0xd2: {  	s10 =	sshrl.u32 s10, $0x9  }
0xd3: {  	s10 =	sand.u32 $0x7F, s10  }
0xd4: {  	s10 =	smul.u32 $0x3, s10;
	_ =	sdelay $0x1  }
0xd5: {  	s19 =	smul.u32 $0x1400, s16;
	s10 =	ssub.s32 s14, s10  }
0xd6: {  	s10 =	sand.u32 $0xFF, s10  }
0xd7: {  	s19 =	sshrl.u32 s19, $0x2;
	s22 =	sor.u32 $0x4, s10  }
0xd8: {  	s19 =	sadd.s32 $0x8AD0, s19;
	_ =	swait.ge [sflag:s22], $0x1400  }
0xd9: {  	v0 =	vmov s19;
	[sflag:s22] =	ssyncset.done $0x0  }
0xda: {  	s10 =	sadd.s32 $0x1, s10;
	[sflag:s22] =	ssyncadd.s32 $0xFFFFEC00  }
0xdb: {  	_ =	swait.ge [sflag:s10], $0x500  }
0xdc: {  	[sflag:s10] =	ssyncset.done $0x0  }
0xdd: {  	s23 =	simm.s32 $0x0;
	[sflag:s10] =	ssyncadd.s32 $0xFFFFFB00  }
0xde: {  	v1 =	vld.idx.msk [tilespmem:v0+s23+$0x0 ss:$0x1], $0xffff;
	_ =	sdelay $0x4  }
0xdf: {  	vm0 =	veq.f32 v1, $0.0e+00  }
0xe0: {  	v1 =	vsel vm0, $0x3F800000, v1  }
0xe1: {  	(erf) = vrcp.f32 v1  }
0xe2: {  	s30 =	smul.u32 $0x7D00, s16;
	_ =	sdelay $0x1  }
0xe3: {  	s10 =	sshrl.u32 s30, $0x2  }
0xe4: {  	s22 =	sadd.s32 $0x620, s10  }
0xe5: {  	v1 =	vld [tilespmem:s22+$0xFFFFFFE0]  }
0xe6: {  	v2 =	vld [tilespmem:s22+$0xFFFFFFF0]  }
0xe7: {  	v3 =	vld [tilespmem:s22+$0x0]  }
0xe8: {  	v4 =	vld [tilespmem:s22+$0x10]  }
0xe9: {  	v5 =	vpop (erf)  }
0xea: {  	v1 =	vmul.f32 v5, v1  }
0xeb: {  	v2 =	vmul.f32 v5, v2  }
0xec: {  	v3 =	vmul.f32 v3, v5;
	[tilespmem:s22+$0xFFFFFFE0] =	vst v1  }
0xed: {  	v1 =	vmul.f32 v4, v5;
	[tilespmem:s22+$0xFFFFFFF0] =	vst v2  }
0xee: {  	[tilespmem:s22+$0x0] =	vst v3  }
0xef: {  	s28 =	simm.s32 $0x10;
	s10 =	sadd.s32 $0x600, s10;
	s23 =	simm.s32 $0x80;
	[tilespmem:s22+$0x10] =	vst v1  }
.LBB2_12:
0xf0: {  	p0 =	sne.s32 s23, $0x13C0;
	v1 =	vld.idx.msk [tilespmem:v0+s28+$0x0 ss:$0x1], $0xffff;
	_ =	sdelay $0x5  }
0xf1: {  	vm0 =	veq.f32 v1, $0.0e+00  }
0xf2: {  	v1 =	vsel vm0, $0x3F800000, v1  }
0xf3: {  	(erf) = vrcp.f32 v1;
	_ =	sdelay $0x1  }
0xf4: {  	s22 =	sadd.s32 $0x40, s22  }
0xf5: {  	v1 =	vld [tilespmem:s22+$0xFFFFFFF0]  }
0xf6: {  	v2 =	vld [tilespmem:s22+$0x10]  }
0xf7: {  	v3 =	vld [tilespmem:s22+$0xFFFFFFE0]  }
0xf8: {  	v4 =	vld [tilespmem:s22+$0x0];
	_ =	sdelay $0x2  }
0xf9: {  	v5 =	vpop (erf)  }
0xfa: {  	v3 =	vmul.f32 v5, v3;
	v1 =	vmul.f32 v5, v1  }
.Ltmp9:
0xfb: {  	v2 =	vmul.f32 v2, v5;
	v4 =	vmul.f32 v4, v5;
	(pc) =	sbr.rel @p0 .LBB2_12-.Ltmp9, $4  }
0xfc: {  	[tilespmem:s22+$0xFFFFFFE0] =	vst v3  }
0xfd: {  	[tilespmem:s22+$0xFFFFFFF0] =	vst v1  }
0xfe: {  	[tilespmem:s22+$0x0] =	vst v4  }
0xff: {  	s28 =	sshra.s32 s23, $0x2;
	s23 =	sadd.s32 $0x40, s23;
	[tilespmem:s22+$0x10] =	vst v2  }
0x100: {  	_ =	sdelay $0x3  }
0x101: {  	v0 =	vld.idx.msk [tilespmem:v0+s28+$0x0 ss:$0x1], $0xffff;
	_ =	sdelay $0x4  }
0x102: {  	vm0 =	veq.f32 v0, $0.0e+00  }
0x103: {  	v0 =	vsel vm0, $0x3F800000, v0  }
0x104: {  	(erf) = vrcp.f32 v0;
	_ =	sdelay $0x3  }
0x105: {  	s19 =	sadd.s32 $0x40, s22  }
0x106: {  	v62 =	vld [tilespmem:s19+$0xFFFFFFE0]  }
0x107: {  	v1 =	vld [tilespmem:s19+$0xFFFFFFF0]  }
0x108: {  	v2 =	vld [tilespmem:s19+$0x0]  }
0x109: {  	v3 =	vld [tilespmem:s19+$0x10]  }
0x10a: {  	v4 =	vpop (erf)  }
0x10b: {  	v0 =	vmul.f32 v4, v62  }
0x10c: {  	s14 =	smul.u32 $0x50, s14;
	v1 =	vmul.f32 v4, v1  }
0x10d: {  	p0 =	slt.u32 s5, $0x8;
	v2 =	vmul.f32 v2, v4;
	[tilespmem:s19+$0xFFFFFFE0] =	vst v0  }
.Ltmp10:
0x10e: {  	s14 =	sadd.s32 s14, s21;
	v63 =	vmul.f32 v3, v4;
	[tilespmem:s19+$0xFFFFFFF0] =	vst v1;
	(pc) =	sbr.rel @p0 .LBB2_8-.Ltmp10, $4  }
0x10f: {  	s14 =	sshll.u32 s14, $0x3;
	[tilespmem:s19+$0x0] =	vst v2  }
0x110: {  	s16 =	sadd.s32 $0x9, s16;
	s14 =	sadd.s32 s25, s14;
	[tilespmem:s19+$0x10] =	vst v63  }
0x111: {  	[hbm4b:s14+s20] =	stream.linear.scatter [tilespmem:s10], [sflag:s16], $0x1400, $0x38;
	[tilespmem:$0x1FCD0] =	vst v63  }
0x112: {  	s14 =	smov.u32 s5  }
0x113: {  	_ =	swait.ge [sflag:s29], $0x1400  }
0x114: {  	[sflag:s29] =	ssyncset.done $0x0  }
0x115: {  	s5 =	rddreg [dreg:$0x13];
	[sflag:s29] =	ssyncadd.s32 $0xFFFFEC00  }
0x116: {  	[spmem:s15], [sflag:s26] =	dma.local [hbm:s5], $0x500  }
0x117: {  	_ =	swait.ge [sflag:s17], $0x500  }
0x118: {  	[sflag:s17] =	ssyncset.done $0x0  }
0x119: {  	[sflag:s17] =	ssyncadd.s32 $0xFFFFFB00  }
0x11a: {  	[bflag:$0x0] =	sbarrier.arrive $0xFFFF  }
0x11b: {  	s5 =	simm.s32 $0x0;
	s10 =	rddreg [dreg:$0xf]  }
0x11c: {  	[tilespmem:s5], [sflag:$0x1] =	stream.linear.gather [hbm4b:s10+s5], $0x80, $0x38;
	[tilespmem:$0x1FCD0] =	vst v63  }
0x11d: {  	s14 =	simm.s32 $0x300;
	s23 =	rddreg [dreg:$0xa]  }
0x11e: {  	[tilespmem:s14], [sflag:$0x1] =	stream.linear.gather [hbm4b:s23+s5], $0x80, $0x38;
	[tilespmem:$0x1FCD0] =	vst v63  }
0x11f: {  	s28 =	rddreg [dreg:$0x10];
	s14 =	simm.s32 $0x80  }
0x120: {  	[tilespmem:s14], [sflag:$0x2] =	stream.linear.gather [hbm4b:s28+s5], $0x80, $0x38;
	[tilespmem:$0x1FCD0] =	vst v63  }
0x121: {  	s16 =	simm.s32 $0x380;
	s30 =	rddreg [dreg:$0xb]  }
0x122: {  	[tilespmem:s16], [sflag:$0x2] =	stream.linear.gather [hbm4b:s30+s5], $0x80, $0x38;
	[tilespmem:$0x1FCD0] =	vst v63  }
0x123: {  	s19 =	simm.s32 $0x100;
	s16 =	rddreg [dreg:$0x11]  }
0x124: {  	[tilespmem:s19], [sflag:$0x3] =	stream.linear.gather [hbm4b:s16+s5], $0x80, $0x38;
	[tilespmem:$0x1FCD0] =	vst v63  }
0x125: {  	s22 =	rddreg [dreg:$0xc];
	s23 =	simm.s32 $0x400  }
0x126: {  	[tilespmem:s23], [sflag:$0x3] =	stream.linear.gather [hbm4b:s22+s5], $0x80, $0x38;
	[tilespmem:$0x1FCD0] =	vst v63  }
0x127: {  	_ =	swait.ge [sflag:s31], $0x80  }
0x128: {  	[sflag:s31] =	ssyncset.done $0x0  }
0x129: {  	[sflag:s31] =	ssyncadd.s32 $0xFFFFFF80  }
0x12a: {  	_ =	swait.ge [sflag:s31], $0x80  }
0x12b: {  	[sflag:s31] =	ssyncset.done $0x0  }
0x12c: {  	s28 =	simm.s32 $0x600;
	[sflag:s31] =	ssyncadd.s32 $0xFFFFFF80  }
0x12d: {  	[tilespmem:s28], [sflag:$0x4] =	stream.indirect.gather [hbm4b:s25+s0], $0x40, s5, s0, $0xb8;
	[tilespmem:$0x1FCD0] =	vst v63  }
0x12e: {  	_ =	swait.ge [sflag:s9], $0x80  }
0x12f: {  	[sflag:s9] =	ssyncset.done $0x0  }
0x130: {  	[sflag:s9] =	ssyncadd.s32 $0xFFFFFF80  }
.Ltmp11:
0x131: {  	_ =	swait.ge [sflag:s9], $0x80;
	(pc) =	sbr.rel .LBB2_15-.Ltmp11, $4  }
0x132: {  	[sflag:s9] =	ssyncset.done $0x0  }
0x133: {  	s30 =	simm.s32 $0x2540;
	s16 =	rddreg [dreg:$0x1e];
	[sflag:s9] =	ssyncadd.s32 $0xFFFFFF80  }
0x134: {  	[tilespmem:s30], [sflag:$0x5] =	stream.indirect.gather [hbm4b:s25+s0], $0x40, s14, s0, $0xb8;
	[tilespmem:$0x1FCD0] =	vst v63  }
0x135: {  	s14 =	rddreg [dreg:$0x1c]  }
.LBB2_16:
0x136: {  	p0 =	seq.s32 s6, s5;
	s10 =	smov.u32 s5  }
.LBB2_18:
0x137: {  	s19 =	sadd.s32 $0x3, s5  }
0x138: {  	s22 =	smul.u32 $0xAB, s19;
	_ =	sdelay $0x1  }
0x139: {  	s23 =	sshrl.u32 s22, $0x9  }
0x13a: {  	s22 =	sshrl.u32 s22, $0xA;
	s23 =	sand.u32 $0x7F, s23  }
0x13b: {  	s22 =	sand.u32 $0x3F, s22;
	s23 =	smul.u32 $0x3, s23  }
0x13c: {  	s22 =	smul.u32 $0x6, s22;
	_ =	sdelay $0x1  }
0x13d: {  	s23 =	ssub.s32 s19, s23;
	s19 =	ssub.s32 s19, s22  }
0x13e: {  	s30 =	sand.u32 $0xFF, s23;
	s19 =	sand.u32 $0xFF, s19  }
0x13f: {  	s22 =	sadd.s32 $0x1, s30;
	s19 =	sshll.u32 s19, $0x7  }
0x140: {  	[tilespmem:s19], [sflag:s22] =	stream.linear.gather [hbm4b:s14+s20], $0x80, $0x38;
	[tilespmem:$0x1FCD0] =	vst v63  }
0x141: {  	s19 =	sadd.s32 $0x300, s19  }
0x142: {  	[tilespmem:s19], [sflag:s22] =	stream.linear.gather [hbm4b:s16+s20], $0x80, $0x38;
	[tilespmem:$0x1FCD0] =	vst v63  }
0x143: {  	s22 =	smov.u32 s10  }
.LBB2_20:
0x144: {  	s10 =	sadd.s32 $0x2, s5  }
0x145: {  	s19 =	smul.u32 $0xAB, s10;
	_ =	sdelay $0x1  }
0x146: {  	s23 =	sshrl.u32 s19, $0x9  }
0x147: {  	s23 =	sand.u32 $0x7F, s23  }
0x148: {  	s23 =	smul.u32 $0x3, s23;
	_ =	sdelay $0x1  }
0x149: {  	s23 =	ssub.s32 s10, s23  }
0x14a: {  	s23 =	sand.u32 $0xFF, s23  }
0x14b: {  	s30 =	sand.u32 $0x3, s10;
	s19 =	sshrl.u32 s19, $0xA;
	s28 =	sadd.s32 $0x1, s23  }
0x14c: {  	s30 =	smul.u32 $0x7D00, s30;
	s19 =	sand.u32 $0x3F, s19;
	_ =	swait.ge [sflag:s28], $0x80  }
0x14d: {  	s19 =	smul.u32 $0x6, s19;
	[sflag:s28] =	ssyncset.done $0x0  }
0x14e: {  	[sflag:s28] =	ssyncadd.s32 $0xFFFFFF80  }
0x14f: {  	s30 =	sshrl.u32 s30, $0x2;
	s10 =	ssub.s32 s10, s19;
	_ =	swait.ge [sflag:s28], $0x80  }
0x150: {  	s19 =	sadd.s32 $0x600, s30;
	s10 =	sand.u32 $0xFF, s10;
	[sflag:s28] =	ssyncset.done $0x0  }
0x151: {  	s10 =	sshll.u32 s10, $0x7;
	s23 =	sor.u32 $0x4, s23;
	[sflag:s28] =	ssyncadd.s32 $0xFFFFFF80  }
0x152: {  	[tilespmem:s19], [sflag:s23] =	stream.indirect.gather [hbm4b:s25+s0], $0x40, s10, s0, $0xb8;
	[tilespmem:$0x1FCD0] =	vst v63  }
0x153: {  	s10 =	smov.u32 s22  }
.LBB2_21:
0x154: {  	s19 =	smul.u32 $0xAB, s5;
	_ =	sdelay $0x1  }
0x155: {  	s22 =	sshrl.u32 s19, $0x9  }
0x156: {  	s22 =	sand.u32 $0x7F, s22  }
0x157: {  	s19 =	sshrl.u32 s19, $0xA;
	s22 =	smul.u32 $0x3, s22  }
0x158: {  	s19 =	sand.u32 $0x3F, s19  }
0x159: {  	s19 =	smul.u32 $0x6, s19;
	s22 =	ssub.s32 s5, s22  }
0x15a: {  	s23 =	sand.u32 $0x3, s5;
	s30 =	sadd.s32 $0x9, s10;
	s22 =	sor.u32 $0x4, s22  }
0x15b: {  	s23 =	smul.u32 $0x7D00, s23;
	s19 =	ssub.s32 s5, s19;
	s22 =	sand.u32 $0xFF, s22  }
0x15c: {  	s10 =	sadd.s32 @p0 $0x7, s10;
	s19 =	sand.u32 $0xFF, s19;
	_ =	swait.ge [sflag:s22], $0x1F40  }
0x15d: {  	s28 =	sshrl.u32 s23, $0x2;
	s19 =	sshll.u32 s19, $0x7;
	[sflag:s22] =	ssyncset.done $0x0  }
0x15e: {  	s19 =	sadd.s32 $0x300, s19;
	[sflag:s22] =	ssyncadd.s32 $0xFFFFE0C0;
	s22 =	sadd.s32 $0x600, s28  }
0x15f: {  	[spmem:s3] =	stream.indirect.scatter.add.f32 [tilespmem:s22], [sflag:s30], $0x40, s19, s0, $0xb8;
	[tilespmem:$0x1FCD0] =	vst v63  }
0x160: {  	s23 =	simm.s32 @p0 $0x8300;
	s5 =	sadd.s32 $0x1, s5;
	s22 =	simm.s32 @p0 $0x7D  }
0x161: {  	[spmem:s4] =	stream.indirect.scatter.add.f32 @p0 [tilespmem:s23], [sflag:s10], $0x10, s19, s22, $0xb8;
	[tilespmem:$0x1FCD0] =	vst v63  }
0x162: {  	p0 =	sne.s32 s5, $0xA0  }
.Ltmp12:
0x163: {  	_ = 	snop;
	(pc) =	sbr.rel @!p0 .LBB2_22-.Ltmp12, $2  }
0x164: {  	_ =	sdelay $0x2  }
0x165: {  	s16 =	sadd.s32 $0x10, s16;
	s14 =	sadd.s32 $0x10, s14  }
.LBB2_15:
0x166: {  	p0 =	sgt.u32 s5, $0x1  }
.Ltmp13:
0x167: {  	_ = 	snop;
	(pc) =	sbr.rel @!p0 .LBB2_16-.Ltmp13, $1  }
0x168: {  	_ =	sdelay $0x3  }
0x169: {  	s10 =	sand.u32 $0x1, s5  }
0x16a: {  	s19 =	sadd.s32 $0x9, s10  }
0x16b: {  	p2 =	sgt.u32 s5, $0x9C;
	_ =	swait.ge [sflag:s19], $0x1F40  }
.Ltmp14:
0x16c: {  	[sflag:s19] =	ssyncset.done $0x0;
	(pc) =	sbr.rel @!p2 .LBB2_18-.Ltmp14, $4  }
0x16d: {  	p1 =	sne.s32 s10, s6;
	[sflag:s19] =	ssyncadd.s32 $0xFFFFE0C0  }
0x16e: {  	_ =	swait.ge @!p1 [sflag:s13], $0x7D0  }
0x16f: {  	[sflag:s13] =	ssyncset.done @!p1 $0x0  }
0x170: {  	p0 =	seq.s32 s10, s6;
	[sflag:s13] =	ssyncadd.s32 @!p1 $0xFFFFF830  }
0x171: {  	p1 =	sne.s32 s5, $0x9D  }
.Ltmp15:
0x172: {  	_ = 	snop;
	(pc) =	sbr.rel @p1 .LBB2_21-.Ltmp15, $4  }
.Ltmp16:
0x173: {  	_ = 	snop;
	(pc) =	sbr.rel @!p1 .LBB2_20-.Ltmp16, $4  }
0x174: {  	_ = 	snop  }
0x175: {  	_ = 	snop  }
0x176: {  	s22 =	simm.s32 $0x1  }
0x177: {  	_ = 	snop  }
.LBB2_23:
0x178: {  	_ =	sfence.sel $0x180000  }
0x179: {  	[bflag:$0x0] =	sbarrier.arrive $0xFFFF  }
0x17a: {  	_ =	strace $0x90000047  }
0x17b: {  	s0 =	stileid.u32;
	[bflag:$0x2] =	sbarrier.arrive $0xFFFF  }
0x17c: {  	p0 =	sne.s32 s0, $0x0;
	s0 =	rddreg [dreg:$0x5]  }
0x17d: {  	s0 =	sadd.s32 @!p0 $0x100000, s0  }
0x17e: {  	[sflag:s0] =	ssyncadd.tile.s32 @!p0 $0x1;
	_ =	shalt  }
.Lfunc_end2:
_tile_overlayer_lowered:
.L_overlay_start_2:
0x17f: {  	(tag) =	ssettag $0x2  }
0x180: {  	s0 =	rddreg [dreg:$0x0];
	s2 =	stileid.u32  }
0x181: {  	s1 =	rddreg [dreg:$0x1];
	p0 =	sne.s32 s2, $0x0  }
0x182: {  	s3 =	rddreg [dreg:$0x2];
	[bflag:$0x3] =	sbarrier.arrive $0xFFFF;
	s2 =	simm.s32 @!p0 $0x1C0B  }
0x183: {  	[timem:s3], [sflag:s2] =	dma.local @!p0 [hbm:s0], s1  }
0x184: {  	s0 =	simm.s32 @!p0 $0xB  }
0x185: {  	_ =	swait.ge @!p0 [sflag:s0], s1  }
0x186: {  	s1 =	ssub.s32 @!p0 $0x0, s1;
	[sflag:s0] =	ssyncset.done @!p0 $0x0  }
0x187: {  	[sflag:s0] =	ssyncadd.s32 @!p0 s1  }
0x188: {  	[bflag:$0x3] =	sbarrier.arrive $0xFFFF  }
0x189: {  	_ =	shalt  }

</sc_bundles>
